<compile_context>
chip_gen: v7x
topology: tpu7x:2x2x1
jax: 0.10.2.dev20260603
libtpu: 0.0.44.dev20260713+nightly
codegen_flags: <defaults>
</compile_context>

<pallas_src>
import functools

import jax
import jax.numpy as jnp
from jax import lax
from jax.experimental import pallas as pl
from jax.experimental.pallas import tpu as pltpu
from jax.experimental.pallas import tpu_sc as plsc

N_NODES = 10000
D_IN = 128
D_H = 64
N_EDGES = 320000

NC = 2
NS = 16

EDGE_BATCH = 128
T_FAST = 108
T_SLOW = 50
TOTAL_BATCHES = NS * (T_FAST + T_SLOW)
E_PAD = TOTAL_BATCHES * EDGE_BATCH
SLOW_BASE = NS * T_FAST
ACC_ROWS = 10240
ZERO_ROWS = ACC_ROWS // NS


def _stage_edges(edges_hbm, src_v, dst_v, c, s):
    def stage(nb, base):
        pltpu.sync_copy(edges_hbm.at[0, pl.ds(base, nb)], src_v.at[pl.ds(0, nb)])
        pltpu.sync_copy(edges_hbm.at[1, pl.ds(base, nb)], dst_v.at[pl.ds(0, nb)])

    @pl.when(c == 0)
    def _():
        stage(T_FAST, s * T_FAST)

    @pl.when(c == 1)
    def _():
        stage(T_SLOW, SLOW_BASE + s * T_SLOW)


def _seg_pass(z_hbm, src_v, dst_v, buf0, buf1, acc, sem0, sem1, c):
    def run(nb):
        npairs = nb // 2
        pltpu.async_copy(z_hbm.at[src_v.at[0]], buf0, sem0)
        pltpu.async_copy(z_hbm.at[src_v.at[1]], buf1, sem1)

        def body(i, _):
            r = 2 * i
            pltpu.make_async_copy(z_hbm.at[src_v.at[r]], buf0, sem0).wait()
            pltpu.sync_copy(buf0, acc.at[dst_v.at[r]], add=True)
            pltpu.async_copy(z_hbm.at[src_v.at[r + 2]], buf0, sem0)
            pltpu.make_async_copy(z_hbm.at[src_v.at[r + 1]], buf1, sem1).wait()
            pltpu.sync_copy(buf1, acc.at[dst_v.at[r + 1]], add=True)
            pltpu.async_copy(z_hbm.at[src_v.at[r + 3]], buf1, sem1)
            return 0

        lax.fori_loop(0, npairs - 1, body, 0)
        r = nb - 2
        pltpu.make_async_copy(z_hbm.at[src_v.at[r]], buf0, sem0).wait()
        pltpu.sync_copy(buf0, acc.at[dst_v.at[r]], add=True)
        pltpu.make_async_copy(z_hbm.at[src_v.at[r + 1]], buf1, sem1).wait()
        pltpu.sync_copy(buf1, acc.at[dst_v.at[r + 1]], add=True)

    @pl.when(c == 0)
    def _():
        run(T_FAST)

    @pl.when(c == 1)
    def _():
        run(T_SLOW)


def _scratch_types(d):
    return [
        pltpu.VMEM((T_FAST, EDGE_BATCH), jnp.int32),
        pltpu.VMEM((T_FAST, EDGE_BATCH), jnp.int32),
        pltpu.VMEM((EDGE_BATCH, d), jnp.float32),
        pltpu.VMEM((EDGE_BATCH, d), jnp.float32),
        pltpu.VMEM_SHARED((ACC_ROWS, d), jnp.float32),
        pltpu.SemaphoreType.DMA,
        pltpu.SemaphoreType.DMA,
    ]


@functools.cache
def _build_segment_sum_sc(d):
    mesh = plsc.VectorSubcoreMesh(core_axis_name="c", subcore_axis_name="s")
    return functools.partial(
        pl.kernel,
        mesh=mesh,
        compiler_params=pltpu.CompilerParams(use_tc_tiling_on_sc=False),
        out_type=jax.ShapeDtypeStruct((NC, ACC_ROWS, d), jnp.float32),
        scratch_types=_scratch_types(d),
    )(_segment_sum_sc_body)


@functools.cache
def _build_segment_sum2_sc(d):
    mesh = plsc.VectorSubcoreMesh(core_axis_name="c", subcore_axis_name="s")
    return functools.partial(
        pl.kernel,
        mesh=mesh,
        compiler_params=pltpu.CompilerParams(use_tc_tiling_on_sc=False),
        out_type=jax.ShapeDtypeStruct((NC, 2, ACC_ROWS, d), jnp.float32),
        scratch_types=_scratch_types(d),
    )(_segment_sum2_sc_body)


def _segment_sum_sc_body(z_hbm, edges_hbm, zeros_hbm, out_hbm,
                         src_v, dst_v, buf0, buf1, acc, sem0, sem1):
    c = lax.axis_index("c")
    s = lax.axis_index("s")

    pltpu.sync_copy(zeros_hbm, acc.at[pl.ds(s * ZERO_ROWS, ZERO_ROWS)])
    _stage_edges(edges_hbm, src_v, dst_v, c, s)
    plsc.subcore_barrier()

    _seg_pass(z_hbm, src_v, dst_v, buf0, buf1, acc, sem0, sem1, c)

    plsc.subcore_barrier()
    pltpu.sync_copy(acc.at[pl.ds(s * ZERO_ROWS, ZERO_ROWS)],
                    out_hbm.at[c, pl.ds(s * ZERO_ROWS, ZERO_ROWS)])


def _segment_sum2_sc_body(zlo_hbm, zhi_hbm, edges_hbm, zeros_hbm, out_hbm,
                          src_v, dst_v, buf0, buf1, acc, sem0, sem1):
    c = lax.axis_index("c")
    s = lax.axis_index("s")
    rows = pl.ds(s * ZERO_ROWS, ZERO_ROWS)

    pltpu.sync_copy(zeros_hbm, acc.at[rows])
    _stage_edges(edges_hbm, src_v, dst_v, c, s)
    plsc.subcore_barrier()

    _seg_pass(zlo_hbm, src_v, dst_v, buf0, buf1, acc, sem0, sem1, c)
    plsc.subcore_barrier()
    pltpu.sync_copy(acc.at[rows], out_hbm.at[c, 0, rows])
    pltpu.sync_copy(zeros_hbm, acc.at[rows])
    plsc.subcore_barrier()

    _seg_pass(zhi_hbm, src_v, dst_v, buf0, buf1, acc, sem0, sem1, c)
    plsc.subcore_barrier()
    pltpu.sync_copy(acc.at[rows], out_hbm.at[c, 1, rows])


def _layer1_body(x_ref, a_ref, w_ref, b_ref, o_ref):
    alo = a_ref[0, 0, :N_NODES] + a_ref[1, 0, :N_NODES]
    ahi = a_ref[0, 1, :N_NODES] + a_ref[1, 1, :N_NODES]
    h = x_ref[...] + jnp.concatenate([alo, ahi], axis=1)
    o_ref[...] = jnp.maximum(
        jnp.dot(h, w_ref[...], preferred_element_type=jnp.float32)
        + b_ref[...], 0.0)


def _head_body(h_ref, a_ref, w2_ref, b2_ref, w3_ref, b3_ref, w4_ref, b4_ref,
               o_ref):
    h = h_ref[...] + (a_ref[0, :N_NODES] + a_ref[1, :N_NODES])
    h2 = jnp.maximum(
        jnp.dot(h, w2_ref[...], preferred_element_type=jnp.float32)
        + b2_ref[...], 0.0)
    h3 = jnp.maximum(
        jnp.dot(h2, w3_ref[...], preferred_element_type=jnp.float32)
        + b3_ref[...], 0.0)
    o_ref[...] = jnp.dot(h3, w4_ref[...],
                         preferred_element_type=jnp.float32) + b4_ref[...]


_layer1 = pl.pallas_call(
    _layer1_body, out_shape=jax.ShapeDtypeStruct((N_NODES, D_H), jnp.float32))

_head = pl.pallas_call(
    _head_body, out_shape=jax.ShapeDtypeStruct((N_NODES, 1), jnp.float32))


def kernel(x, edge_index, batch, W1, b1, W2, b2, W3, b3, W4, b4):
    del batch
    x = x.astype(jnp.float32)

    pad = E_PAD - N_EDGES
    pad_cols = jnp.concatenate(
        [jnp.zeros((1, pad), jnp.int32), jnp.full((1, pad), N_NODES, jnp.int32)])
    edges3 = jnp.concatenate(
        [edge_index.astype(jnp.int32), pad_cols], axis=1
    ).reshape(2, TOTAL_BATCHES, EDGE_BATCH)
    zeros64 = jnp.zeros((ZERO_ROWS, D_H), jnp.float32)

    b1r = b1.reshape(1, D_H)
    b2r = b2.reshape(1, D_H)
    b3r = b3.reshape(1, 16)
    b4r = b4.reshape(1, 1)

    a1 = _build_segment_sum2_sc(D_H)(
        x[:, :D_H], x[:, D_H:], edges3, zeros64)
    h1 = _layer1(x, a1, W1, b1r)
    a2 = _build_segment_sum_sc(D_H)(h1, edges3, zeros64)
    out = _head(h1, a2, W2, b2r, W3, b3r, W4, b4r)
    return out

# --- scband reference (transcript-rebuilt; emitter-appended) ---
"""Pipeline reference for scband-base-model-88055419503307 (READ-ONLY COPY).

The authoritative reference and input builder live on the scoring server;
editing this copy changes nothing except your own understanding.
"""

import jax, jax.numpy as jnp
import numpy as np

N_NODES = 10000
N_EDGES = 320000
D_IN = 128


def setup_inputs(seed: int = 0) -> dict:
    key = jax.random.key(seed)
    ks = jax.random.split(key, 12)
    x = jax.random.normal(ks[0], (N_NODES, D_IN), dtype=jnp.float32)
    edge_index = jax.random.randint(ks[1], (2, N_EDGES), 0, N_NODES, dtype=jnp.int64 if jax.config.jax_enable_x64 else jnp.int32)
    batch = jnp.sort(jax.random.randint(ks[2], (N_NODES,), 0, 64))
    def lin(k, fan_in, fan_out):
        bound = 1.0 / np.sqrt(fan_in)
        kw, kb = jax.random.split(k)
        W = jax.random.uniform(kw, (fan_in, fan_out), minval=-bound, maxval=bound, dtype=jnp.float32)
        b = jax.random.uniform(kb, (fan_out,), minval=-bound, maxval=bound, dtype=jnp.float32)
        return W, b
    W1, b1 = lin(ks[3], D_IN, 64)
    W2, b2 = lin(ks[4], 64, 64)
    W3, b3 = lin(ks[5], 64, 16)
    W4, b4 = lin(ks[6], 16, 1)
    return {"x": x, "edge_index": edge_index, "batch": batch,
            "W1": W1, "b1": b1, "W2": W2, "b2": b2,
            "W3": W3, "b3": b3, "W4": W4, "b4": b4}


def _gin_conv(x, edge_index, W, b):
    # GINConv with eps=0: out = MLP((1+eps)*x + sum_{j in N(i)} x_j)
    src = edge_index[0]
    dst = edge_index[1]
    msgs = jnp.take(x, src, axis=0)                      # gather
    aggr = jax.ops.segment_sum(msgs, dst, num_segments=x.shape[0])  # scatter-add
    h = x + aggr
    return h @ W + b


def reference(x, edge_index, batch, W1, b1, W2, b2, W3, b3, W4, b4):
    x = x.astype(jnp.float32)
    h = jax.nn.relu(_gin_conv(x, edge_index, W1, b1))
    h = jax.nn.relu(_gin_conv(h, edge_index, W2, b2))
    h = jax.nn.relu(h @ W3 + b3)
    out = h @ W4 + b4
    return out

if __name__ == "__main__":
    import jax
    _d = setup_inputs()
    print(jax.jit(kernel)(*tuple(_d.values())))

</pallas_src>

<mosaic_0001>
#map = affine_map<(d0, d1) -> (0, 0)>
#map1 = affine_map<(d0, d1) -> (0, 0, 0)>
module attributes {stable_mosaic.version = 14 : i64} {
  func.func @_segment_sum_sc_body(%arg0: i32, %arg1: i32, %arg2: memref<10000x64xf32, #tpu.memory_space<hbm>>, %arg3: memref<2x2528x128xi32, #tpu.memory_space<hbm>>, %arg4: memref<640x64xf32, #tpu.memory_space<hbm>>, %arg5: memref<2x10240x64xf32, #tpu.memory_space<hbm>>, %arg6: memref<108x128xi32, #tpu.memory_space<vmem>>, %arg7: memref<108x128xi32, #tpu.memory_space<vmem>>, %arg8: memref<128x64xf32, #tpu.memory_space<vmem>>, %arg9: memref<128x64xf32, #tpu.memory_space<vmem>>, %arg10: memref<10240x64xf32, #tpu.memory_space<vmem_shared>>, %arg11: memref<!tpu.dma_semaphore, #tpu.memory_space<semaphore_mem>>, %arg12: memref<!tpu.dma_semaphore, #tpu.memory_space<semaphore_mem>>) attributes {dimension_semantics = [#tpu.dimension_semantics<core_parallel>, #tpu.dimension_semantics<subcore_parallel>], iteration_bounds = array<i64: 2, 16>, scalar_prefetch = 0 : i64, scratch_operands = 7 : i64, tpu.core_type = #tpu.core_type<sc_vector_subcore>, window_params = [{transform_indices = #map}, {transform_indices = #map1}, {transform_indices = #map}, {transform_indices = #map1}]} {
    %mul3A = arith.constant 640 : i32
    %mul3A_0 = arith.muli %arg1, %mul3A : i32
    "tpu.region"() ({
      %run_scoped3A = tpu.sem_alloc : memref<!tpu.dma_semaphore, #tpu.memory_space<semaphore_mem>>
      %dma_start3A = arith.constant 0 : i32
      %dma_start3A_23 = tpu.memref_slice %arg10[%mul3A_0, %dma_start3A] : memref<10240x64xf32, #tpu.memory_space<vmem_shared>> -> memref<640x64xf32, #tpu.memory_space<vmem_shared>>
      tpu.enqueue_dma source(%arg4 : memref<640x64xf32, #tpu.memory_space<hbm>>) target(%dma_start3A_23 : memref<640x64xf32, #tpu.memory_space<vmem_shared>>) target_semaphore(%run_scoped3A : memref<!tpu.dma_semaphore, #tpu.memory_space<semaphore_mem>>)
      %dma_wait3A = arith.constant 0 : i32
      %dma_wait3A_24 = tpu.memref_slice %arg10[%mul3A_0, %dma_wait3A] : memref<10240x64xf32, #tpu.memory_space<vmem_shared>> -> memref<640x64xf32, #tpu.memory_space<vmem_shared>>
      tpu.wait_dma2 semaphore(%run_scoped3A : memref<!tpu.dma_semaphore, #tpu.memory_space<semaphore_mem>>) src(%arg4 : memref<640x64xf32, #tpu.memory_space<hbm>>) dst(%dma_wait3A_24 : memref<640x64xf32, #tpu.memory_space<vmem_shared>>)
      tpu.yield
    }) : () -> ()
    %eq3A = arith.constant 0 : i32
    %eq3A_1 = arith.cmpi eq, %arg0, %eq3A : i32
    %convert_element_type3A = arith.extui %eq3A_1 : i1 to i32
    %cond3A = arith.constant 0 : i32
    %cond3A_2 = arith.cmpi ne, %convert_element_type3A, %cond3A : i32
    scf.if %cond3A_2 {
      %mul3A_23 = arith.constant 108 : i32
      %mul3A_24 = arith.muli %arg1, %mul3A_23 : i32
      %run_scoped3A = arith.constant 0 : i32
      "tpu.region"() ({
        %run_scoped3A_26 = tpu.sem_alloc : memref<!tpu.dma_semaphore, #tpu.memory_space<semaphore_mem>>
        %dma_start3A = arith.constant 0 : i32
        %dma_start3A_27 = arith.constant 0 : i32
        %dma_start3A_28 = tpu.memref_slice %arg6[%dma_start3A, %dma_start3A_27] : memref<108x128xi32, #tpu.memory_space<vmem>> -> memref<108x128xi32, #tpu.memory_space<vmem>>
        %dma_start3A_29 = arith.constant 0 : i32
        %dma_start3A_30 = tpu.memref_slice %arg3[%run_scoped3A, %mul3A_24, %dma_start3A_29] : memref<2x2528x128xi32, #tpu.memory_space<hbm>> -> memref<1x108x128xi32, #tpu.memory_space<hbm>>
        %dma_start3A_31 = tpu.memref_squeeze %dma_start3A_30 : memref<1x108x128xi32, #tpu.memory_space<hbm>> -> memref<108x128xi32, #tpu.memory_space<hbm>>
        %dma_start3A_32 = arith.constant 0 : i32
        %dma_start3A_33 = arith.constant 0 : i32
        %dma_start3A_34 = tpu.memref_slice %arg6[%dma_start3A_32, %dma_start3A_33] : memref<108x128xi32, #tpu.memory_space<vmem>> -> memref<108x128xi32, #tpu.memory_space<vmem>>
        %dma_start3A_35 = arith.constant 0 : i32
        %dma_start3A_36 = tpu.memref_slice %arg3[%run_scoped3A, %mul3A_24, %dma_start3A_35] : memref<2x2528x128xi32, #tpu.memory_space<hbm>> -> memref<1x108x128xi32, #tpu.memory_space<hbm>>
        %dma_start3A_37 = tpu.memref_squeeze %dma_start3A_36 : memref<1x108x128xi32, #tpu.memory_space<hbm>> -> memref<108x128xi32, #tpu.memory_space<hbm>>
        tpu.enqueue_dma source(%dma_start3A_37 : memref<108x128xi32, #tpu.memory_space<hbm>>) target(%dma_start3A_34 : memref<108x128xi32, #tpu.memory_space<vmem>>) target_semaphore(%run_scoped3A_26 : memref<!tpu.dma_semaphore, #tpu.memory_space<semaphore_mem>>)
        %dma_wait3A = arith.constant 0 : i32
        %dma_wait3A_38 = arith.constant 0 : i32
        %dma_wait3A_39 = tpu.memref_slice %arg6[%dma_wait3A, %dma_wait3A_38] : memref<108x128xi32, #tpu.memory_space<vmem>> -> memref<108x128xi32, #tpu.memory_space<vmem>>
        %dma_wait3A_40 = arith.constant 0 : i32
        %dma_wait3A_41 = tpu.memref_slice %arg3[%run_scoped3A, %mul3A_24, %dma_wait3A_40] : memref<2x2528x128xi32, #tpu.memory_space<hbm>> -> memref<1x108x128xi32, #tpu.memory_space<hbm>>
        %dma_wait3A_42 = tpu.memref_squeeze %dma_wait3A_41 : memref<1x108x128xi32, #tpu.memory_space<hbm>> -> memref<108x128xi32, #tpu.memory_space<hbm>>
        %dma_wait3A_43 = arith.constant 0 : i32
        %dma_wait3A_44 = arith.constant 0 : i32
        %dma_wait3A_45 = tpu.memref_slice %arg6[%dma_wait3A_43, %dma_wait3A_44] : memref<108x128xi32, #tpu.memory_space<vmem>> -> memref<108x128xi32, #tpu.memory_space<vmem>>
        %dma_wait3A_46 = arith.constant 0 : i32
        %dma_wait3A_47 = tpu.memref_slice %arg3[%run_scoped3A, %mul3A_24, %dma_wait3A_46] : memref<2x2528x128xi32, #tpu.memory_space<hbm>> -> memref<1x108x128xi32, #tpu.memory_space<hbm>>
        %dma_wait3A_48 = tpu.memref_squeeze %dma_wait3A_47 : memref<1x108x128xi32, #tpu.memory_space<hbm>> -> memref<108x128xi32, #tpu.memory_space<hbm>>
        tpu.wait_dma2 semaphore(%run_scoped3A_26 : memref<!tpu.dma_semaphore, #tpu.memory_space<semaphore_mem>>) src(%dma_wait3A_48 : memref<108x128xi32, #tpu.memory_space<hbm>>) dst(%dma_wait3A_45 : memref<108x128xi32, #tpu.memory_space<vmem>>)
        tpu.yield
      }) : () -> ()
      %run_scoped3A_25 = arith.constant 1 : i32
      "tpu.region"() ({
        %run_scoped3A_26 = tpu.sem_alloc : memref<!tpu.dma_semaphore, #tpu.memory_space<semaphore_mem>>
        %dma_start3A = arith.constant 0 : i32
        %dma_start3A_27 = arith.constant 0 : i32
        %dma_start3A_28 = tpu.memref_slice %arg7[%dma_start3A, %dma_start3A_27] : memref<108x128xi32, #tpu.memory_space<vmem>> -> memref<108x128xi32, #tpu.memory_space<vmem>>
        %dma_start3A_29 = arith.constant 0 : i32
        %dma_start3A_30 = tpu.memref_slice %arg3[%run_scoped3A_25, %mul3A_24, %dma_start3A_29] : memref<2x2528x128xi32, #tpu.memory_space<hbm>> -> memref<1x108x128xi32, #tpu.memory_space<hbm>>
        %dma_start3A_31 = tpu.memref_squeeze %dma_start3A_30 : memref<1x108x128xi32, #tpu.memory_space<hbm>> -> memref<108x128xi32, #tpu.memory_space<hbm>>
        %dma_start3A_32 = arith.constant 0 : i32
        %dma_start3A_33 = arith.constant 0 : i32
        %dma_start3A_34 = tpu.memref_slice %arg7[%dma_start3A_32, %dma_start3A_33] : memref<108x128xi32, #tpu.memory_space<vmem>> -> memref<108x128xi32, #tpu.memory_space<vmem>>
        %dma_start3A_35 = arith.constant 0 : i32
        %dma_start3A_36 = tpu.memref_slice %arg3[%run_scoped3A_25, %mul3A_24, %dma_start3A_35] : memref<2x2528x128xi32, #tpu.memory_space<hbm>> -> memref<1x108x128xi32, #tpu.memory_space<hbm>>
        %dma_start3A_37 = tpu.memref_squeeze %dma_start3A_36 : memref<1x108x128xi32, #tpu.memory_space<hbm>> -> memref<108x128xi32, #tpu.memory_space<hbm>>
        tpu.enqueue_dma source(%dma_start3A_37 : memref<108x128xi32, #tpu.memory_space<hbm>>) target(%dma_start3A_34 : memref<108x128xi32, #tpu.memory_space<vmem>>) target_semaphore(%run_scoped3A_26 : memref<!tpu.dma_semaphore, #tpu.memory_space<semaphore_mem>>)
        %dma_wait3A = arith.constant 0 : i32
        %dma_wait3A_38 = arith.constant 0 : i32
        %dma_wait3A_39 = tpu.memref_slice %arg7[%dma_wait3A, %dma_wait3A_38] : memref<108x128xi32, #tpu.memory_space<vmem>> -> memref<108x128xi32, #tpu.memory_space<vmem>>
        %dma_wait3A_40 = arith.constant 0 : i32
        %dma_wait3A_41 = tpu.memref_slice %arg3[%run_scoped3A_25, %mul3A_24, %dma_wait3A_40] : memref<2x2528x128xi32, #tpu.memory_space<hbm>> -> memref<1x108x128xi32, #tpu.memory_space<hbm>>
        %dma_wait3A_42 = tpu.memref_squeeze %dma_wait3A_41 : memref<1x108x128xi32, #tpu.memory_space<hbm>> -> memref<108x128xi32, #tpu.memory_space<hbm>>
        %dma_wait3A_43 = arith.constant 0 : i32
        %dma_wait3A_44 = arith.constant 0 : i32
        %dma_wait3A_45 = tpu.memref_slice %arg7[%dma_wait3A_43, %dma_wait3A_44] : memref<108x128xi32, #tpu.memory_space<vmem>> -> memref<108x128xi32, #tpu.memory_space<vmem>>
        %dma_wait3A_46 = arith.constant 0 : i32
        %dma_wait3A_47 = tpu.memref_slice %arg3[%run_scoped3A_25, %mul3A_24, %dma_wait3A_46] : memref<2x2528x128xi32, #tpu.memory_space<hbm>> -> memref<1x108x128xi32, #tpu.memory_space<hbm>>
        %dma_wait3A_48 = tpu.memref_squeeze %dma_wait3A_47 : memref<1x108x128xi32, #tpu.memory_space<hbm>> -> memref<108x128xi32, #tpu.memory_space<hbm>>
        tpu.wait_dma2 semaphore(%run_scoped3A_26 : memref<!tpu.dma_semaphore, #tpu.memory_space<semaphore_mem>>) src(%dma_wait3A_48 : memref<108x128xi32, #tpu.memory_space<hbm>>) dst(%dma_wait3A_45 : memref<108x128xi32, #tpu.memory_space<vmem>>)
        tpu.yield
      }) : () -> ()
    } else {
    }
    %eq3A_3 = arith.constant 1 : i32
    %eq3A_4 = arith.cmpi eq, %arg0, %eq3A_3 : i32
    %convert_element_type3A_5 = arith.extui %eq3A_4 : i1 to i32
    %cond3A_6 = arith.constant 0 : i32
    %cond3A_7 = arith.cmpi ne, %convert_element_type3A_5, %cond3A_6 : i32
    scf.if %cond3A_7 {
      %mul3A_23 = arith.constant 50 : i32
      %mul3A_24 = arith.muli %arg1, %mul3A_23 : i32
      %add3A = arith.constant 1728 : i32
      %add3A_25 = arith.addi %add3A, %mul3A_24 : i32
      %run_scoped3A = arith.constant 0 : i32
      "tpu.region"() ({
        %run_scoped3A_27 = tpu.sem_alloc : memref<!tpu.dma_semaphore, #tpu.memory_space<semaphore_mem>>
        %dma_start3A = arith.constant 0 : i32
        %dma_start3A_28 = arith.constant 0 : i32
        %dma_start3A_29 = tpu.memref_slice %arg6[%dma_start3A, %dma_start3A_28] : memref<108x128xi32, #tpu.memory_space<vmem>> -> memref<50x128xi32, #tpu.memory_space<vmem>>
        %dma_start3A_30 = arith.constant 0 : i32
        %dma_start3A_31 = tpu.memref_slice %arg3[%run_scoped3A, %add3A_25, %dma_start3A_30] : memref<2x2528x128xi32, #tpu.memory_space<hbm>> -> memref<1x50x128xi32, #tpu.memory_space<hbm>>
        %dma_start3A_32 = tpu.memref_squeeze %dma_start3A_31 : memref<1x50x128xi32, #tpu.memory_space<hbm>> -> memref<50x128xi32, #tpu.memory_space<hbm>>
        %dma_start3A_33 = arith.constant 0 : i32
        %dma_start3A_34 = arith.constant 0 : i32
        %dma_start3A_35 = tpu.memref_slice %arg6[%dma_start3A_33, %dma_start3A_34] : memref<108x128xi32, #tpu.memory_space<vmem>> -> memref<50x128xi32, #tpu.memory_space<vmem>>
        %dma_start3A_36 = arith.constant 0 : i32
        %dma_start3A_37 = tpu.memref_slice %arg3[%run_scoped3A, %add3A_25, %dma_start3A_36] : memref<2x2528x128xi32, #tpu.memory_space<hbm>> -> memref<1x50x128xi32, #tpu.memory_space<hbm>>
        %dma_start3A_38 = tpu.memref_squeeze %dma_start3A_37 : memref<1x50x128xi32, #tpu.memory_space<hbm>> -> memref<50x128xi32, #tpu.memory_space<hbm>>
        tpu.enqueue_dma source(%dma_start3A_38 : memref<50x128xi32, #tpu.memory_space<hbm>>) target(%dma_start3A_35 : memref<50x128xi32, #tpu.memory_space<vmem>>) target_semaphore(%run_scoped3A_27 : memref<!tpu.dma_semaphore, #tpu.memory_space<semaphore_mem>>)
        %dma_wait3A = arith.constant 0 : i32
        %dma_wait3A_39 = arith.constant 0 : i32
        %dma_wait3A_40 = tpu.memref_slice %arg6[%dma_wait3A, %dma_wait3A_39] : memref<108x128xi32, #tpu.memory_space<vmem>> -> memref<50x128xi32, #tpu.memory_space<vmem>>
        %dma_wait3A_41 = arith.constant 0 : i32
        %dma_wait3A_42 = tpu.memref_slice %arg3[%run_scoped3A, %add3A_25, %dma_wait3A_41] : memref<2x2528x128xi32, #tpu.memory_space<hbm>> -> memref<1x50x128xi32, #tpu.memory_space<hbm>>
        %dma_wait3A_43 = tpu.memref_squeeze %dma_wait3A_42 : memref<1x50x128xi32, #tpu.memory_space<hbm>> -> memref<50x128xi32, #tpu.memory_space<hbm>>
        %dma_wait3A_44 = arith.constant 0 : i32
        %dma_wait3A_45 = arith.constant 0 : i32
        %dma_wait3A_46 = tpu.memref_slice %arg6[%dma_wait3A_44, %dma_wait3A_45] : memref<108x128xi32, #tpu.memory_space<vmem>> -> memref<50x128xi32, #tpu.memory_space<vmem>>
        %dma_wait3A_47 = arith.constant 0 : i32
        %dma_wait3A_48 = tpu.memref_slice %arg3[%run_scoped3A, %add3A_25, %dma_wait3A_47] : memref<2x2528x128xi32, #tpu.memory_space<hbm>> -> memref<1x50x128xi32, #tpu.memory_space<hbm>>
        %dma_wait3A_49 = tpu.memref_squeeze %dma_wait3A_48 : memref<1x50x128xi32, #tpu.memory_space<hbm>> -> memref<50x128xi32, #tpu.memory_space<hbm>>
        tpu.wait_dma2 semaphore(%run_scoped3A_27 : memref<!tpu.dma_semaphore, #tpu.memory_space<semaphore_mem>>) src(%dma_wait3A_49 : memref<50x128xi32, #tpu.memory_space<hbm>>) dst(%dma_wait3A_46 : memref<50x128xi32, #tpu.memory_space<vmem>>)
        tpu.yield
      }) : () -> ()
      %run_scoped3A_26 = arith.constant 1 : i32
      "tpu.region"() ({
        %run_scoped3A_27 = tpu.sem_alloc : memref<!tpu.dma_semaphore, #tpu.memory_space<semaphore_mem>>
        %dma_start3A = arith.constant 0 : i32
        %dma_start3A_28 = arith.constant 0 : i32
        %dma_start3A_29 = tpu.memref_slice %arg7[%dma_start3A, %dma_start3A_28] : memref<108x128xi32, #tpu.memory_space<vmem>> -> memref<50x128xi32, #tpu.memory_space<vmem>>
        %dma_start3A_30 = arith.constant 0 : i32
        %dma_start3A_31 = tpu.memref_slice %arg3[%run_scoped3A_26, %add3A_25, %dma_start3A_30] : memref<2x2528x128xi32, #tpu.memory_space<hbm>> -> memref<1x50x128xi32, #tpu.memory_space<hbm>>
        %dma_start3A_32 = tpu.memref_squeeze %dma_start3A_31 : memref<1x50x128xi32, #tpu.memory_space<hbm>> -> memref<50x128xi32, #tpu.memory_space<hbm>>
        %dma_start3A_33 = arith.constant 0 : i32
        %dma_start3A_34 = arith.constant 0 : i32
        %dma_start3A_35 = tpu.memref_slice %arg7[%dma_start3A_33, %dma_start3A_34] : memref<108x128xi32, #tpu.memory_space<vmem>> -> memref<50x128xi32, #tpu.memory_space<vmem>>
        %dma_start3A_36 = arith.constant 0 : i32
        %dma_start3A_37 = tpu.memref_slice %arg3[%run_scoped3A_26, %add3A_25, %dma_start3A_36] : memref<2x2528x128xi32, #tpu.memory_space<hbm>> -> memref<1x50x128xi32, #tpu.memory_space<hbm>>
        %dma_start3A_38 = tpu.memref_squeeze %dma_start3A_37 : memref<1x50x128xi32, #tpu.memory_space<hbm>> -> memref<50x128xi32, #tpu.memory_space<hbm>>
        tpu.enqueue_dma source(%dma_start3A_38 : memref<50x128xi32, #tpu.memory_space<hbm>>) target(%dma_start3A_35 : memref<50x128xi32, #tpu.memory_space<vmem>>) target_semaphore(%run_scoped3A_27 : memref<!tpu.dma_semaphore, #tpu.memory_space<semaphore_mem>>)
        %dma_wait3A = arith.constant 0 : i32
        %dma_wait3A_39 = arith.constant 0 : i32
        %dma_wait3A_40 = tpu.memref_slice %arg7[%dma_wait3A, %dma_wait3A_39] : memref<108x128xi32, #tpu.memory_space<vmem>> -> memref<50x128xi32, #tpu.memory_space<vmem>>
        %dma_wait3A_41 = arith.constant 0 : i32
        %dma_wait3A_42 = tpu.memref_slice %arg3[%run_scoped3A_26, %add3A_25, %dma_wait3A_41] : memref<2x2528x128xi32, #tpu.memory_space<hbm>> -> memref<1x50x128xi32, #tpu.memory_space<hbm>>
        %dma_wait3A_43 = tpu.memref_squeeze %dma_wait3A_42 : memref<1x50x128xi32, #tpu.memory_space<hbm>> -> memref<50x128xi32, #tpu.memory_space<hbm>>
        %dma_wait3A_44 = arith.constant 0 : i32
        %dma_wait3A_45 = arith.constant 0 : i32
        %dma_wait3A_46 = tpu.memref_slice %arg7[%dma_wait3A_44, %dma_wait3A_45] : memref<108x128xi32, #tpu.memory_space<vmem>> -> memref<50x128xi32, #tpu.memory_space<vmem>>
        %dma_wait3A_47 = arith.constant 0 : i32
        %dma_wait3A_48 = tpu.memref_slice %arg3[%run_scoped3A_26, %add3A_25, %dma_wait3A_47] : memref<2x2528x128xi32, #tpu.memory_space<hbm>> -> memref<1x50x128xi32, #tpu.memory_space<hbm>>
        %dma_wait3A_49 = tpu.memref_squeeze %dma_wait3A_48 : memref<1x50x128xi32, #tpu.memory_space<hbm>> -> memref<50x128xi32, #tpu.memory_space<hbm>>
        tpu.wait_dma2 semaphore(%run_scoped3A_27 : memref<!tpu.dma_semaphore, #tpu.memory_space<semaphore_mem>>) src(%dma_wait3A_49 : memref<50x128xi32, #tpu.memory_space<hbm>>) dst(%dma_wait3A_46 : memref<50x128xi32, #tpu.memory_space<vmem>>)
        tpu.yield
      }) : () -> ()
    } else {
    }
    %barrier3A = arith.constant 0 : index
    tpu.barrier barrier_id(%barrier3A)
    %eq3A_8 = arith.constant 0 : i32
    %eq3A_9 = arith.cmpi eq, %arg0, %eq3A_8 : i32
    %convert_element_type3A_10 = arith.extui %eq3A_9 : i1 to i32
    %cond3A_11 = arith.constant 0 : i32
    %cond3A_12 = arith.cmpi ne, %convert_element_type3A_10, %cond3A_11 : i32
    scf.if %cond3A_12 {
      %dma_start3A = arith.constant 0 : i32
      %dma_start3A_23 = arith.constant 0 : i32
      %dma_start3A_24 = tpu.memref_slice %arg6[%dma_start3A, %dma_start3A_23] : memref<108x128xi32, #tpu.memory_space<vmem>> -> memref<1x128xi32, #tpu.memory_space<vmem>>
      %dma_start3A_25 = tpu.memref_squeeze %dma_start3A_24 : memref<1x128xi32, #tpu.memory_space<vmem>> -> memref<128xi32, #tpu.memory_space<vmem>>
      %dma_start3A_26 = arith.constant 0 : i32
      %dma_start3A_27 = arith.constant 0 : i32
      %dma_start3A_28 = tpu.memref_slice %arg2[%dma_start3A_26, %dma_start3A_27] : memref<10000x64xf32, #tpu.memory_space<hbm>> -> memref<10000x64xf32, #tpu.memory_space<hbm>>
      tpu.enqueue_indirect_dma source(%dma_start3A_28 : memref<10000x64xf32, #tpu.memory_space<hbm>>) target(%arg8 : memref<128x64xf32, #tpu.memory_space<vmem>>) offsets(%dma_start3A_25 : memref<128xi32, #tpu.memory_space<vmem>>) semaphore(%arg11 : memref<!tpu.dma_semaphore, #tpu.memory_space<semaphore_mem>>)
      %dma_start3A_29 = arith.constant 1 : i32
      %dma_start3A_30 = arith.constant 0 : i32
      %dma_start3A_31 = tpu.memref_slice %arg6[%dma_start3A_29, %dma_start3A_30] : memref<108x128xi32, #tpu.memory_space<vmem>> -> memref<1x128xi32, #tpu.memory_space<vmem>>
      %dma_start3A_32 = tpu.memref_squeeze %dma_start3A_31 : memref<1x128xi32, #tpu.memory_space<vmem>> -> memref<128xi32, #tpu.memory_space<vmem>>
      %dma_start3A_33 = arith.constant 0 : i32
      %dma_start3A_34 = arith.constant 0 : i32
      %dma_start3A_35 = tpu.memref_slice %arg2[%dma_start3A_33, %dma_start3A_34] : memref<10000x64xf32, #tpu.memory_space<hbm>> -> memref<10000x64xf32, #tpu.memory_space<hbm>>
      tpu.enqueue_indirect_dma source(%dma_start3A_35 : memref<10000x64xf32, #tpu.memory_space<hbm>>) target(%arg9 : memref<128x64xf32, #tpu.memory_space<vmem>>) offsets(%dma_start3A_32 : memref<128xi32, #tpu.memory_space<vmem>>) semaphore(%arg12 : memref<!tpu.dma_semaphore, #tpu.memory_space<semaphore_mem>>)
      %scan3A = arith.constant 0 : i32
      %scan3A_36 = arith.constant 0 : i32
      %scan3A_37 = arith.constant 53 : i32
      %scan3A_38 = arith.addi %scan3A_36, %scan3A_37 : i32
      %scan3A_39 = arith.constant 1 : i32
      %scan3A_40 = scf.for %scan3A_56 = %scan3A_36 to %scan3A_38 step %scan3A_39 iter_args(%scan3A_57 = %scan3A) -> (i32)  : i32 {
        %mul3A_58 = arith.constant 2 : i32
        %mul3A_59 = arith.muli %mul3A_58, %scan3A_56 : i32
        %dma_wait3A_60 = arith.constant 0 : i32
        %dma_wait3A_61 = tpu.memref_slice %arg6[%mul3A_59, %dma_wait3A_60] : memref<108x128xi32, #tpu.memory_space<vmem>> -> memref<1x128xi32, #tpu.memory_space<vmem>>
        %dma_wait3A_62 = tpu.memref_squeeze %dma_wait3A_61 : memref<1x128xi32, #tpu.memory_space<vmem>> -> memref<128xi32, #tpu.memory_space<vmem>>
        %dma_wait3A_63 = arith.constant 0 : i32
        %dma_wait3A_64 = arith.constant 0 : i32
        %dma_wait3A_65 = tpu.memref_slice %arg2[%dma_wait3A_63, %dma_wait3A_64] : memref<10000x64xf32, #tpu.memory_space<hbm>> -> memref<10000x64xf32, #tpu.memory_space<hbm>>
        tpu.wait_indirect_dma semaphore(%arg11 : memref<!tpu.dma_semaphore, #tpu.memory_space<semaphore_mem>>) src(%dma_wait3A_65 : memref<10000x64xf32, #tpu.memory_space<hbm>>) dst(%arg8 : memref<128x64xf32, #tpu.memory_space<vmem>>)
        "tpu.region"() ({
          %run_scoped3A_92 = tpu.sem_alloc : memref<!tpu.dma_semaphore, #tpu.memory_space<semaphore_mem>>
          %dma_start3A_93 = arith.constant 0 : i32
          %dma_start3A_94 = tpu.memref_slice %arg7[%mul3A_59, %dma_start3A_93] : memref<108x128xi32, #tpu.memory_space<vmem>> -> memref<1x128xi32, #tpu.memory_space<vmem>>
          %dma_start3A_95 = tpu.memref_squeeze %dma_start3A_94 : memref<1x128xi32, #tpu.memory_space<vmem>> -> memref<128xi32, #tpu.memory_space<vmem>>
          %dma_start3A_96 = arith.constant 0 : i32
          %dma_start3A_97 = arith.constant 0 : i32
          %dma_start3A_98 = tpu.memref_slice %arg10[%dma_start3A_96, %dma_start3A_97] : memref<10240x64xf32, #tpu.memory_space<vmem_shared>> -> memref<10240x64xf32, #tpu.memory_space<vmem_shared>>
          tpu.enqueue_indirect_dma source(%arg8 : memref<128x64xf32, #tpu.memory_space<vmem>>) target(%dma_start3A_98 : memref<10240x64xf32, #tpu.memory_space<vmem_shared>>) offsets(%dma_start3A_95 : memref<128xi32, #tpu.memory_space<vmem>>) semaphore(%run_scoped3A_92 : memref<!tpu.dma_semaphore, #tpu.memory_space<semaphore_mem>>) {add = true}
          %dma_wait3A_99 = arith.constant 0 : i32
          %dma_wait3A_100 = tpu.memref_slice %arg7[%mul3A_59, %dma_wait3A_99] : memref<108x128xi32, #tpu.memory_space<vmem>> -> memref<1x128xi32, #tpu.memory_space<vmem>>
          %dma_wait3A_101 = tpu.memref_squeeze %dma_wait3A_100 : memref<1x128xi32, #tpu.memory_space<vmem>> -> memref<128xi32, #tpu.memory_space<vmem>>
          %dma_wait3A_102 = arith.constant 0 : i32
          %dma_wait3A_103 = arith.constant 0 : i32
          %dma_wait3A_104 = tpu.memref_slice %arg10[%dma_wait3A_102, %dma_wait3A_103] : memref<10240x64xf32, #tpu.memory_space<vmem_shared>> -> memref<10240x64xf32, #tpu.memory_space<vmem_shared>>
          tpu.wait_indirect_dma semaphore(%run_scoped3A_92 : memref<!tpu.dma_semaphore, #tpu.memory_space<semaphore_mem>>) src(%arg8 : memref<128x64xf32, #tpu.memory_space<vmem>>) dst(%dma_wait3A_104 : memref<10240x64xf32, #tpu.memory_space<vmem_shared>>)
          tpu.yield
        }) : () -> ()
        %add3A = arith.constant 2 : i32
        %add3A_66 = arith.addi %mul3A_59, %add3A : i32
        %dma_start3A_67 = arith.constant 0 : i32
        %dma_start3A_68 = tpu.memref_slice %arg6[%add3A_66, %dma_start3A_67] : memref<108x128xi32, #tpu.memory_space<vmem>> -> memref<1x128xi32, #tpu.memory_space<vmem>>
        %dma_start3A_69 = tpu.memref_squeeze %dma_start3A_68 : memref<1x128xi32, #tpu.memory_space<vmem>> -> memref<128xi32, #tpu.memory_space<vmem>>
        %dma_start3A_70 = arith.constant 0 : i32
        %dma_start3A_71 = arith.constant 0 : i32
        %dma_start3A_72 = tpu.memref_slice %arg2[%dma_start3A_70, %dma_start3A_71] : memref<10000x64xf32, #tpu.memory_space<hbm>> -> memref<10000x64xf32, #tpu.memory_space<hbm>>
        tpu.enqueue_indirect_dma source(%dma_start3A_72 : memref<10000x64xf32, #tpu.memory_space<hbm>>) target(%arg8 : memref<128x64xf32, #tpu.memory_space<vmem>>) offsets(%dma_start3A_69 : memref<128xi32, #tpu.memory_space<vmem>>) semaphore(%arg11 : memref<!tpu.dma_semaphore, #tpu.memory_space<semaphore_mem>>)
        %add3A_73 = arith.constant 1 : i32
        %add3A_74 = arith.addi %mul3A_59, %add3A_73 : i32
        %dma_wait3A_75 = arith.constant 0 : i32
        %dma_wait3A_76 = tpu.memref_slice %arg6[%add3A_74, %dma_wait3A_75] : memref<108x128xi32, #tpu.memory_space<vmem>> -> memref<1x128xi32, #tpu.memory_space<vmem>>
        %dma_wait3A_77 = tpu.memref_squeeze %dma_wait3A_76 : memref<1x128xi32, #tpu.memory_space<vmem>> -> memref<128xi32, #tpu.memory_space<vmem>>
        %dma_wait3A_78 = arith.constant 0 : i32
        %dma_wait3A_79 = arith.constant 0 : i32
        %dma_wait3A_80 = tpu.memref_slice %arg2[%dma_wait3A_78, %dma_wait3A_79] : memref<10000x64xf32, #tpu.memory_space<hbm>> -> memref<10000x64xf32, #tpu.memory_space<hbm>>
        tpu.wait_indirect_dma semaphore(%arg12 : memref<!tpu.dma_semaphore, #tpu.memory_space<semaphore_mem>>) src(%dma_wait3A_80 : memref<10000x64xf32, #tpu.memory_space<hbm>>) dst(%arg9 : memref<128x64xf32, #tpu.memory_space<vmem>>)
        %add3A_81 = arith.constant 1 : i32
        %add3A_82 = arith.addi %mul3A_59, %add3A_81 : i32
        "tpu.region"() ({
          %run_scoped3A_92 = tpu.sem_alloc : memref<!tpu.dma_semaphore, #tpu.memory_space<semaphore_mem>>
          %dma_start3A_93 = arith.constant 0 : i32
          %dma_start3A_94 = tpu.memref_slice %arg7[%add3A_82, %dma_start3A_93] : memref<108x128xi32, #tpu.memory_space<vmem>> -> memref<1x128xi32, #tpu.memory_space<vmem>>
          %dma_start3A_95 = tpu.memref_squeeze %dma_start3A_94 : memref<1x128xi32, #tpu.memory_space<vmem>> -> memref<128xi32, #tpu.memory_space<vmem>>
          %dma_start3A_96 = arith.constant 0 : i32
          %dma_start3A_97 = arith.constant 0 : i32
          %dma_start3A_98 = tpu.memref_slice %arg10[%dma_start3A_96, %dma_start3A_97] : memref<10240x64xf32, #tpu.memory_space<vmem_shared>> -> memref<10240x64xf32, #tpu.memory_space<vmem_shared>>
          tpu.enqueue_indirect_dma source(%arg9 : memref<128x64xf32, #tpu.memory_space<vmem>>) target(%dma_start3A_98 : memref<10240x64xf32, #tpu.memory_space<vmem_shared>>) offsets(%dma_start3A_95 : memref<128xi32, #tpu.memory_space<vmem>>) semaphore(%run_scoped3A_92 : memref<!tpu.dma_semaphore, #tpu.memory_space<semaphore_mem>>) {add = true}
          %dma_wait3A_99 = arith.constant 0 : i32
          %dma_wait3A_100 = tpu.memref_slice %arg7[%add3A_82, %dma_wait3A_99] : memref<108x128xi32, #tpu.memory_space<vmem>> -> memref<1x128xi32, #tpu.memory_space<vmem>>
          %dma_wait3A_101 = tpu.memref_squeeze %dma_wait3A_100 : memref<1x128xi32, #tpu.memory_space<vmem>> -> memref<128xi32, #tpu.memory_space<vmem>>
          %dma_wait3A_102 = arith.constant 0 : i32
          %dma_wait3A_103 = arith.constant 0 : i32
          %dma_wait3A_104 = tpu.memref_slice %arg10[%dma_wait3A_102, %dma_wait3A_103] : memref<10240x64xf32, #tpu.memory_space<vmem_shared>> -> memref<10240x64xf32, #tpu.memory_space<vmem_shared>>
          tpu.wait_indirect_dma semaphore(%run_scoped3A_92 : memref<!tpu.dma_semaphore, #tpu.memory_space<semaphore_mem>>) src(%arg9 : memref<128x64xf32, #tpu.memory_space<vmem>>) dst(%dma_wait3A_104 : memref<10240x64xf32, #tpu.memory_space<vmem_shared>>)
          tpu.yield
        }) : () -> ()
        %add3A_83 = arith.constant 3 : i32
        %add3A_84 = arith.addi %mul3A_59, %add3A_83 : i32
        %dma_start3A_85 = arith.constant 0 : i32
        %dma_start3A_86 = tpu.memref_slice %arg6[%add3A_84, %dma_start3A_85] : memref<108x128xi32, #tpu.memory_space<vmem>> -> memref<1x128xi32, #tpu.memory_space<vmem>>
        %dma_start3A_87 = tpu.memref_squeeze %dma_start3A_86 : memref<1x128xi32, #tpu.memory_space<vmem>> -> memref<128xi32, #tpu.memory_space<vmem>>
        %dma_start3A_88 = arith.constant 0 : i32
        %dma_start3A_89 = arith.constant 0 : i32
        %dma_start3A_90 = tpu.memref_slice %arg2[%dma_start3A_88, %dma_start3A_89] : memref<10000x64xf32, #tpu.memory_space<hbm>> -> memref<10000x64xf32, #tpu.memory_space<hbm>>
        tpu.enqueue_indirect_dma source(%dma_start3A_90 : memref<10000x64xf32, #tpu.memory_space<hbm>>) target(%arg9 : memref<128x64xf32, #tpu.memory_space<vmem>>) offsets(%dma_start3A_87 : memref<128xi32, #tpu.memory_space<vmem>>) semaphore(%arg12 : memref<!tpu.dma_semaphore, #tpu.memory_space<semaphore_mem>>)
        %scan3A_91 = arith.constant 0 : i32
        scf.yield %scan3A_91 : i32
      }
      %scan3A_41 = arith.constant 53 : i32
      %dma_wait3A = arith.constant 106 : i32
      %dma_wait3A_42 = arith.constant 0 : i32
      %dma_wait3A_43 = tpu.memref_slice %arg6[%dma_wait3A, %dma_wait3A_42] : memref<108x128xi32, #tpu.memory_space<vmem>> -> memref<1x128xi32, #tpu.memory_space<vmem>>
      %dma_wait3A_44 = tpu.memref_squeeze %dma_wait3A_43 : memref<1x128xi32, #tpu.memory_space<vmem>> -> memref<128xi32, #tpu.memory_space<vmem>>
      %dma_wait3A_45 = arith.constant 0 : i32
      %dma_wait3A_46 = arith.constant 0 : i32
      %dma_wait3A_47 = tpu.memref_slice %arg2[%dma_wait3A_45, %dma_wait3A_46] : memref<10000x64xf32, #tpu.memory_space<hbm>> -> memref<10000x64xf32, #tpu.memory_space<hbm>>
      tpu.wait_indirect_dma semaphore(%arg11 : memref<!tpu.dma_semaphore, #tpu.memory_space<semaphore_mem>>) src(%dma_wait3A_47 : memref<10000x64xf32, #tpu.memory_space<hbm>>) dst(%arg8 : memref<128x64xf32, #tpu.memory_space<vmem>>)
      %run_scoped3A = arith.constant 106 : i32
      "tpu.region"() ({
        %run_scoped3A_56 = tpu.sem_alloc : memref<!tpu.dma_semaphore, #tpu.memory_space<semaphore_mem>>
        %dma_start3A_57 = arith.constant 0 : i32
        %dma_start3A_58 = tpu.memref_slice %arg7[%run_scoped3A, %dma_start3A_57] : memref<108x128xi32, #tpu.memory_space<vmem>> -> memref<1x128xi32, #tpu.memory_space<vmem>>
        %dma_start3A_59 = tpu.memref_squeeze %dma_start3A_58 : memref<1x128xi32, #tpu.memory_space<vmem>> -> memref<128xi32, #tpu.memory_space<vmem>>
        %dma_start3A_60 = arith.constant 0 : i32
        %dma_start3A_61 = arith.constant 0 : i32
        %dma_start3A_62 = tpu.memref_slice %arg10[%dma_start3A_60, %dma_start3A_61] : memref<10240x64xf32, #tpu.memory_space<vmem_shared>> -> memref<10240x64xf32, #tpu.memory_space<vmem_shared>>
        tpu.enqueue_indirect_dma source(%arg8 : memref<128x64xf32, #tpu.memory_space<vmem>>) target(%dma_start3A_62 : memref<10240x64xf32, #tpu.memory_space<vmem_shared>>) offsets(%dma_start3A_59 : memref<128xi32, #tpu.memory_space<vmem>>) semaphore(%run_scoped3A_56 : memref<!tpu.dma_semaphore, #tpu.memory_space<semaphore_mem>>) {add = true}
        %dma_wait3A_63 = arith.constant 0 : i32
        %dma_wait3A_64 = tpu.memref_slice %arg7[%run_scoped3A, %dma_wait3A_63] : memref<108x128xi32, #tpu.memory_space<vmem>> -> memref<1x128xi32, #tpu.memory_space<vmem>>
        %dma_wait3A_65 = tpu.memref_squeeze %dma_wait3A_64 : memref<1x128xi32, #tpu.memory_space<vmem>> -> memref<128xi32, #tpu.memory_space<vmem>>
        %dma_wait3A_66 = arith.constant 0 : i32
        %dma_wait3A_67 = arith.constant 0 : i32
        %dma_wait3A_68 = tpu.memref_slice %arg10[%dma_wait3A_66, %dma_wait3A_67] : memref<10240x64xf32, #tpu.memory_space<vmem_shared>> -> memref<10240x64xf32, #tpu.memory_space<vmem_shared>>
        tpu.wait_indirect_dma semaphore(%run_scoped3A_56 : memref<!tpu.dma_semaphore, #tpu.memory_space<semaphore_mem>>) src(%arg8 : memref<128x64xf32, #tpu.memory_space<vmem>>) dst(%dma_wait3A_68 : memref<10240x64xf32, #tpu.memory_space<vmem_shared>>)
        tpu.yield
      }) : () -> ()
      %dma_wait3A_48 = arith.constant 107 : i32
      %dma_wait3A_49 = arith.constant 0 : i32
      %dma_wait3A_50 = tpu.memref_slice %arg6[%dma_wait3A_48, %dma_wait3A_49] : memref<108x128xi32, #tpu.memory_space<vmem>> -> memref<1x128xi32, #tpu.memory_space<vmem>>
      %dma_wait3A_51 = tpu.memref_squeeze %dma_wait3A_50 : memref<1x128xi32, #tpu.memory_space<vmem>> -> memref<128xi32, #tpu.memory_space<vmem>>
      %dma_wait3A_52 = arith.constant 0 : i32
      %dma_wait3A_53 = arith.constant 0 : i32
      %dma_wait3A_54 = tpu.memref_slice %arg2[%dma_wait3A_52, %dma_wait3A_53] : memref<10000x64xf32, #tpu.memory_space<hbm>> -> memref<10000x64xf32, #tpu.memory_space<hbm>>
      tpu.wait_indirect_dma semaphore(%arg12 : memref<!tpu.dma_semaphore, #tpu.memory_space<semaphore_mem>>) src(%dma_wait3A_54 : memref<10000x64xf32, #tpu.memory_space<hbm>>) dst(%arg9 : memref<128x64xf32, #tpu.memory_space<vmem>>)
      %run_scoped3A_55 = arith.constant 107 : i32
      "tpu.region"() ({
        %run_scoped3A_56 = tpu.sem_alloc : memref<!tpu.dma_semaphore, #tpu.memory_space<semaphore_mem>>
        %dma_start3A_57 = arith.constant 0 : i32
        %dma_start3A_58 = tpu.memref_slice %arg7[%run_scoped3A_55, %dma_start3A_57] : memref<108x128xi32, #tpu.memory_space<vmem>> -> memref<1x128xi32, #tpu.memory_space<vmem>>
        %dma_start3A_59 = tpu.memref_squeeze %dma_start3A_58 : memref<1x128xi32, #tpu.memory_space<vmem>> -> memref<128xi32, #tpu.memory_space<vmem>>
        %dma_start3A_60 = arith.constant 0 : i32
        %dma_start3A_61 = arith.constant 0 : i32
        %dma_start3A_62 = tpu.memref_slice %arg10[%dma_start3A_60, %dma_start3A_61] : memref<10240x64xf32, #tpu.memory_space<vmem_shared>> -> memref<10240x64xf32, #tpu.memory_space<vmem_shared>>
        tpu.enqueue_indirect_dma source(%arg9 : memref<128x64xf32, #tpu.memory_space<vmem>>) target(%dma_start3A_62 : memref<10240x64xf32, #tpu.memory_space<vmem_shared>>) offsets(%dma_start3A_59 : memref<128xi32, #tpu.memory_space<vmem>>) semaphore(%run_scoped3A_56 : memref<!tpu.dma_semaphore, #tpu.memory_space<semaphore_mem>>) {add = true}
        %dma_wait3A_63 = arith.constant 0 : i32
        %dma_wait3A_64 = tpu.memref_slice %arg7[%run_scoped3A_55, %dma_wait3A_63] : memref<108x128xi32, #tpu.memory_space<vmem>> -> memref<1x128xi32, #tpu.memory_space<vmem>>
        %dma_wait3A_65 = tpu.memref_squeeze %dma_wait3A_64 : memref<1x128xi32, #tpu.memory_space<vmem>> -> memref<128xi32, #tpu.memory_space<vmem>>
        %dma_wait3A_66 = arith.constant 0 : i32
        %dma_wait3A_67 = arith.constant 0 : i32
        %dma_wait3A_68 = tpu.memref_slice %arg10[%dma_wait3A_66, %dma_wait3A_67] : memref<10240x64xf32, #tpu.memory_space<vmem_shared>> -> memref<10240x64xf32, #tpu.memory_space<vmem_shared>>
        tpu.wait_indirect_dma semaphore(%run_scoped3A_56 : memref<!tpu.dma_semaphore, #tpu.memory_space<semaphore_mem>>) src(%arg9 : memref<128x64xf32, #tpu.memory_space<vmem>>) dst(%dma_wait3A_68 : memref<10240x64xf32, #tpu.memory_space<vmem_shared>>)
        tpu.yield
      }) : () -> ()
    } else {
    }
    %eq3A_13 = arith.constant 1 : i32
    %eq3A_14 = arith.cmpi eq, %arg0, %eq3A_13 : i32
    %convert_element_type3A_15 = arith.extui %eq3A_14 : i1 to i32
    %cond3A_16 = arith.constant 0 : i32
    %cond3A_17 = arith.cmpi ne, %convert_element_type3A_15, %cond3A_16 : i32
    scf.if %cond3A_17 {
      %dma_start3A = arith.constant 0 : i32
      %dma_start3A_23 = arith.constant 0 : i32
      %dma_start3A_24 = tpu.memref_slice %arg6[%dma_start3A, %dma_start3A_23] : memref<108x128xi32, #tpu.memory_space<vmem>> -> memref<1x128xi32, #tpu.memory_space<vmem>>
      %dma_start3A_25 = tpu.memref_squeeze %dma_start3A_24 : memref<1x128xi32, #tpu.memory_space<vmem>> -> memref<128xi32, #tpu.memory_space<vmem>>
      %dma_start3A_26 = arith.constant 0 : i32
      %dma_start3A_27 = arith.constant 0 : i32
      %dma_start3A_28 = tpu.memref_slice %arg2[%dma_start3A_26, %dma_start3A_27] : memref<10000x64xf32, #tpu.memory_space<hbm>> -> memref<10000x64xf32, #tpu.memory_space<hbm>>
      tpu.enqueue_indirect_dma source(%dma_start3A_28 : memref<10000x64xf32, #tpu.memory_space<hbm>>) target(%arg8 : memref<128x64xf32, #tpu.memory_space<vmem>>) offsets(%dma_start3A_25 : memref<128xi32, #tpu.memory_space<vmem>>) semaphore(%arg11 : memref<!tpu.dma_semaphore, #tpu.memory_space<semaphore_mem>>)
      %dma_start3A_29 = arith.constant 1 : i32
      %dma_start3A_30 = arith.constant 0 : i32
      %dma_start3A_31 = tpu.memref_slice %arg6[%dma_start3A_29, %dma_start3A_30] : memref<108x128xi32, #tpu.memory_space<vmem>> -> memref<1x128xi32, #tpu.memory_space<vmem>>
      %dma_start3A_32 = tpu.memref_squeeze %dma_start3A_31 : memref<1x128xi32, #tpu.memory_space<vmem>> -> memref<128xi32, #tpu.memory_space<vmem>>
      %dma_start3A_33 = arith.constant 0 : i32
      %dma_start3A_34 = arith.constant 0 : i32
      %dma_start3A_35 = tpu.memref_slice %arg2[%dma_start3A_33, %dma_start3A_34] : memref<10000x64xf32, #tpu.memory_space<hbm>> -> memref<10000x64xf32, #tpu.memory_space<hbm>>
      tpu.enqueue_indirect_dma source(%dma_start3A_35 : memref<10000x64xf32, #tpu.memory_space<hbm>>) target(%arg9 : memref<128x64xf32, #tpu.memory_space<vmem>>) offsets(%dma_start3A_32 : memref<128xi32, #tpu.memory_space<vmem>>) semaphore(%arg12 : memref<!tpu.dma_semaphore, #tpu.memory_space<semaphore_mem>>)
      %scan3A = arith.constant 0 : i32
      %scan3A_36 = arith.constant 0 : i32
      %scan3A_37 = arith.constant 24 : i32
      %scan3A_38 = arith.addi %scan3A_36, %scan3A_37 : i32
      %scan3A_39 = arith.constant 1 : i32
      %scan3A_40 = scf.for %scan3A_56 = %scan3A_36 to %scan3A_38 step %scan3A_39 iter_args(%scan3A_57 = %scan3A) -> (i32)  : i32 {
        %mul3A_58 = arith.constant 2 : i32
        %mul3A_59 = arith.muli %mul3A_58, %scan3A_56 : i32
        %dma_wait3A_60 = arith.constant 0 : i32
        %dma_wait3A_61 = tpu.memref_slice %arg6[%mul3A_59, %dma_wait3A_60] : memref<108x128xi32, #tpu.memory_space<vmem>> -> memref<1x128xi32, #tpu.memory_space<vmem>>
        %dma_wait3A_62 = tpu.memref_squeeze %dma_wait3A_61 : memref<1x128xi32, #tpu.memory_space<vmem>> -> memref<128xi32, #tpu.memory_space<vmem>>
        %dma_wait3A_63 = arith.constant 0 : i32
        %dma_wait3A_64 = arith.constant 0 : i32
        %dma_wait3A_65 = tpu.memref_slice %arg2[%dma_wait3A_63, %dma_wait3A_64] : memref<10000x64xf32, #tpu.memory_space<hbm>> -> memref<10000x64xf32, #tpu.memory_space<hbm>>
        tpu.wait_indirect_dma semaphore(%arg11 : memref<!tpu.dma_semaphore, #tpu.memory_space<semaphore_mem>>) src(%dma_wait3A_65 : memref<10000x64xf32, #tpu.memory_space<hbm>>) dst(%arg8 : memref<128x64xf32, #tpu.memory_space<vmem>>)
        "tpu.region"() ({
          %run_scoped3A_92 = tpu.sem_alloc : memref<!tpu.dma_semaphore, #tpu.memory_space<semaphore_mem>>
          %dma_start3A_93 = arith.constant 0 : i32
          %dma_start3A_94 = tpu.memref_slice %arg7[%mul3A_59, %dma_start3A_93] : memref<108x128xi32, #tpu.memory_space<vmem>> -> memref<1x128xi32, #tpu.memory_space<vmem>>
          %dma_start3A_95 = tpu.memref_squeeze %dma_start3A_94 : memref<1x128xi32, #tpu.memory_space<vmem>> -> memref<128xi32, #tpu.memory_space<vmem>>
          %dma_start3A_96 = arith.constant 0 : i32
          %dma_start3A_97 = arith.constant 0 : i32
          %dma_start3A_98 = tpu.memref_slice %arg10[%dma_start3A_96, %dma_start3A_97] : memref<10240x64xf32, #tpu.memory_space<vmem_shared>> -> memref<10240x64xf32, #tpu.memory_space<vmem_shared>>
          tpu.enqueue_indirect_dma source(%arg8 : memref<128x64xf32, #tpu.memory_space<vmem>>) target(%dma_start3A_98 : memref<10240x64xf32, #tpu.memory_space<vmem_shared>>) offsets(%dma_start3A_95 : memref<128xi32, #tpu.memory_space<vmem>>) semaphore(%run_scoped3A_92 : memref<!tpu.dma_semaphore, #tpu.memory_space<semaphore_mem>>) {add = true}
          %dma_wait3A_99 = arith.constant 0 : i32
          %dma_wait3A_100 = tpu.memref_slice %arg7[%mul3A_59, %dma_wait3A_99] : memref<108x128xi32, #tpu.memory_space<vmem>> -> memref<1x128xi32, #tpu.memory_space<vmem>>
          %dma_wait3A_101 = tpu.memref_squeeze %dma_wait3A_100 : memref<1x128xi32, #tpu.memory_space<vmem>> -> memref<128xi32, #tpu.memory_space<vmem>>
          %dma_wait3A_102 = arith.constant 0 : i32
          %dma_wait3A_103 = arith.constant 0 : i32
          %dma_wait3A_104 = tpu.memref_slice %arg10[%dma_wait3A_102, %dma_wait3A_103] : memref<10240x64xf32, #tpu.memory_space<vmem_shared>> -> memref<10240x64xf32, #tpu.memory_space<vmem_shared>>
          tpu.wait_indirect_dma semaphore(%run_scoped3A_92 : memref<!tpu.dma_semaphore, #tpu.memory_space<semaphore_mem>>) src(%arg8 : memref<128x64xf32, #tpu.memory_space<vmem>>) dst(%dma_wait3A_104 : memref<10240x64xf32, #tpu.memory_space<vmem_shared>>)
          tpu.yield
        }) : () -> ()
        %add3A = arith.constant 2 : i32
        %add3A_66 = arith.addi %mul3A_59, %add3A : i32
        %dma_start3A_67 = arith.constant 0 : i32
        %dma_start3A_68 = tpu.memref_slice %arg6[%add3A_66, %dma_start3A_67] : memref<108x128xi32, #tpu.memory_space<vmem>> -> memref<1x128xi32, #tpu.memory_space<vmem>>
        %dma_start3A_69 = tpu.memref_squeeze %dma_start3A_68 : memref<1x128xi32, #tpu.memory_space<vmem>> -> memref<128xi32, #tpu.memory_space<vmem>>
        %dma_start3A_70 = arith.constant 0 : i32
        %dma_start3A_71 = arith.constant 0 : i32
        %dma_start3A_72 = tpu.memref_slice %arg2[%dma_start3A_70, %dma_start3A_71] : memref<10000x64xf32, #tpu.memory_space<hbm>> -> memref<10000x64xf32, #tpu.memory_space<hbm>>
        tpu.enqueue_indirect_dma source(%dma_start3A_72 : memref<10000x64xf32, #tpu.memory_space<hbm>>) target(%arg8 : memref<128x64xf32, #tpu.memory_space<vmem>>) offsets(%dma_start3A_69 : memref<128xi32, #tpu.memory_space<vmem>>) semaphore(%arg11 : memref<!tpu.dma_semaphore, #tpu.memory_space<semaphore_mem>>)
        %add3A_73 = arith.constant 1 : i32
        %add3A_74 = arith.addi %mul3A_59, %add3A_73 : i32
        %dma_wait3A_75 = arith.constant 0 : i32
        %dma_wait3A_76 = tpu.memref_slice %arg6[%add3A_74, %dma_wait3A_75] : memref<108x128xi32, #tpu.memory_space<vmem>> -> memref<1x128xi32, #tpu.memory_space<vmem>>
        %dma_wait3A_77 = tpu.memref_squeeze %dma_wait3A_76 : memref<1x128xi32, #tpu.memory_space<vmem>> -> memref<128xi32, #tpu.memory_space<vmem>>
        %dma_wait3A_78 = arith.constant 0 : i32
        %dma_wait3A_79 = arith.constant 0 : i32
        %dma_wait3A_80 = tpu.memref_slice %arg2[%dma_wait3A_78, %dma_wait3A_79] : memref<10000x64xf32, #tpu.memory_space<hbm>> -> memref<10000x64xf32, #tpu.memory_space<hbm>>
        tpu.wait_indirect_dma semaphore(%arg12 : memref<!tpu.dma_semaphore, #tpu.memory_space<semaphore_mem>>) src(%dma_wait3A_80 : memref<10000x64xf32, #tpu.memory_space<hbm>>) dst(%arg9 : memref<128x64xf32, #tpu.memory_space<vmem>>)
        %add3A_81 = arith.constant 1 : i32
        %add3A_82 = arith.addi %mul3A_59, %add3A_81 : i32
        "tpu.region"() ({
          %run_scoped3A_92 = tpu.sem_alloc : memref<!tpu.dma_semaphore, #tpu.memory_space<semaphore_mem>>
          %dma_start3A_93 = arith.constant 0 : i32
          %dma_start3A_94 = tpu.memref_slice %arg7[%add3A_82, %dma_start3A_93] : memref<108x128xi32, #tpu.memory_space<vmem>> -> memref<1x128xi32, #tpu.memory_space<vmem>>
          %dma_start3A_95 = tpu.memref_squeeze %dma_start3A_94 : memref<1x128xi32, #tpu.memory_space<vmem>> -> memref<128xi32, #tpu.memory_space<vmem>>
          %dma_start3A_96 = arith.constant 0 : i32
          %dma_start3A_97 = arith.constant 0 : i32
          %dma_start3A_98 = tpu.memref_slice %arg10[%dma_start3A_96, %dma_start3A_97] : memref<10240x64xf32, #tpu.memory_space<vmem_shared>> -> memref<10240x64xf32, #tpu.memory_space<vmem_shared>>
          tpu.enqueue_indirect_dma source(%arg9 : memref<128x64xf32, #tpu.memory_space<vmem>>) target(%dma_start3A_98 : memref<10240x64xf32, #tpu.memory_space<vmem_shared>>) offsets(%dma_start3A_95 : memref<128xi32, #tpu.memory_space<vmem>>) semaphore(%run_scoped3A_92 : memref<!tpu.dma_semaphore, #tpu.memory_space<semaphore_mem>>) {add = true}
          %dma_wait3A_99 = arith.constant 0 : i32
          %dma_wait3A_100 = tpu.memref_slice %arg7[%add3A_82, %dma_wait3A_99] : memref<108x128xi32, #tpu.memory_space<vmem>> -> memref<1x128xi32, #tpu.memory_space<vmem>>
          %dma_wait3A_101 = tpu.memref_squeeze %dma_wait3A_100 : memref<1x128xi32, #tpu.memory_space<vmem>> -> memref<128xi32, #tpu.memory_space<vmem>>
          %dma_wait3A_102 = arith.constant 0 : i32
          %dma_wait3A_103 = arith.constant 0 : i32
          %dma_wait3A_104 = tpu.memref_slice %arg10[%dma_wait3A_102, %dma_wait3A_103] : memref<10240x64xf32, #tpu.memory_space<vmem_shared>> -> memref<10240x64xf32, #tpu.memory_space<vmem_shared>>
          tpu.wait_indirect_dma semaphore(%run_scoped3A_92 : memref<!tpu.dma_semaphore, #tpu.memory_space<semaphore_mem>>) src(%arg9 : memref<128x64xf32, #tpu.memory_space<vmem>>) dst(%dma_wait3A_104 : memref<10240x64xf32, #tpu.memory_space<vmem_shared>>)
          tpu.yield
        }) : () -> ()
        %add3A_83 = arith.constant 3 : i32
        %add3A_84 = arith.addi %mul3A_59, %add3A_83 : i32
        %dma_start3A_85 = arith.constant 0 : i32
        %dma_start3A_86 = tpu.memref_slice %arg6[%add3A_84, %dma_start3A_85] : memref<108x128xi32, #tpu.memory_space<vmem>> -> memref<1x128xi32, #tpu.memory_space<vmem>>
        %dma_start3A_87 = tpu.memref_squeeze %dma_start3A_86 : memref<1x128xi32, #tpu.memory_space<vmem>> -> memref<128xi32, #tpu.memory_space<vmem>>
        %dma_start3A_88 = arith.constant 0 : i32
        %dma_start3A_89 = arith.constant 0 : i32
        %dma_start3A_90 = tpu.memref_slice %arg2[%dma_start3A_88, %dma_start3A_89] : memref<10000x64xf32, #tpu.memory_space<hbm>> -> memref<10000x64xf32, #tpu.memory_space<hbm>>
        tpu.enqueue_indirect_dma source(%dma_start3A_90 : memref<10000x64xf32, #tpu.memory_space<hbm>>) target(%arg9 : memref<128x64xf32, #tpu.memory_space<vmem>>) offsets(%dma_start3A_87 : memref<128xi32, #tpu.memory_space<vmem>>) semaphore(%arg12 : memref<!tpu.dma_semaphore, #tpu.memory_space<semaphore_mem>>)
        %scan3A_91 = arith.constant 0 : i32
        scf.yield %scan3A_91 : i32
      }
      %scan3A_41 = arith.constant 24 : i32
      %dma_wait3A = arith.constant 48 : i32
      %dma_wait3A_42 = arith.constant 0 : i32
      %dma_wait3A_43 = tpu.memref_slice %arg6[%dma_wait3A, %dma_wait3A_42] : memref<108x128xi32, #tpu.memory_space<vmem>> -> memref<1x128xi32, #tpu.memory_space<vmem>>
      %dma_wait3A_44 = tpu.memref_squeeze %dma_wait3A_43 : memref<1x128xi32, #tpu.memory_space<vmem>> -> memref<128xi32, #tpu.memory_space<vmem>>
      %dma_wait3A_45 = arith.constant 0 : i32
      %dma_wait3A_46 = arith.constant 0 : i32
      %dma_wait3A_47 = tpu.memref_slice %arg2[%dma_wait3A_45, %dma_wait3A_46] : memref<10000x64xf32, #tpu.memory_space<hbm>> -> memref<10000x64xf32, #tpu.memory_space<hbm>>
      tpu.wait_indirect_dma semaphore(%arg11 : memref<!tpu.dma_semaphore, #tpu.memory_space<semaphore_mem>>) src(%dma_wait3A_47 : memref<10000x64xf32, #tpu.memory_space<hbm>>) dst(%arg8 : memref<128x64xf32, #tpu.memory_space<vmem>>)
      %run_scoped3A = arith.constant 48 : i32
      "tpu.region"() ({
        %run_scoped3A_56 = tpu.sem_alloc : memref<!tpu.dma_semaphore, #tpu.memory_space<semaphore_mem>>
        %dma_start3A_57 = arith.constant 0 : i32
        %dma_start3A_58 = tpu.memref_slice %arg7[%run_scoped3A, %dma_start3A_57] : memref<108x128xi32, #tpu.memory_space<vmem>> -> memref<1x128xi32, #tpu.memory_space<vmem>>
        %dma_start3A_59 = tpu.memref_squeeze %dma_start3A_58 : memref<1x128xi32, #tpu.memory_space<vmem>> -> memref<128xi32, #tpu.memory_space<vmem>>
        %dma_start3A_60 = arith.constant 0 : i32
        %dma_start3A_61 = arith.constant 0 : i32
        %dma_start3A_62 = tpu.memref_slice %arg10[%dma_start3A_60, %dma_start3A_61] : memref<10240x64xf32, #tpu.memory_space<vmem_shared>> -> memref<10240x64xf32, #tpu.memory_space<vmem_shared>>
        tpu.enqueue_indirect_dma source(%arg8 : memref<128x64xf32, #tpu.memory_space<vmem>>) target(%dma_start3A_62 : memref<10240x64xf32, #tpu.memory_space<vmem_shared>>) offsets(%dma_start3A_59 : memref<128xi32, #tpu.memory_space<vmem>>) semaphore(%run_scoped3A_56 : memref<!tpu.dma_semaphore, #tpu.memory_space<semaphore_mem>>) {add = true}
        %dma_wait3A_63 = arith.constant 0 : i32
        %dma_wait3A_64 = tpu.memref_slice %arg7[%run_scoped3A, %dma_wait3A_63] : memref<108x128xi32, #tpu.memory_space<vmem>> -> memref<1x128xi32, #tpu.memory_space<vmem>>
        %dma_wait3A_65 = tpu.memref_squeeze %dma_wait3A_64 : memref<1x128xi32, #tpu.memory_space<vmem>> -> memref<128xi32, #tpu.memory_space<vmem>>
        %dma_wait3A_66 = arith.constant 0 : i32
        %dma_wait3A_67 = arith.constant 0 : i32
        %dma_wait3A_68 = tpu.memref_slice %arg10[%dma_wait3A_66, %dma_wait3A_67] : memref<10240x64xf32, #tpu.memory_space<vmem_shared>> -> memref<10240x64xf32, #tpu.memory_space<vmem_shared>>
        tpu.wait_indirect_dma semaphore(%run_scoped3A_56 : memref<!tpu.dma_semaphore, #tpu.memory_space<semaphore_mem>>) src(%arg8 : memref<128x64xf32, #tpu.memory_space<vmem>>) dst(%dma_wait3A_68 : memref<10240x64xf32, #tpu.memory_space<vmem_shared>>)
        tpu.yield
      }) : () -> ()
      %dma_wait3A_48 = arith.constant 49 : i32
      %dma_wait3A_49 = arith.constant 0 : i32
      %dma_wait3A_50 = tpu.memref_slice %arg6[%dma_wait3A_48, %dma_wait3A_49] : memref<108x128xi32, #tpu.memory_space<vmem>> -> memref<1x128xi32, #tpu.memory_space<vmem>>
      %dma_wait3A_51 = tpu.memref_squeeze %dma_wait3A_50 : memref<1x128xi32, #tpu.memory_space<vmem>> -> memref<128xi32, #tpu.memory_space<vmem>>
      %dma_wait3A_52 = arith.constant 0 : i32
      %dma_wait3A_53 = arith.constant 0 : i32
      %dma_wait3A_54 = tpu.memref_slice %arg2[%dma_wait3A_52, %dma_wait3A_53] : memref<10000x64xf32, #tpu.memory_space<hbm>> -> memref<10000x64xf32, #tpu.memory_space<hbm>>
      tpu.wait_indirect_dma semaphore(%arg12 : memref<!tpu.dma_semaphore, #tpu.memory_space<semaphore_mem>>) src(%dma_wait3A_54 : memref<10000x64xf32, #tpu.memory_space<hbm>>) dst(%arg9 : memref<128x64xf32, #tpu.memory_space<vmem>>)
      %run_scoped3A_55 = arith.constant 49 : i32
      "tpu.region"() ({
        %run_scoped3A_56 = tpu.sem_alloc : memref<!tpu.dma_semaphore, #tpu.memory_space<semaphore_mem>>
        %dma_start3A_57 = arith.constant 0 : i32
        %dma_start3A_58 = tpu.memref_slice %arg7[%run_scoped3A_55, %dma_start3A_57] : memref<108x128xi32, #tpu.memory_space<vmem>> -> memref<1x128xi32, #tpu.memory_space<vmem>>
        %dma_start3A_59 = tpu.memref_squeeze %dma_start3A_58 : memref<1x128xi32, #tpu.memory_space<vmem>> -> memref<128xi32, #tpu.memory_space<vmem>>
        %dma_start3A_60 = arith.constant 0 : i32
        %dma_start3A_61 = arith.constant 0 : i32
        %dma_start3A_62 = tpu.memref_slice %arg10[%dma_start3A_60, %dma_start3A_61] : memref<10240x64xf32, #tpu.memory_space<vmem_shared>> -> memref<10240x64xf32, #tpu.memory_space<vmem_shared>>
        tpu.enqueue_indirect_dma source(%arg9 : memref<128x64xf32, #tpu.memory_space<vmem>>) target(%dma_start3A_62 : memref<10240x64xf32, #tpu.memory_space<vmem_shared>>) offsets(%dma_start3A_59 : memref<128xi32, #tpu.memory_space<vmem>>) semaphore(%run_scoped3A_56 : memref<!tpu.dma_semaphore, #tpu.memory_space<semaphore_mem>>) {add = true}
        %dma_wait3A_63 = arith.constant 0 : i32
        %dma_wait3A_64 = tpu.memref_slice %arg7[%run_scoped3A_55, %dma_wait3A_63] : memref<108x128xi32, #tpu.memory_space<vmem>> -> memref<1x128xi32, #tpu.memory_space<vmem>>
        %dma_wait3A_65 = tpu.memref_squeeze %dma_wait3A_64 : memref<1x128xi32, #tpu.memory_space<vmem>> -> memref<128xi32, #tpu.memory_space<vmem>>
        %dma_wait3A_66 = arith.constant 0 : i32
        %dma_wait3A_67 = arith.constant 0 : i32
        %dma_wait3A_68 = tpu.memref_slice %arg10[%dma_wait3A_66, %dma_wait3A_67] : memref<10240x64xf32, #tpu.memory_space<vmem_shared>> -> memref<10240x64xf32, #tpu.memory_space<vmem_shared>>
        tpu.wait_indirect_dma semaphore(%run_scoped3A_56 : memref<!tpu.dma_semaphore, #tpu.memory_space<semaphore_mem>>) src(%arg9 : memref<128x64xf32, #tpu.memory_space<vmem>>) dst(%dma_wait3A_68 : memref<10240x64xf32, #tpu.memory_space<vmem_shared>>)
        tpu.yield
      }) : () -> ()
    } else {
    }
    %barrier3A_18 = arith.constant 0 : index
    tpu.barrier barrier_id(%barrier3A_18)
    %mul3A_19 = arith.constant 640 : i32
    %mul3A_20 = arith.muli %arg1, %mul3A_19 : i32
    %mul3A_21 = arith.constant 640 : i32
    %mul3A_22 = arith.muli %arg1, %mul3A_21 : i32
    "tpu.region"() ({
      %run_scoped3A = tpu.sem_alloc : memref<!tpu.dma_semaphore, #tpu.memory_space<semaphore_mem>>
      %dma_start3A = arith.constant 0 : i32
      %dma_start3A_23 = tpu.memref_slice %arg5[%arg0, %mul3A_22, %dma_start3A] : memref<2x10240x64xf32, #tpu.memory_space<hbm>> -> memref<1x640x64xf32, #tpu.memory_space<hbm>>
      %dma_start3A_24 = tpu.memref_squeeze %dma_start3A_23 : memref<1x640x64xf32, #tpu.memory_space<hbm>> -> memref<640x64xf32, #tpu.memory_space<hbm>>
      %dma_start3A_25 = arith.constant 0 : i32
      %dma_start3A_26 = tpu.memref_slice %arg10[%mul3A_20, %dma_start3A_25] : memref<10240x64xf32, #tpu.memory_space<vmem_shared>> -> memref<640x64xf32, #tpu.memory_space<vmem_shared>>
      tpu.enqueue_dma source(%dma_start3A_26 : memref<640x64xf32, #tpu.memory_space<vmem_shared>>) target(%dma_start3A_24 : memref<640x64xf32, #tpu.memory_space<hbm>>) target_semaphore(%run_scoped3A : memref<!tpu.dma_semaphore, #tpu.memory_space<semaphore_mem>>)
      %dma_wait3A = arith.constant 0 : i32
      %dma_wait3A_27 = tpu.memref_slice %arg5[%arg0, %mul3A_22, %dma_wait3A] : memref<2x10240x64xf32, #tpu.memory_space<hbm>> -> memref<1x640x64xf32, #tpu.memory_space<hbm>>
      %dma_wait3A_28 = tpu.memref_squeeze %dma_wait3A_27 : memref<1x640x64xf32, #tpu.memory_space<hbm>> -> memref<640x64xf32, #tpu.memory_space<hbm>>
      %dma_wait3A_29 = arith.constant 0 : i32
      %dma_wait3A_30 = tpu.memref_slice %arg10[%mul3A_20, %dma_wait3A_29] : memref<10240x64xf32, #tpu.memory_space<vmem_shared>> -> memref<640x64xf32, #tpu.memory_space<vmem_shared>>
      tpu.wait_dma2 semaphore(%run_scoped3A : memref<!tpu.dma_semaphore, #tpu.memory_space<semaphore_mem>>) src(%dma_wait3A_30 : memref<640x64xf32, #tpu.memory_space<vmem_shared>>) dst(%dma_wait3A_28 : memref<640x64xf32, #tpu.memory_space<hbm>>)
      tpu.yield
    }) : () -> ()
    return
  }
}

#map = affine_map<(d0, d1) -> (0, 0)>
#map1 = affine_map<(d0, d1) -> (0, 0, 0)>
#map2 = affine_map<(d0, d1) -> (0, 0, 0, 0)>
module attributes {stable_mosaic.version = 14 : i64} {
  func.func @_segment_sum2_sc_body(%arg0: i32, %arg1: i32, %arg2: memref<10000x64xf32, #tpu.memory_space<hbm>>, %arg3: memref<10000x64xf32, #tpu.memory_space<hbm>>, %arg4: memref<2x2528x128xi32, #tpu.memory_space<hbm>>, %arg5: memref<640x64xf32, #tpu.memory_space<hbm>>, %arg6: memref<2x2x10240x64xf32, #tpu.memory_space<hbm>>, %arg7: memref<108x128xi32, #tpu.memory_space<vmem>>, %arg8: memref<108x128xi32, #tpu.memory_space<vmem>>, %arg9: memref<128x64xf32, #tpu.memory_space<vmem>>, %arg10: memref<128x64xf32, #tpu.memory_space<vmem>>, %arg11: memref<10240x64xf32, #tpu.memory_space<vmem_shared>>, %arg12: memref<!tpu.dma_semaphore, #tpu.memory_space<semaphore_mem>>, %arg13: memref<!tpu.dma_semaphore, #tpu.memory_space<semaphore_mem>>) attributes {dimension_semantics = [#tpu.dimension_semantics<core_parallel>, #tpu.dimension_semantics<subcore_parallel>], iteration_bounds = array<i64: 2, 16>, scalar_prefetch = 0 : i64, scratch_operands = 7 : i64, tpu.core_type = #tpu.core_type<sc_vector_subcore>, window_params = [{transform_indices = #map}, {transform_indices = #map}, {transform_indices = #map1}, {transform_indices = #map}, {transform_indices = #map2}]} {
    %mul3A = arith.constant 640 : i32
    %mul3A_0 = arith.muli %arg1, %mul3A : i32
    "tpu.region"() ({
      %run_scoped3A_32 = tpu.sem_alloc : memref<!tpu.dma_semaphore, #tpu.memory_space<semaphore_mem>>
      %dma_start3A = arith.constant 0 : i32
      %dma_start3A_33 = tpu.memref_slice %arg11[%mul3A_0, %dma_start3A] : memref<10240x64xf32, #tpu.memory_space<vmem_shared>> -> memref<640x64xf32, #tpu.memory_space<vmem_shared>>
      tpu.enqueue_dma source(%arg5 : memref<640x64xf32, #tpu.memory_space<hbm>>) target(%dma_start3A_33 : memref<640x64xf32, #tpu.memory_space<vmem_shared>>) target_semaphore(%run_scoped3A_32 : memref<!tpu.dma_semaphore, #tpu.memory_space<semaphore_mem>>)
      %dma_wait3A = arith.constant 0 : i32
      %dma_wait3A_34 = tpu.memref_slice %arg11[%mul3A_0, %dma_wait3A] : memref<10240x64xf32, #tpu.memory_space<vmem_shared>> -> memref<640x64xf32, #tpu.memory_space<vmem_shared>>
      tpu.wait_dma2 semaphore(%run_scoped3A_32 : memref<!tpu.dma_semaphore, #tpu.memory_space<semaphore_mem>>) src(%arg5 : memref<640x64xf32, #tpu.memory_space<hbm>>) dst(%dma_wait3A_34 : memref<640x64xf32, #tpu.memory_space<vmem_shared>>)
      tpu.yield
    }) : () -> ()
    %eq3A = arith.constant 0 : i32
    %eq3A_1 = arith.cmpi eq, %arg0, %eq3A : i32
    %convert_element_type3A = arith.extui %eq3A_1 : i1 to i32
    %cond3A = arith.constant 0 : i32
    %cond3A_2 = arith.cmpi ne, %convert_element_type3A, %cond3A : i32
    scf.if %cond3A_2 {
      %mul3A_32 = arith.constant 108 : i32
      %mul3A_33 = arith.muli %arg1, %mul3A_32 : i32
      %run_scoped3A_34 = arith.constant 0 : i32
      "tpu.region"() ({
        %run_scoped3A_36 = tpu.sem_alloc : memref<!tpu.dma_semaphore, #tpu.memory_space<semaphore_mem>>
        %dma_start3A = arith.constant 0 : i32
        %dma_start3A_37 = arith.constant 0 : i32
        %dma_start3A_38 = tpu.memref_slice %arg7[%dma_start3A, %dma_start3A_37] : memref<108x128xi32, #tpu.memory_space<vmem>> -> memref<108x128xi32, #tpu.memory_space<vmem>>
        %dma_start3A_39 = arith.constant 0 : i32
        %dma_start3A_40 = tpu.memref_slice %arg4[%run_scoped3A_34, %mul3A_33, %dma_start3A_39] : memref<2x2528x128xi32, #tpu.memory_space<hbm>> -> memref<1x108x128xi32, #tpu.memory_space<hbm>>
        %dma_start3A_41 = tpu.memref_squeeze %dma_start3A_40 : memref<1x108x128xi32, #tpu.memory_space<hbm>> -> memref<108x128xi32, #tpu.memory_space<hbm>>
        %dma_start3A_42 = arith.constant 0 : i32
        %dma_start3A_43 = arith.constant 0 : i32
        %dma_start3A_44 = tpu.memref_slice %arg7[%dma_start3A_42, %dma_start3A_43] : memref<108x128xi32, #tpu.memory_space<vmem>> -> memref<108x128xi32, #tpu.memory_space<vmem>>
        %dma_start3A_45 = arith.constant 0 : i32
        %dma_start3A_46 = tpu.memref_slice %arg4[%run_scoped3A_34, %mul3A_33, %dma_start3A_45] : memref<2x2528x128xi32, #tpu.memory_space<hbm>> -> memref<1x108x128xi32, #tpu.memory_space<hbm>>
        %dma_start3A_47 = tpu.memref_squeeze %dma_start3A_46 : memref<1x108x128xi32, #tpu.memory_space<hbm>> -> memref<108x128xi32, #tpu.memory_space<hbm>>
        tpu.enqueue_dma source(%dma_start3A_47 : memref<108x128xi32, #tpu.memory_space<hbm>>) target(%dma_start3A_44 : memref<108x128xi32, #tpu.memory_space<vmem>>) target_semaphore(%run_scoped3A_36 : memref<!tpu.dma_semaphore, #tpu.memory_space<semaphore_mem>>)
        %dma_wait3A = arith.constant 0 : i32
        %dma_wait3A_48 = arith.constant 0 : i32
        %dma_wait3A_49 = tpu.memref_slice %arg7[%dma_wait3A, %dma_wait3A_48] : memref<108x128xi32, #tpu.memory_space<vmem>> -> memref<108x128xi32, #tpu.memory_space<vmem>>
        %dma_wait3A_50 = arith.constant 0 : i32
        %dma_wait3A_51 = tpu.memref_slice %arg4[%run_scoped3A_34, %mul3A_33, %dma_wait3A_50] : memref<2x2528x128xi32, #tpu.memory_space<hbm>> -> memref<1x108x128xi32, #tpu.memory_space<hbm>>
        %dma_wait3A_52 = tpu.memref_squeeze %dma_wait3A_51 : memref<1x108x128xi32, #tpu.memory_space<hbm>> -> memref<108x128xi32, #tpu.memory_space<hbm>>
        %dma_wait3A_53 = arith.constant 0 : i32
        %dma_wait3A_54 = arith.constant 0 : i32
        %dma_wait3A_55 = tpu.memref_slice %arg7[%dma_wait3A_53, %dma_wait3A_54] : memref<108x128xi32, #tpu.memory_space<vmem>> -> memref<108x128xi32, #tpu.memory_space<vmem>>
        %dma_wait3A_56 = arith.constant 0 : i32
        %dma_wait3A_57 = tpu.memref_slice %arg4[%run_scoped3A_34, %mul3A_33, %dma_wait3A_56] : memref<2x2528x128xi32, #tpu.memory_space<hbm>> -> memref<1x108x128xi32, #tpu.memory_space<hbm>>
        %dma_wait3A_58 = tpu.memref_squeeze %dma_wait3A_57 : memref<1x108x128xi32, #tpu.memory_space<hbm>> -> memref<108x128xi32, #tpu.memory_space<hbm>>
        tpu.wait_dma2 semaphore(%run_scoped3A_36 : memref<!tpu.dma_semaphore, #tpu.memory_space<semaphore_mem>>) src(%dma_wait3A_58 : memref<108x128xi32, #tpu.memory_space<hbm>>) dst(%dma_wait3A_55 : memref<108x128xi32, #tpu.memory_space<vmem>>)
        tpu.yield
      }) : () -> ()
      %run_scoped3A_35 = arith.constant 1 : i32
      "tpu.region"() ({
        %run_scoped3A_36 = tpu.sem_alloc : memref<!tpu.dma_semaphore, #tpu.memory_space<semaphore_mem>>
        %dma_start3A = arith.constant 0 : i32
        %dma_start3A_37 = arith.constant 0 : i32
        %dma_start3A_38 = tpu.memref_slice %arg8[%dma_start3A, %dma_start3A_37] : memref<108x128xi32, #tpu.memory_space<vmem>> -> memref<108x128xi32, #tpu.memory_space<vmem>>
        %dma_start3A_39 = arith.constant 0 : i32
        %dma_start3A_40 = tpu.memref_slice %arg4[%run_scoped3A_35, %mul3A_33, %dma_start3A_39] : memref<2x2528x128xi32, #tpu.memory_space<hbm>> -> memref<1x108x128xi32, #tpu.memory_space<hbm>>
        %dma_start3A_41 = tpu.memref_squeeze %dma_start3A_40 : memref<1x108x128xi32, #tpu.memory_space<hbm>> -> memref<108x128xi32, #tpu.memory_space<hbm>>
        %dma_start3A_42 = arith.constant 0 : i32
        %dma_start3A_43 = arith.constant 0 : i32
        %dma_start3A_44 = tpu.memref_slice %arg8[%dma_start3A_42, %dma_start3A_43] : memref<108x128xi32, #tpu.memory_space<vmem>> -> memref<108x128xi32, #tpu.memory_space<vmem>>
        %dma_start3A_45 = arith.constant 0 : i32
        %dma_start3A_46 = tpu.memref_slice %arg4[%run_scoped3A_35, %mul3A_33, %dma_start3A_45] : memref<2x2528x128xi32, #tpu.memory_space<hbm>> -> memref<1x108x128xi32, #tpu.memory_space<hbm>>
        %dma_start3A_47 = tpu.memref_squeeze %dma_start3A_46 : memref<1x108x128xi32, #tpu.memory_space<hbm>> -> memref<108x128xi32, #tpu.memory_space<hbm>>
        tpu.enqueue_dma source(%dma_start3A_47 : memref<108x128xi32, #tpu.memory_space<hbm>>) target(%dma_start3A_44 : memref<108x128xi32, #tpu.memory_space<vmem>>) target_semaphore(%run_scoped3A_36 : memref<!tpu.dma_semaphore, #tpu.memory_space<semaphore_mem>>)
        %dma_wait3A = arith.constant 0 : i32
        %dma_wait3A_48 = arith.constant 0 : i32
        %dma_wait3A_49 = tpu.memref_slice %arg8[%dma_wait3A, %dma_wait3A_48] : memref<108x128xi32, #tpu.memory_space<vmem>> -> memref<108x128xi32, #tpu.memory_space<vmem>>
        %dma_wait3A_50 = arith.constant 0 : i32
        %dma_wait3A_51 = tpu.memref_slice %arg4[%run_scoped3A_35, %mul3A_33, %dma_wait3A_50] : memref<2x2528x128xi32, #tpu.memory_space<hbm>> -> memref<1x108x128xi32, #tpu.memory_space<hbm>>
        %dma_wait3A_52 = tpu.memref_squeeze %dma_wait3A_51 : memref<1x108x128xi32, #tpu.memory_space<hbm>> -> memref<108x128xi32, #tpu.memory_space<hbm>>
        %dma_wait3A_53 = arith.constant 0 : i32
        %dma_wait3A_54 = arith.constant 0 : i32
        %dma_wait3A_55 = tpu.memref_slice %arg8[%dma_wait3A_53, %dma_wait3A_54] : memref<108x128xi32, #tpu.memory_space<vmem>> -> memref<108x128xi32, #tpu.memory_space<vmem>>
        %dma_wait3A_56 = arith.constant 0 : i32
        %dma_wait3A_57 = tpu.memref_slice %arg4[%run_scoped3A_35, %mul3A_33, %dma_wait3A_56] : memref<2x2528x128xi32, #tpu.memory_space<hbm>> -> memref<1x108x128xi32, #tpu.memory_space<hbm>>
        %dma_wait3A_58 = tpu.memref_squeeze %dma_wait3A_57 : memref<1x108x128xi32, #tpu.memory_space<hbm>> -> memref<108x128xi32, #tpu.memory_space<hbm>>
        tpu.wait_dma2 semaphore(%run_scoped3A_36 : memref<!tpu.dma_semaphore, #tpu.memory_space<semaphore_mem>>) src(%dma_wait3A_58 : memref<108x128xi32, #tpu.memory_space<hbm>>) dst(%dma_wait3A_55 : memref<108x128xi32, #tpu.memory_space<vmem>>)
        tpu.yield
      }) : () -> ()
    } else {
    }
    %eq3A_3 = arith.constant 1 : i32
    %eq3A_4 = arith.cmpi eq, %arg0, %eq3A_3 : i32
    %convert_element_type3A_5 = arith.extui %eq3A_4 : i1 to i32
    %cond3A_6 = arith.constant 0 : i32
    %cond3A_7 = arith.cmpi ne, %convert_element_type3A_5, %cond3A_6 : i32
    scf.if %cond3A_7 {
      %mul3A_32 = arith.constant 50 : i32
      %mul3A_33 = arith.muli %arg1, %mul3A_32 : i32
      %add3A = arith.constant 1728 : i32
      %add3A_34 = arith.addi %add3A, %mul3A_33 : i32
      %run_scoped3A_35 = arith.constant 0 : i32
      "tpu.region"() ({
        %run_scoped3A_37 = tpu.sem_alloc : memref<!tpu.dma_semaphore, #tpu.memory_space<semaphore_mem>>
        %dma_start3A = arith.constant 0 : i32
        %dma_start3A_38 = arith.constant 0 : i32
        %dma_start3A_39 = tpu.memref_slice %arg7[%dma_start3A, %dma_start3A_38] : memref<108x128xi32, #tpu.memory_space<vmem>> -> memref<50x128xi32, #tpu.memory_space<vmem>>
        %dma_start3A_40 = arith.constant 0 : i32
        %dma_start3A_41 = tpu.memref_slice %arg4[%run_scoped3A_35, %add3A_34, %dma_start3A_40] : memref<2x2528x128xi32, #tpu.memory_space<hbm>> -> memref<1x50x128xi32, #tpu.memory_space<hbm>>
        %dma_start3A_42 = tpu.memref_squeeze %dma_start3A_41 : memref<1x50x128xi32, #tpu.memory_space<hbm>> -> memref<50x128xi32, #tpu.memory_space<hbm>>
        %dma_start3A_43 = arith.constant 0 : i32
        %dma_start3A_44 = arith.constant 0 : i32
        %dma_start3A_45 = tpu.memref_slice %arg7[%dma_start3A_43, %dma_start3A_44] : memref<108x128xi32, #tpu.memory_space<vmem>> -> memref<50x128xi32, #tpu.memory_space<vmem>>
        %dma_start3A_46 = arith.constant 0 : i32
        %dma_start3A_47 = tpu.memref_slice %arg4[%run_scoped3A_35, %add3A_34, %dma_start3A_46] : memref<2x2528x128xi32, #tpu.memory_space<hbm>> -> memref<1x50x128xi32, #tpu.memory_space<hbm>>
        %dma_start3A_48 = tpu.memref_squeeze %dma_start3A_47 : memref<1x50x128xi32, #tpu.memory_space<hbm>> -> memref<50x128xi32, #tpu.memory_space<hbm>>
        tpu.enqueue_dma source(%dma_start3A_48 : memref<50x128xi32, #tpu.memory_space<hbm>>) target(%dma_start3A_45 : memref<50x128xi32, #tpu.memory_space<vmem>>) target_semaphore(%run_scoped3A_37 : memref<!tpu.dma_semaphore, #tpu.memory_space<semaphore_mem>>)
        %dma_wait3A = arith.constant 0 : i32
        %dma_wait3A_49 = arith.constant 0 : i32
        %dma_wait3A_50 = tpu.memref_slice %arg7[%dma_wait3A, %dma_wait3A_49] : memref<108x128xi32, #tpu.memory_space<vmem>> -> memref<50x128xi32, #tpu.memory_space<vmem>>
        %dma_wait3A_51 = arith.constant 0 : i32
        %dma_wait3A_52 = tpu.memref_slice %arg4[%run_scoped3A_35, %add3A_34, %dma_wait3A_51] : memref<2x2528x128xi32, #tpu.memory_space<hbm>> -> memref<1x50x128xi32, #tpu.memory_space<hbm>>
        %dma_wait3A_53 = tpu.memref_squeeze %dma_wait3A_52 : memref<1x50x128xi32, #tpu.memory_space<hbm>> -> memref<50x128xi32, #tpu.memory_space<hbm>>
        %dma_wait3A_54 = arith.constant 0 : i32
        %dma_wait3A_55 = arith.constant 0 : i32
        %dma_wait3A_56 = tpu.memref_slice %arg7[%dma_wait3A_54, %dma_wait3A_55] : memref<108x128xi32, #tpu.memory_space<vmem>> -> memref<50x128xi32, #tpu.memory_space<vmem>>
        %dma_wait3A_57 = arith.constant 0 : i32
        %dma_wait3A_58 = tpu.memref_slice %arg4[%run_scoped3A_35, %add3A_34, %dma_wait3A_57] : memref<2x2528x128xi32, #tpu.memory_space<hbm>> -> memref<1x50x128xi32, #tpu.memory_space<hbm>>
        %dma_wait3A_59 = tpu.memref_squeeze %dma_wait3A_58 : memref<1x50x128xi32, #tpu.memory_space<hbm>> -> memref<50x128xi32, #tpu.memory_space<hbm>>
        tpu.wait_dma2 semaphore(%run_scoped3A_37 : memref<!tpu.dma_semaphore, #tpu.memory_space<semaphore_mem>>) src(%dma_wait3A_59 : memref<50x128xi32, #tpu.memory_space<hbm>>) dst(%dma_wait3A_56 : memref<50x128xi32, #tpu.memory_space<vmem>>)
        tpu.yield
      }) : () -> ()
      %run_scoped3A_36 = arith.constant 1 : i32
      "tpu.region"() ({
        %run_scoped3A_37 = tpu.sem_alloc : memref<!tpu.dma_semaphore, #tpu.memory_space<semaphore_mem>>
        %dma_start3A = arith.constant 0 : i32
        %dma_start3A_38 = arith.constant 0 : i32
        %dma_start3A_39 = tpu.memref_slice %arg8[%dma_start3A, %dma_start3A_38] : memref<108x128xi32, #tpu.memory_space<vmem>> -> memref<50x128xi32, #tpu.memory_space<vmem>>
        %dma_start3A_40 = arith.constant 0 : i32
        %dma_start3A_41 = tpu.memref_slice %arg4[%run_scoped3A_36, %add3A_34, %dma_start3A_40] : memref<2x2528x128xi32, #tpu.memory_space<hbm>> -> memref<1x50x128xi32, #tpu.memory_space<hbm>>
        %dma_start3A_42 = tpu.memref_squeeze %dma_start3A_41 : memref<1x50x128xi32, #tpu.memory_space<hbm>> -> memref<50x128xi32, #tpu.memory_space<hbm>>
        %dma_start3A_43 = arith.constant 0 : i32
        %dma_start3A_44 = arith.constant 0 : i32
        %dma_start3A_45 = tpu.memref_slice %arg8[%dma_start3A_43, %dma_start3A_44] : memref<108x128xi32, #tpu.memory_space<vmem>> -> memref<50x128xi32, #tpu.memory_space<vmem>>
        %dma_start3A_46 = arith.constant 0 : i32
        %dma_start3A_47 = tpu.memref_slice %arg4[%run_scoped3A_36, %add3A_34, %dma_start3A_46] : memref<2x2528x128xi32, #tpu.memory_space<hbm>> -> memref<1x50x128xi32, #tpu.memory_space<hbm>>
        %dma_start3A_48 = tpu.memref_squeeze %dma_start3A_47 : memref<1x50x128xi32, #tpu.memory_space<hbm>> -> memref<50x128xi32, #tpu.memory_space<hbm>>
        tpu.enqueue_dma source(%dma_start3A_48 : memref<50x128xi32, #tpu.memory_space<hbm>>) target(%dma_start3A_45 : memref<50x128xi32, #tpu.memory_space<vmem>>) target_semaphore(%run_scoped3A_37 : memref<!tpu.dma_semaphore, #tpu.memory_space<semaphore_mem>>)
        %dma_wait3A = arith.constant 0 : i32
        %dma_wait3A_49 = arith.constant 0 : i32
        %dma_wait3A_50 = tpu.memref_slice %arg8[%dma_wait3A, %dma_wait3A_49] : memref<108x128xi32, #tpu.memory_space<vmem>> -> memref<50x128xi32, #tpu.memory_space<vmem>>
        %dma_wait3A_51 = arith.constant 0 : i32
        %dma_wait3A_52 = tpu.memref_slice %arg4[%run_scoped3A_36, %add3A_34, %dma_wait3A_51] : memref<2x2528x128xi32, #tpu.memory_space<hbm>> -> memref<1x50x128xi32, #tpu.memory_space<hbm>>
        %dma_wait3A_53 = tpu.memref_squeeze %dma_wait3A_52 : memref<1x50x128xi32, #tpu.memory_space<hbm>> -> memref<50x128xi32, #tpu.memory_space<hbm>>
        %dma_wait3A_54 = arith.constant 0 : i32
        %dma_wait3A_55 = arith.constant 0 : i32
        %dma_wait3A_56 = tpu.memref_slice %arg8[%dma_wait3A_54, %dma_wait3A_55] : memref<108x128xi32, #tpu.memory_space<vmem>> -> memref<50x128xi32, #tpu.memory_space<vmem>>
        %dma_wait3A_57 = arith.constant 0 : i32
        %dma_wait3A_58 = tpu.memref_slice %arg4[%run_scoped3A_36, %add3A_34, %dma_wait3A_57] : memref<2x2528x128xi32, #tpu.memory_space<hbm>> -> memref<1x50x128xi32, #tpu.memory_space<hbm>>
        %dma_wait3A_59 = tpu.memref_squeeze %dma_wait3A_58 : memref<1x50x128xi32, #tpu.memory_space<hbm>> -> memref<50x128xi32, #tpu.memory_space<hbm>>
        tpu.wait_dma2 semaphore(%run_scoped3A_37 : memref<!tpu.dma_semaphore, #tpu.memory_space<semaphore_mem>>) src(%dma_wait3A_59 : memref<50x128xi32, #tpu.memory_space<hbm>>) dst(%dma_wait3A_56 : memref<50x128xi32, #tpu.memory_space<vmem>>)
        tpu.yield
      }) : () -> ()
    } else {
    }
    %barrier3A = arith.constant 0 : index
    tpu.barrier barrier_id(%barrier3A)
    %eq3A_8 = arith.constant 0 : i32
    %eq3A_9 = arith.cmpi eq, %arg0, %eq3A_8 : i32
    %convert_element_type3A_10 = arith.extui %eq3A_9 : i1 to i32
    %cond3A_11 = arith.constant 0 : i32
    %cond3A_12 = arith.cmpi ne, %convert_element_type3A_10, %cond3A_11 : i32
    scf.if %cond3A_12 {
      %dma_start3A = arith.constant 0 : i32
      %dma_start3A_32 = arith.constant 0 : i32
      %dma_start3A_33 = tpu.memref_slice %arg7[%dma_start3A, %dma_start3A_32] : memref<108x128xi32, #tpu.memory_space<vmem>> -> memref<1x128xi32, #tpu.memory_space<vmem>>
      %dma_start3A_34 = tpu.memref_squeeze %dma_start3A_33 : memref<1x128xi32, #tpu.memory_space<vmem>> -> memref<128xi32, #tpu.memory_space<vmem>>
      %dma_start3A_35 = arith.constant 0 : i32
      %dma_start3A_36 = arith.constant 0 : i32
      %dma_start3A_37 = tpu.memref_slice %arg2[%dma_start3A_35, %dma_start3A_36] : memref<10000x64xf32, #tpu.memory_space<hbm>> -> memref<10000x64xf32, #tpu.memory_space<hbm>>
      tpu.enqueue_indirect_dma source(%dma_start3A_37 : memref<10000x64xf32, #tpu.memory_space<hbm>>) target(%arg9 : memref<128x64xf32, #tpu.memory_space<vmem>>) offsets(%dma_start3A_34 : memref<128xi32, #tpu.memory_space<vmem>>) semaphore(%arg12 : memref<!tpu.dma_semaphore, #tpu.memory_space<semaphore_mem>>)
      %dma_start3A_38 = arith.constant 1 : i32
      %dma_start3A_39 = arith.constant 0 : i32
      %dma_start3A_40 = tpu.memref_slice %arg7[%dma_start3A_38, %dma_start3A_39] : memref<108x128xi32, #tpu.memory_space<vmem>> -> memref<1x128xi32, #tpu.memory_space<vmem>>
      %dma_start3A_41 = tpu.memref_squeeze %dma_start3A_40 : memref<1x128xi32, #tpu.memory_space<vmem>> -> memref<128xi32, #tpu.memory_space<vmem>>
      %dma_start3A_42 = arith.constant 0 : i32
      %dma_start3A_43 = arith.constant 0 : i32
      %dma_start3A_44 = tpu.memref_slice %arg2[%dma_start3A_42, %dma_start3A_43] : memref<10000x64xf32, #tpu.memory_space<hbm>> -> memref<10000x64xf32, #tpu.memory_space<hbm>>
      tpu.enqueue_indirect_dma source(%dma_start3A_44 : memref<10000x64xf32, #tpu.memory_space<hbm>>) target(%arg10 : memref<128x64xf32, #tpu.memory_space<vmem>>) offsets(%dma_start3A_41 : memref<128xi32, #tpu.memory_space<vmem>>) semaphore(%arg13 : memref<!tpu.dma_semaphore, #tpu.memory_space<semaphore_mem>>)
      %scan3A = arith.constant 0 : i32
      %scan3A_45 = arith.constant 0 : i32
      %scan3A_46 = arith.constant 53 : i32
      %scan3A_47 = arith.addi %scan3A_45, %scan3A_46 : i32
      %scan3A_48 = arith.constant 1 : i32
      %scan3A_49 = scf.for %scan3A_66 = %scan3A_45 to %scan3A_47 step %scan3A_48 iter_args(%scan3A_67 = %scan3A) -> (i32)  : i32 {
        %mul3A_68 = arith.constant 2 : i32
        %mul3A_69 = arith.muli %mul3A_68, %scan3A_66 : i32
        %dma_wait3A_70 = arith.constant 0 : i32
        %dma_wait3A_71 = tpu.memref_slice %arg7[%mul3A_69, %dma_wait3A_70] : memref<108x128xi32, #tpu.memory_space<vmem>> -> memref<1x128xi32, #tpu.memory_space<vmem>>
        %dma_wait3A_72 = tpu.memref_squeeze %dma_wait3A_71 : memref<1x128xi32, #tpu.memory_space<vmem>> -> memref<128xi32, #tpu.memory_space<vmem>>
        %dma_wait3A_73 = arith.constant 0 : i32
        %dma_wait3A_74 = arith.constant 0 : i32
        %dma_wait3A_75 = tpu.memref_slice %arg2[%dma_wait3A_73, %dma_wait3A_74] : memref<10000x64xf32, #tpu.memory_space<hbm>> -> memref<10000x64xf32, #tpu.memory_space<hbm>>
        tpu.wait_indirect_dma semaphore(%arg12 : memref<!tpu.dma_semaphore, #tpu.memory_space<semaphore_mem>>) src(%dma_wait3A_75 : memref<10000x64xf32, #tpu.memory_space<hbm>>) dst(%arg9 : memref<128x64xf32, #tpu.memory_space<vmem>>)
        "tpu.region"() ({
          %run_scoped3A_102 = tpu.sem_alloc : memref<!tpu.dma_semaphore, #tpu.memory_space<semaphore_mem>>
          %dma_start3A_103 = arith.constant 0 : i32
          %dma_start3A_104 = tpu.memref_slice %arg8[%mul3A_69, %dma_start3A_103] : memref<108x128xi32, #tpu.memory_space<vmem>> -> memref<1x128xi32, #tpu.memory_space<vmem>>
          %dma_start3A_105 = tpu.memref_squeeze %dma_start3A_104 : memref<1x128xi32, #tpu.memory_space<vmem>> -> memref<128xi32, #tpu.memory_space<vmem>>
          %dma_start3A_106 = arith.constant 0 : i32
          %dma_start3A_107 = arith.constant 0 : i32
          %dma_start3A_108 = tpu.memref_slice %arg11[%dma_start3A_106, %dma_start3A_107] : memref<10240x64xf32, #tpu.memory_space<vmem_shared>> -> memref<10240x64xf32, #tpu.memory_space<vmem_shared>>
          tpu.enqueue_indirect_dma source(%arg9 : memref<128x64xf32, #tpu.memory_space<vmem>>) target(%dma_start3A_108 : memref<10240x64xf32, #tpu.memory_space<vmem_shared>>) offsets(%dma_start3A_105 : memref<128xi32, #tpu.memory_space<vmem>>) semaphore(%run_scoped3A_102 : memref<!tpu.dma_semaphore, #tpu.memory_space<semaphore_mem>>) {add = true}
          %dma_wait3A_109 = arith.constant 0 : i32
          %dma_wait3A_110 = tpu.memref_slice %arg8[%mul3A_69, %dma_wait3A_109] : memref<108x128xi32, #tpu.memory_space<vmem>> -> memref<1x128xi32, #tpu.memory_space<vmem>>
          %dma_wait3A_111 = tpu.memref_squeeze %dma_wait3A_110 : memref<1x128xi32, #tpu.memory_space<vmem>> -> memref<128xi32, #tpu.memory_space<vmem>>
          %dma_wait3A_112 = arith.constant 0 : i32
          %dma_wait3A_113 = arith.constant 0 : i32
          %dma_wait3A_114 = tpu.memref_slice %arg11[%dma_wait3A_112, %dma_wait3A_113] : memref<10240x64xf32, #tpu.memory_space<vmem_shared>> -> memref<10240x64xf32, #tpu.memory_space<vmem_shared>>
          tpu.wait_indirect_dma semaphore(%run_scoped3A_102 : memref<!tpu.dma_semaphore, #tpu.memory_space<semaphore_mem>>) src(%arg9 : memref<128x64xf32, #tpu.memory_space<vmem>>) dst(%dma_wait3A_114 : memref<10240x64xf32, #tpu.memory_space<vmem_shared>>)
          tpu.yield
        }) : () -> ()
        %add3A = arith.constant 2 : i32
        %add3A_76 = arith.addi %mul3A_69, %add3A : i32
        %dma_start3A_77 = arith.constant 0 : i32
        %dma_start3A_78 = tpu.memref_slice %arg7[%add3A_76, %dma_start3A_77] : memref<108x128xi32, #tpu.memory_space<vmem>> -> memref<1x128xi32, #tpu.memory_space<vmem>>
        %dma_start3A_79 = tpu.memref_squeeze %dma_start3A_78 : memref<1x128xi32, #tpu.memory_space<vmem>> -> memref<128xi32, #tpu.memory_space<vmem>>
        %dma_start3A_80 = arith.constant 0 : i32
        %dma_start3A_81 = arith.constant 0 : i32
        %dma_start3A_82 = tpu.memref_slice %arg2[%dma_start3A_80, %dma_start3A_81] : memref<10000x64xf32, #tpu.memory_space<hbm>> -> memref<10000x64xf32, #tpu.memory_space<hbm>>
        tpu.enqueue_indirect_dma source(%dma_start3A_82 : memref<10000x64xf32, #tpu.memory_space<hbm>>) target(%arg9 : memref<128x64xf32, #tpu.memory_space<vmem>>) offsets(%dma_start3A_79 : memref<128xi32, #tpu.memory_space<vmem>>) semaphore(%arg12 : memref<!tpu.dma_semaphore, #tpu.memory_space<semaphore_mem>>)
        %add3A_83 = arith.constant 1 : i32
        %add3A_84 = arith.addi %mul3A_69, %add3A_83 : i32
        %dma_wait3A_85 = arith.constant 0 : i32
        %dma_wait3A_86 = tpu.memref_slice %arg7[%add3A_84, %dma_wait3A_85] : memref<108x128xi32, #tpu.memory_space<vmem>> -> memref<1x128xi32, #tpu.memory_space<vmem>>
        %dma_wait3A_87 = tpu.memref_squeeze %dma_wait3A_86 : memref<1x128xi32, #tpu.memory_space<vmem>> -> memref<128xi32, #tpu.memory_space<vmem>>
        %dma_wait3A_88 = arith.constant 0 : i32
        %dma_wait3A_89 = arith.constant 0 : i32
        %dma_wait3A_90 = tpu.memref_slice %arg2[%dma_wait3A_88, %dma_wait3A_89] : memref<10000x64xf32, #tpu.memory_space<hbm>> -> memref<10000x64xf32, #tpu.memory_space<hbm>>
        tpu.wait_indirect_dma semaphore(%arg13 : memref<!tpu.dma_semaphore, #tpu.memory_space<semaphore_mem>>) src(%dma_wait3A_90 : memref<10000x64xf32, #tpu.memory_space<hbm>>) dst(%arg10 : memref<128x64xf32, #tpu.memory_space<vmem>>)
        %add3A_91 = arith.constant 1 : i32
        %add3A_92 = arith.addi %mul3A_69, %add3A_91 : i32
        "tpu.region"() ({
          %run_scoped3A_102 = tpu.sem_alloc : memref<!tpu.dma_semaphore, #tpu.memory_space<semaphore_mem>>
          %dma_start3A_103 = arith.constant 0 : i32
          %dma_start3A_104 = tpu.memref_slice %arg8[%add3A_92, %dma_start3A_103] : memref<108x128xi32, #tpu.memory_space<vmem>> -> memref<1x128xi32, #tpu.memory_space<vmem>>
          %dma_start3A_105 = tpu.memref_squeeze %dma_start3A_104 : memref<1x128xi32, #tpu.memory_space<vmem>> -> memref<128xi32, #tpu.memory_space<vmem>>
          %dma_start3A_106 = arith.constant 0 : i32
          %dma_start3A_107 = arith.constant 0 : i32
          %dma_start3A_108 = tpu.memref_slice %arg11[%dma_start3A_106, %dma_start3A_107] : memref<10240x64xf32, #tpu.memory_space<vmem_shared>> -> memref<10240x64xf32, #tpu.memory_space<vmem_shared>>
          tpu.enqueue_indirect_dma source(%arg10 : memref<128x64xf32, #tpu.memory_space<vmem>>) target(%dma_start3A_108 : memref<10240x64xf32, #tpu.memory_space<vmem_shared>>) offsets(%dma_start3A_105 : memref<128xi32, #tpu.memory_space<vmem>>) semaphore(%run_scoped3A_102 : memref<!tpu.dma_semaphore, #tpu.memory_space<semaphore_mem>>) {add = true}
          %dma_wait3A_109 = arith.constant 0 : i32
          %dma_wait3A_110 = tpu.memref_slice %arg8[%add3A_92, %dma_wait3A_109] : memref<108x128xi32, #tpu.memory_space<vmem>> -> memref<1x128xi32, #tpu.memory_space<vmem>>
          %dma_wait3A_111 = tpu.memref_squeeze %dma_wait3A_110 : memref<1x128xi32, #tpu.memory_space<vmem>> -> memref<128xi32, #tpu.memory_space<vmem>>
          %dma_wait3A_112 = arith.constant 0 : i32
          %dma_wait3A_113 = arith.constant 0 : i32
          %dma_wait3A_114 = tpu.memref_slice %arg11[%dma_wait3A_112, %dma_wait3A_113] : memref<10240x64xf32, #tpu.memory_space<vmem_shared>> -> memref<10240x64xf32, #tpu.memory_space<vmem_shared>>
          tpu.wait_indirect_dma semaphore(%run_scoped3A_102 : memref<!tpu.dma_semaphore, #tpu.memory_space<semaphore_mem>>) src(%arg10 : memref<128x64xf32, #tpu.memory_space<vmem>>) dst(%dma_wait3A_114 : memref<10240x64xf32, #tpu.memory_space<vmem_shared>>)
          tpu.yield
        }) : () -> ()
        %add3A_93 = arith.constant 3 : i32
        %add3A_94 = arith.addi %mul3A_69, %add3A_93 : i32
        %dma_start3A_95 = arith.constant 0 : i32
        %dma_start3A_96 = tpu.memref_slice %arg7[%add3A_94, %dma_start3A_95] : memref<108x128xi32, #tpu.memory_space<vmem>> -> memref<1x128xi32, #tpu.memory_space<vmem>>
        %dma_start3A_97 = tpu.memref_squeeze %dma_start3A_96 : memref<1x128xi32, #tpu.memory_space<vmem>> -> memref<128xi32, #tpu.memory_space<vmem>>
        %dma_start3A_98 = arith.constant 0 : i32
        %dma_start3A_99 = arith.constant 0 : i32
        %dma_start3A_100 = tpu.memref_slice %arg2[%dma_start3A_98, %dma_start3A_99] : memref<10000x64xf32, #tpu.memory_space<hbm>> -> memref<10000x64xf32, #tpu.memory_space<hbm>>
        tpu.enqueue_indirect_dma source(%dma_start3A_100 : memref<10000x64xf32, #tpu.memory_space<hbm>>) target(%arg10 : memref<128x64xf32, #tpu.memory_space<vmem>>) offsets(%dma_start3A_97 : memref<128xi32, #tpu.memory_space<vmem>>) semaphore(%arg13 : memref<!tpu.dma_semaphore, #tpu.memory_space<semaphore_mem>>)
        %scan3A_101 = arith.constant 0 : i32
        scf.yield %scan3A_101 : i32
      }
      %scan3A_50 = arith.constant 53 : i32
      %dma_wait3A = arith.constant 106 : i32
      %dma_wait3A_51 = arith.constant 0 : i32
      %dma_wait3A_52 = tpu.memref_slice %arg7[%dma_wait3A, %dma_wait3A_51] : memref<108x128xi32, #tpu.memory_space<vmem>> -> memref<1x128xi32, #tpu.memory_space<vmem>>
      %dma_wait3A_53 = tpu.memref_squeeze %dma_wait3A_52 : memref<1x128xi32, #tpu.memory_space<vmem>> -> memref<128xi32, #tpu.memory_space<vmem>>
      %dma_wait3A_54 = arith.constant 0 : i32
      %dma_wait3A_55 = arith.constant 0 : i32
      %dma_wait3A_56 = tpu.memref_slice %arg2[%dma_wait3A_54, %dma_wait3A_55] : memref<10000x64xf32, #tpu.memory_space<hbm>> -> memref<10000x64xf32, #tpu.memory_space<hbm>>
      tpu.wait_indirect_dma semaphore(%arg12 : memref<!tpu.dma_semaphore, #tpu.memory_space<semaphore_mem>>) src(%dma_wait3A_56 : memref<10000x64xf32, #tpu.memory_space<hbm>>) dst(%arg9 : memref<128x64xf32, #tpu.memory_space<vmem>>)
      %run_scoped3A_57 = arith.constant 106 : i32
      "tpu.region"() ({
        %run_scoped3A_66 = tpu.sem_alloc : memref<!tpu.dma_semaphore, #tpu.memory_space<semaphore_mem>>
        %dma_start3A_67 = arith.constant 0 : i32
        %dma_start3A_68 = tpu.memref_slice %arg8[%run_scoped3A_57, %dma_start3A_67] : memref<108x128xi32, #tpu.memory_space<vmem>> -> memref<1x128xi32, #tpu.memory_space<vmem>>
        %dma_start3A_69 = tpu.memref_squeeze %dma_start3A_68 : memref<1x128xi32, #tpu.memory_space<vmem>> -> memref<128xi32, #tpu.memory_space<vmem>>
        %dma_start3A_70 = arith.constant 0 : i32
        %dma_start3A_71 = arith.constant 0 : i32
        %dma_start3A_72 = tpu.memref_slice %arg11[%dma_start3A_70, %dma_start3A_71] : memref<10240x64xf32, #tpu.memory_space<vmem_shared>> -> memref<10240x64xf32, #tpu.memory_space<vmem_shared>>
        tpu.enqueue_indirect_dma source(%arg9 : memref<128x64xf32, #tpu.memory_space<vmem>>) target(%dma_start3A_72 : memref<10240x64xf32, #tpu.memory_space<vmem_shared>>) offsets(%dma_start3A_69 : memref<128xi32, #tpu.memory_space<vmem>>) semaphore(%run_scoped3A_66 : memref<!tpu.dma_semaphore, #tpu.memory_space<semaphore_mem>>) {add = true}
        %dma_wait3A_73 = arith.constant 0 : i32
        %dma_wait3A_74 = tpu.memref_slice %arg8[%run_scoped3A_57, %dma_wait3A_73] : memref<108x128xi32, #tpu.memory_space<vmem>> -> memref<1x128xi32, #tpu.memory_space<vmem>>
        %dma_wait3A_75 = tpu.memref_squeeze %dma_wait3A_74 : memref<1x128xi32, #tpu.memory_space<vmem>> -> memref<128xi32, #tpu.memory_space<vmem>>
        %dma_wait3A_76 = arith.constant 0 : i32
        %dma_wait3A_77 = arith.constant 0 : i32
        %dma_wait3A_78 = tpu.memref_slice %arg11[%dma_wait3A_76, %dma_wait3A_77] : memref<10240x64xf32, #tpu.memory_space<vmem_shared>> -> memref<10240x64xf32, #tpu.memory_space<vmem_shared>>
        tpu.wait_indirect_dma semaphore(%run_scoped3A_66 : memref<!tpu.dma_semaphore, #tpu.memory_space<semaphore_mem>>) src(%arg9 : memref<128x64xf32, #tpu.memory_space<vmem>>) dst(%dma_wait3A_78 : memref<10240x64xf32, #tpu.memory_space<vmem_shared>>)
        tpu.yield
      }) : () -> ()
      %dma_wait3A_58 = arith.constant 107 : i32
      %dma_wait3A_59 = arith.constant 0 : i32
      %dma_wait3A_60 = tpu.memref_slice %arg7[%dma_wait3A_58, %dma_wait3A_59] : memref<108x128xi32, #tpu.memory_space<vmem>> -> memref<1x128xi32, #tpu.memory_space<vmem>>
      %dma_wait3A_61 = tpu.memref_squeeze %dma_wait3A_60 : memref<1x128xi32, #tpu.memory_space<vmem>> -> memref<128xi32, #tpu.memory_space<vmem>>
      %dma_wait3A_62 = arith.constant 0 : i32
      %dma_wait3A_63 = arith.constant 0 : i32
      %dma_wait3A_64 = tpu.memref_slice %arg2[%dma_wait3A_62, %dma_wait3A_63] : memref<10000x64xf32, #tpu.memory_space<hbm>> -> memref<10000x64xf32, #tpu.memory_space<hbm>>
      tpu.wait_indirect_dma semaphore(%arg13 : memref<!tpu.dma_semaphore, #tpu.memory_space<semaphore_mem>>) src(%dma_wait3A_64 : memref<10000x64xf32, #tpu.memory_space<hbm>>) dst(%arg10 : memref<128x64xf32, #tpu.memory_space<vmem>>)
      %run_scoped3A_65 = arith.constant 107 : i32
      "tpu.region"() ({
        %run_scoped3A_66 = tpu.sem_alloc : memref<!tpu.dma_semaphore, #tpu.memory_space<semaphore_mem>>
        %dma_start3A_67 = arith.constant 0 : i32
        %dma_start3A_68 = tpu.memref_slice %arg8[%run_scoped3A_65, %dma_start3A_67] : memref<108x128xi32, #tpu.memory_space<vmem>> -> memref<1x128xi32, #tpu.memory_space<vmem>>
        %dma_start3A_69 = tpu.memref_squeeze %dma_start3A_68 : memref<1x128xi32, #tpu.memory_space<vmem>> -> memref<128xi32, #tpu.memory_space<vmem>>
        %dma_start3A_70 = arith.constant 0 : i32
        %dma_start3A_71 = arith.constant 0 : i32
        %dma_start3A_72 = tpu.memref_slice %arg11[%dma_start3A_70, %dma_start3A_71] : memref<10240x64xf32, #tpu.memory_space<vmem_shared>> -> memref<10240x64xf32, #tpu.memory_space<vmem_shared>>
        tpu.enqueue_indirect_dma source(%arg10 : memref<128x64xf32, #tpu.memory_space<vmem>>) target(%dma_start3A_72 : memref<10240x64xf32, #tpu.memory_space<vmem_shared>>) offsets(%dma_start3A_69 : memref<128xi32, #tpu.memory_space<vmem>>) semaphore(%run_scoped3A_66 : memref<!tpu.dma_semaphore, #tpu.memory_space<semaphore_mem>>) {add = true}
        %dma_wait3A_73 = arith.constant 0 : i32
        %dma_wait3A_74 = tpu.memref_slice %arg8[%run_scoped3A_65, %dma_wait3A_73] : memref<108x128xi32, #tpu.memory_space<vmem>> -> memref<1x128xi32, #tpu.memory_space<vmem>>
        %dma_wait3A_75 = tpu.memref_squeeze %dma_wait3A_74 : memref<1x128xi32, #tpu.memory_space<vmem>> -> memref<128xi32, #tpu.memory_space<vmem>>
        %dma_wait3A_76 = arith.constant 0 : i32
        %dma_wait3A_77 = arith.constant 0 : i32
        %dma_wait3A_78 = tpu.memref_slice %arg11[%dma_wait3A_76, %dma_wait3A_77] : memref<10240x64xf32, #tpu.memory_space<vmem_shared>> -> memref<10240x64xf32, #tpu.memory_space<vmem_shared>>
        tpu.wait_indirect_dma semaphore(%run_scoped3A_66 : memref<!tpu.dma_semaphore, #tpu.memory_space<semaphore_mem>>) src(%arg10 : memref<128x64xf32, #tpu.memory_space<vmem>>) dst(%dma_wait3A_78 : memref<10240x64xf32, #tpu.memory_space<vmem_shared>>)
        tpu.yield
      }) : () -> ()
    } else {
    }
    %eq3A_13 = arith.constant 1 : i32
    %eq3A_14 = arith.cmpi eq, %arg0, %eq3A_13 : i32
    %convert_element_type3A_15 = arith.extui %eq3A_14 : i1 to i32
    %cond3A_16 = arith.constant 0 : i32
    %cond3A_17 = arith.cmpi ne, %convert_element_type3A_15, %cond3A_16 : i32
    scf.if %cond3A_17 {
      %dma_start3A = arith.constant 0 : i32
      %dma_start3A_32 = arith.constant 0 : i32
      %dma_start3A_33 = tpu.memref_slice %arg7[%dma_start3A, %dma_start3A_32] : memref<108x128xi32, #tpu.memory_space<vmem>> -> memref<1x128xi32, #tpu.memory_space<vmem>>
      %dma_start3A_34 = tpu.memref_squeeze %dma_start3A_33 : memref<1x128xi32, #tpu.memory_space<vmem>> -> memref<128xi32, #tpu.memory_space<vmem>>
      %dma_start3A_35 = arith.constant 0 : i32
      %dma_start3A_36 = arith.constant 0 : i32
      %dma_start3A_37 = tpu.memref_slice %arg2[%dma_start3A_35, %dma_start3A_36] : memref<10000x64xf32, #tpu.memory_space<hbm>> -> memref<10000x64xf32, #tpu.memory_space<hbm>>
      tpu.enqueue_indirect_dma source(%dma_start3A_37 : memref<10000x64xf32, #tpu.memory_space<hbm>>) target(%arg9 : memref<128x64xf32, #tpu.memory_space<vmem>>) offsets(%dma_start3A_34 : memref<128xi32, #tpu.memory_space<vmem>>) semaphore(%arg12 : memref<!tpu.dma_semaphore, #tpu.memory_space<semaphore_mem>>)
      %dma_start3A_38 = arith.constant 1 : i32
      %dma_start3A_39 = arith.constant 0 : i32
      %dma_start3A_40 = tpu.memref_slice %arg7[%dma_start3A_38, %dma_start3A_39] : memref<108x128xi32, #tpu.memory_space<vmem>> -> memref<1x128xi32, #tpu.memory_space<vmem>>
      %dma_start3A_41 = tpu.memref_squeeze %dma_start3A_40 : memref<1x128xi32, #tpu.memory_space<vmem>> -> memref<128xi32, #tpu.memory_space<vmem>>
      %dma_start3A_42 = arith.constant 0 : i32
      %dma_start3A_43 = arith.constant 0 : i32
      %dma_start3A_44 = tpu.memref_slice %arg2[%dma_start3A_42, %dma_start3A_43] : memref<10000x64xf32, #tpu.memory_space<hbm>> -> memref<10000x64xf32, #tpu.memory_space<hbm>>
      tpu.enqueue_indirect_dma source(%dma_start3A_44 : memref<10000x64xf32, #tpu.memory_space<hbm>>) target(%arg10 : memref<128x64xf32, #tpu.memory_space<vmem>>) offsets(%dma_start3A_41 : memref<128xi32, #tpu.memory_space<vmem>>) semaphore(%arg13 : memref<!tpu.dma_semaphore, #tpu.memory_space<semaphore_mem>>)
      %scan3A = arith.constant 0 : i32
      %scan3A_45 = arith.constant 0 : i32
      %scan3A_46 = arith.constant 24 : i32
      %scan3A_47 = arith.addi %scan3A_45, %scan3A_46 : i32
      %scan3A_48 = arith.constant 1 : i32
      %scan3A_49 = scf.for %scan3A_66 = %scan3A_45 to %scan3A_47 step %scan3A_48 iter_args(%scan3A_67 = %scan3A) -> (i32)  : i32 {
        %mul3A_68 = arith.constant 2 : i32
        %mul3A_69 = arith.muli %mul3A_68, %scan3A_66 : i32
        %dma_wait3A_70 = arith.constant 0 : i32
        %dma_wait3A_71 = tpu.memref_slice %arg7[%mul3A_69, %dma_wait3A_70] : memref<108x128xi32, #tpu.memory_space<vmem>> -> memref<1x128xi32, #tpu.memory_space<vmem>>
        %dma_wait3A_72 = tpu.memref_squeeze %dma_wait3A_71 : memref<1x128xi32, #tpu.memory_space<vmem>> -> memref<128xi32, #tpu.memory_space<vmem>>
        %dma_wait3A_73 = arith.constant 0 : i32
        %dma_wait3A_74 = arith.constant 0 : i32
        %dma_wait3A_75 = tpu.memref_slice %arg2[%dma_wait3A_73, %dma_wait3A_74] : memref<10000x64xf32, #tpu.memory_space<hbm>> -> memref<10000x64xf32, #tpu.memory_space<hbm>>
        tpu.wait_indirect_dma semaphore(%arg12 : memref<!tpu.dma_semaphore, #tpu.memory_space<semaphore_mem>>) src(%dma_wait3A_75 : memref<10000x64xf32, #tpu.memory_space<hbm>>) dst(%arg9 : memref<128x64xf32, #tpu.memory_space<vmem>>)
        "tpu.region"() ({
          %run_scoped3A_102 = tpu.sem_alloc : memref<!tpu.dma_semaphore, #tpu.memory_space<semaphore_mem>>
          %dma_start3A_103 = arith.constant 0 : i32
          %dma_start3A_104 = tpu.memref_slice %arg8[%mul3A_69, %dma_start3A_103] : memref<108x128xi32, #tpu.memory_space<vmem>> -> memref<1x128xi32, #tpu.memory_space<vmem>>
          %dma_start3A_105 = tpu.memref_squeeze %dma_start3A_104 : memref<1x128xi32, #tpu.memory_space<vmem>> -> memref<128xi32, #tpu.memory_space<vmem>>
          %dma_start3A_106 = arith.constant 0 : i32
          %dma_start3A_107 = arith.constant 0 : i32
          %dma_start3A_108 = tpu.memref_slice %arg11[%dma_start3A_106, %dma_start3A_107] : memref<10240x64xf32, #tpu.memory_space<vmem_shared>> -> memref<10240x64xf32, #tpu.memory_space<vmem_shared>>
          tpu.enqueue_indirect_dma source(%arg9 : memref<128x64xf32, #tpu.memory_space<vmem>>) target(%dma_start3A_108 : memref<10240x64xf32, #tpu.memory_space<vmem_shared>>) offsets(%dma_start3A_105 : memref<128xi32, #tpu.memory_space<vmem>>) semaphore(%run_scoped3A_102 : memref<!tpu.dma_semaphore, #tpu.memory_space<semaphore_mem>>) {add = true}
          %dma_wait3A_109 = arith.constant 0 : i32
          %dma_wait3A_110 = tpu.memref_slice %arg8[%mul3A_69, %dma_wait3A_109] : memref<108x128xi32, #tpu.memory_space<vmem>> -> memref<1x128xi32, #tpu.memory_space<vmem>>
          %dma_wait3A_111 = tpu.memref_squeeze %dma_wait3A_110 : memref<1x128xi32, #tpu.memory_space<vmem>> -> memref<128xi32, #tpu.memory_space<vmem>>
          %dma_wait3A_112 = arith.constant 0 : i32
          %dma_wait3A_113 = arith.constant 0 : i32
          %dma_wait3A_114 = tpu.memref_slice %arg11[%dma_wait3A_112, %dma_wait3A_113] : memref<10240x64xf32, #tpu.memory_space<vmem_shared>> -> memref<10240x64xf32, #tpu.memory_space<vmem_shared>>
          tpu.wait_indirect_dma semaphore(%run_scoped3A_102 : memref<!tpu.dma_semaphore, #tpu.memory_space<semaphore_mem>>) src(%arg9 : memref<128x64xf32, #tpu.memory_space<vmem>>) dst(%dma_wait3A_114 : memref<10240x64xf32, #tpu.memory_space<vmem_shared>>)
          tpu.yield
        }) : () -> ()
        %add3A = arith.constant 2 : i32
        %add3A_76 = arith.addi %mul3A_69, %add3A : i32
        %dma_start3A_77 = arith.constant 0 : i32
        %dma_start3A_78 = tpu.memref_slice %arg7[%add3A_76, %dma_start3A_77] : memref<108x128xi32, #tpu.memory_space<vmem>> -> memref<1x128xi32, #tpu.memory_space<vmem>>
        %dma_start3A_79 = tpu.memref_squeeze %dma_start3A_78 : memref<1x128xi32, #tpu.memory_space<vmem>> -> memref<128xi32, #tpu.memory_space<vmem>>
        %dma_start3A_80 = arith.constant 0 : i32
        %dma_start3A_81 = arith.constant 0 : i32
        %dma_start3A_82 = tpu.memref_slice %arg2[%dma_start3A_80, %dma_start3A_81] : memref<10000x64xf32, #tpu.memory_space<hbm>> -> memref<10000x64xf32, #tpu.memory_space<hbm>>
        tpu.enqueue_indirect_dma source(%dma_start3A_82 : memref<10000x64xf32, #tpu.memory_space<hbm>>) target(%arg9 : memref<128x64xf32, #tpu.memory_space<vmem>>) offsets(%dma_start3A_79 : memref<128xi32, #tpu.memory_space<vmem>>) semaphore(%arg12 : memref<!tpu.dma_semaphore, #tpu.memory_space<semaphore_mem>>)
        %add3A_83 = arith.constant 1 : i32
        %add3A_84 = arith.addi %mul3A_69, %add3A_83 : i32
        %dma_wait3A_85 = arith.constant 0 : i32
        %dma_wait3A_86 = tpu.memref_slice %arg7[%add3A_84, %dma_wait3A_85] : memref<108x128xi32, #tpu.memory_space<vmem>> -> memref<1x128xi32, #tpu.memory_space<vmem>>
        %dma_wait3A_87 = tpu.memref_squeeze %dma_wait3A_86 : memref<1x128xi32, #tpu.memory_space<vmem>> -> memref<128xi32, #tpu.memory_space<vmem>>
        %dma_wait3A_88 = arith.constant 0 : i32
        %dma_wait3A_89 = arith.constant 0 : i32
        %dma_wait3A_90 = tpu.memref_slice %arg2[%dma_wait3A_88, %dma_wait3A_89] : memref<10000x64xf32, #tpu.memory_space<hbm>> -> memref<10000x64xf32, #tpu.memory_space<hbm>>
        tpu.wait_indirect_dma semaphore(%arg13 : memref<!tpu.dma_semaphore, #tpu.memory_space<semaphore_mem>>) src(%dma_wait3A_90 : memref<10000x64xf32, #tpu.memory_space<hbm>>) dst(%arg10 : memref<128x64xf32, #tpu.memory_space<vmem>>)
        %add3A_91 = arith.constant 1 : i32
        %add3A_92 = arith.addi %mul3A_69, %add3A_91 : i32
        "tpu.region"() ({
          %run_scoped3A_102 = tpu.sem_alloc : memref<!tpu.dma_semaphore, #tpu.memory_space<semaphore_mem>>
          %dma_start3A_103 = arith.constant 0 : i32
          %dma_start3A_104 = tpu.memref_slice %arg8[%add3A_92, %dma_start3A_103] : memref<108x128xi32, #tpu.memory_space<vmem>> -> memref<1x128xi32, #tpu.memory_space<vmem>>
          %dma_start3A_105 = tpu.memref_squeeze %dma_start3A_104 : memref<1x128xi32, #tpu.memory_space<vmem>> -> memref<128xi32, #tpu.memory_space<vmem>>
          %dma_start3A_106 = arith.constant 0 : i32
          %dma_start3A_107 = arith.constant 0 : i32
          %dma_start3A_108 = tpu.memref_slice %arg11[%dma_start3A_106, %dma_start3A_107] : memref<10240x64xf32, #tpu.memory_space<vmem_shared>> -> memref<10240x64xf32, #tpu.memory_space<vmem_shared>>
          tpu.enqueue_indirect_dma source(%arg10 : memref<128x64xf32, #tpu.memory_space<vmem>>) target(%dma_start3A_108 : memref<10240x64xf32, #tpu.memory_space<vmem_shared>>) offsets(%dma_start3A_105 : memref<128xi32, #tpu.memory_space<vmem>>) semaphore(%run_scoped3A_102 : memref<!tpu.dma_semaphore, #tpu.memory_space<semaphore_mem>>) {add = true}
          %dma_wait3A_109 = arith.constant 0 : i32
          %dma_wait3A_110 = tpu.memref_slice %arg8[%add3A_92, %dma_wait3A_109] : memref<108x128xi32, #tpu.memory_space<vmem>> -> memref<1x128xi32, #tpu.memory_space<vmem>>
          %dma_wait3A_111 = tpu.memref_squeeze %dma_wait3A_110 : memref<1x128xi32, #tpu.memory_space<vmem>> -> memref<128xi32, #tpu.memory_space<vmem>>
          %dma_wait3A_112 = arith.constant 0 : i32
          %dma_wait3A_113 = arith.constant 0 : i32
          %dma_wait3A_114 = tpu.memref_slice %arg11[%dma_wait3A_112, %dma_wait3A_113] : memref<10240x64xf32, #tpu.memory_space<vmem_shared>> -> memref<10240x64xf32, #tpu.memory_space<vmem_shared>>
          tpu.wait_indirect_dma semaphore(%run_scoped3A_102 : memref<!tpu.dma_semaphore, #tpu.memory_space<semaphore_mem>>) src(%arg10 : memref<128x64xf32, #tpu.memory_space<vmem>>) dst(%dma_wait3A_114 : memref<10240x64xf32, #tpu.memory_space<vmem_shared>>)
          tpu.yield
        }) : () -> ()
        %add3A_93 = arith.constant 3 : i32
        %add3A_94 = arith.addi %mul3A_69, %add3A_93 : i32
        %dma_start3A_95 = arith.constant 0 : i32
        %dma_start3A_96 = tpu.memref_slice %arg7[%add3A_94, %dma_start3A_95] : memref<108x128xi32, #tpu.memory_space<vmem>> -> memref<1x128xi32, #tpu.memory_space<vmem>>
        %dma_start3A_97 = tpu.memref_squeeze %dma_start3A_96 : memref<1x128xi32, #tpu.memory_space<vmem>> -> memref<128xi32, #tpu.memory_space<vmem>>
        %dma_start3A_98 = arith.constant 0 : i32
        %dma_start3A_99 = arith.constant 0 : i32
        %dma_start3A_100 = tpu.memref_slice %arg2[%dma_start3A_98, %dma_start3A_99] : memref<10000x64xf32, #tpu.memory_space<hbm>> -> memref<10000x64xf32, #tpu.memory_space<hbm>>
        tpu.enqueue_indirect_dma source(%dma_start3A_100 : memref<10000x64xf32, #tpu.memory_space<hbm>>) target(%arg10 : memref<128x64xf32, #tpu.memory_space<vmem>>) offsets(%dma_start3A_97 : memref<128xi32, #tpu.memory_space<vmem>>) semaphore(%arg13 : memref<!tpu.dma_semaphore, #tpu.memory_space<semaphore_mem>>)
        %scan3A_101 = arith.constant 0 : i32
        scf.yield %scan3A_101 : i32
      }
      %scan3A_50 = arith.constant 24 : i32
      %dma_wait3A = arith.constant 48 : i32
      %dma_wait3A_51 = arith.constant 0 : i32
      %dma_wait3A_52 = tpu.memref_slice %arg7[%dma_wait3A, %dma_wait3A_51] : memref<108x128xi32, #tpu.memory_space<vmem>> -> memref<1x128xi32, #tpu.memory_space<vmem>>
      %dma_wait3A_53 = tpu.memref_squeeze %dma_wait3A_52 : memref<1x128xi32, #tpu.memory_space<vmem>> -> memref<128xi32, #tpu.memory_space<vmem>>
      %dma_wait3A_54 = arith.constant 0 : i32
      %dma_wait3A_55 = arith.constant 0 : i32
      %dma_wait3A_56 = tpu.memref_slice %arg2[%dma_wait3A_54, %dma_wait3A_55] : memref<10000x64xf32, #tpu.memory_space<hbm>> -> memref<10000x64xf32, #tpu.memory_space<hbm>>
      tpu.wait_indirect_dma semaphore(%arg12 : memref<!tpu.dma_semaphore, #tpu.memory_space<semaphore_mem>>) src(%dma_wait3A_56 : memref<10000x64xf32, #tpu.memory_space<hbm>>) dst(%arg9 : memref<128x64xf32, #tpu.memory_space<vmem>>)
      %run_scoped3A_57 = arith.constant 48 : i32
      "tpu.region"() ({
        %run_scoped3A_66 = tpu.sem_alloc : memref<!tpu.dma_semaphore, #tpu.memory_space<semaphore_mem>>
        %dma_start3A_67 = arith.constant 0 : i32
        %dma_start3A_68 = tpu.memref_slice %arg8[%run_scoped3A_57, %dma_start3A_67] : memref<108x128xi32, #tpu.memory_space<vmem>> -> memref<1x128xi32, #tpu.memory_space<vmem>>
        %dma_start3A_69 = tpu.memref_squeeze %dma_start3A_68 : memref<1x128xi32, #tpu.memory_space<vmem>> -> memref<128xi32, #tpu.memory_space<vmem>>
        %dma_start3A_70 = arith.constant 0 : i32
        %dma_start3A_71 = arith.constant 0 : i32
        %dma_start3A_72 = tpu.memref_slice %arg11[%dma_start3A_70, %dma_start3A_71] : memref<10240x64xf32, #tpu.memory_space<vmem_shared>> -> memref<10240x64xf32, #tpu.memory_space<vmem_shared>>
        tpu.enqueue_indirect_dma source(%arg9 : memref<128x64xf32, #tpu.memory_space<vmem>>) target(%dma_start3A_72 : memref<10240x64xf32, #tpu.memory_space<vmem_shared>>) offsets(%dma_start3A_69 : memref<128xi32, #tpu.memory_space<vmem>>) semaphore(%run_scoped3A_66 : memref<!tpu.dma_semaphore, #tpu.memory_space<semaphore_mem>>) {add = true}
        %dma_wait3A_73 = arith.constant 0 : i32
        %dma_wait3A_74 = tpu.memref_slice %arg8[%run_scoped3A_57, %dma_wait3A_73] : memref<108x128xi32, #tpu.memory_space<vmem>> -> memref<1x128xi32, #tpu.memory_space<vmem>>
        %dma_wait3A_75 = tpu.memref_squeeze %dma_wait3A_74 : memref<1x128xi32, #tpu.memory_space<vmem>> -> memref<128xi32, #tpu.memory_space<vmem>>
        %dma_wait3A_76 = arith.constant 0 : i32
        %dma_wait3A_77 = arith.constant 0 : i32
        %dma_wait3A_78 = tpu.memref_slice %arg11[%dma_wait3A_76, %dma_wait3A_77] : memref<10240x64xf32, #tpu.memory_space<vmem_shared>> -> memref<10240x64xf32, #tpu.memory_space<vmem_shared>>
        tpu.wait_indirect_dma semaphore(%run_scoped3A_66 : memref<!tpu.dma_semaphore, #tpu.memory_space<semaphore_mem>>) src(%arg9 : memref<128x64xf32, #tpu.memory_space<vmem>>) dst(%dma_wait3A_78 : memref<10240x64xf32, #tpu.memory_space<vmem_shared>>)
        tpu.yield
      }) : () -> ()
      %dma_wait3A_58 = arith.constant 49 : i32
      %dma_wait3A_59 = arith.constant 0 : i32
      %dma_wait3A_60 = tpu.memref_slice %arg7[%dma_wait3A_58, %dma_wait3A_59] : memref<108x128xi32, #tpu.memory_space<vmem>> -> memref<1x128xi32, #tpu.memory_space<vmem>>
      %dma_wait3A_61 = tpu.memref_squeeze %dma_wait3A_60 : memref<1x128xi32, #tpu.memory_space<vmem>> -> memref<128xi32, #tpu.memory_space<vmem>>
      %dma_wait3A_62 = arith.constant 0 : i32
      %dma_wait3A_63 = arith.constant 0 : i32
      %dma_wait3A_64 = tpu.memref_slice %arg2[%dma_wait3A_62, %dma_wait3A_63] : memref<10000x64xf32, #tpu.memory_space<hbm>> -> memref<10000x64xf32, #tpu.memory_space<hbm>>
      tpu.wait_indirect_dma semaphore(%arg13 : memref<!tpu.dma_semaphore, #tpu.memory_space<semaphore_mem>>) src(%dma_wait3A_64 : memref<10000x64xf32, #tpu.memory_space<hbm>>) dst(%arg10 : memref<128x64xf32, #tpu.memory_space<vmem>>)
      %run_scoped3A_65 = arith.constant 49 : i32
      "tpu.region"() ({
        %run_scoped3A_66 = tpu.sem_alloc : memref<!tpu.dma_semaphore, #tpu.memory_space<semaphore_mem>>
        %dma_start3A_67 = arith.constant 0 : i32
        %dma_start3A_68 = tpu.memref_slice %arg8[%run_scoped3A_65, %dma_start3A_67] : memref<108x128xi32, #tpu.memory_space<vmem>> -> memref<1x128xi32, #tpu.memory_space<vmem>>
        %dma_start3A_69 = tpu.memref_squeeze %dma_start3A_68 : memref<1x128xi32, #tpu.memory_space<vmem>> -> memref<128xi32, #tpu.memory_space<vmem>>
        %dma_start3A_70 = arith.constant 0 : i32
        %dma_start3A_71 = arith.constant 0 : i32
        %dma_start3A_72 = tpu.memref_slice %arg11[%dma_start3A_70, %dma_start3A_71] : memref<10240x64xf32, #tpu.memory_space<vmem_shared>> -> memref<10240x64xf32, #tpu.memory_space<vmem_shared>>
        tpu.enqueue_indirect_dma source(%arg10 : memref<128x64xf32, #tpu.memory_space<vmem>>) target(%dma_start3A_72 : memref<10240x64xf32, #tpu.memory_space<vmem_shared>>) offsets(%dma_start3A_69 : memref<128xi32, #tpu.memory_space<vmem>>) semaphore(%run_scoped3A_66 : memref<!tpu.dma_semaphore, #tpu.memory_space<semaphore_mem>>) {add = true}
        %dma_wait3A_73 = arith.constant 0 : i32
        %dma_wait3A_74 = tpu.memref_slice %arg8[%run_scoped3A_65, %dma_wait3A_73] : memref<108x128xi32, #tpu.memory_space<vmem>> -> memref<1x128xi32, #tpu.memory_space<vmem>>
        %dma_wait3A_75 = tpu.memref_squeeze %dma_wait3A_74 : memref<1x128xi32, #tpu.memory_space<vmem>> -> memref<128xi32, #tpu.memory_space<vmem>>
        %dma_wait3A_76 = arith.constant 0 : i32
        %dma_wait3A_77 = arith.constant 0 : i32
        %dma_wait3A_78 = tpu.memref_slice %arg11[%dma_wait3A_76, %dma_wait3A_77] : memref<10240x64xf32, #tpu.memory_space<vmem_shared>> -> memref<10240x64xf32, #tpu.memory_space<vmem_shared>>
        tpu.wait_indirect_dma semaphore(%run_scoped3A_66 : memref<!tpu.dma_semaphore, #tpu.memory_space<semaphore_mem>>) src(%arg10 : memref<128x64xf32, #tpu.memory_space<vmem>>) dst(%dma_wait3A_78 : memref<10240x64xf32, #tpu.memory_space<vmem_shared>>)
        tpu.yield
      }) : () -> ()
    } else {
    }
    %barrier3A_18 = arith.constant 0 : index
    tpu.barrier barrier_id(%barrier3A_18)
    %run_scoped3A = arith.constant 0 : i32
    "tpu.region"() ({
      %run_scoped3A_32 = tpu.sem_alloc : memref<!tpu.dma_semaphore, #tpu.memory_space<semaphore_mem>>
      %dma_start3A = arith.constant 0 : i32
      %dma_start3A_33 = tpu.memref_slice %arg6[%arg0, %run_scoped3A, %mul3A_0, %dma_start3A] : memref<2x2x10240x64xf32, #tpu.memory_space<hbm>> -> memref<1x1x640x64xf32, #tpu.memory_space<hbm>>
      %dma_start3A_34 = tpu.memref_squeeze %dma_start3A_33 : memref<1x1x640x64xf32, #tpu.memory_space<hbm>> -> memref<640x64xf32, #tpu.memory_space<hbm>>
      %dma_start3A_35 = arith.constant 0 : i32
      %dma_start3A_36 = tpu.memref_slice %arg11[%mul3A_0, %dma_start3A_35] : memref<10240x64xf32, #tpu.memory_space<vmem_shared>> -> memref<640x64xf32, #tpu.memory_space<vmem_shared>>
      tpu.enqueue_dma source(%dma_start3A_36 : memref<640x64xf32, #tpu.memory_space<vmem_shared>>) target(%dma_start3A_34 : memref<640x64xf32, #tpu.memory_space<hbm>>) target_semaphore(%run_scoped3A_32 : memref<!tpu.dma_semaphore, #tpu.memory_space<semaphore_mem>>)
      %dma_wait3A = arith.constant 0 : i32
      %dma_wait3A_37 = tpu.memref_slice %arg6[%arg0, %run_scoped3A, %mul3A_0, %dma_wait3A] : memref<2x2x10240x64xf32, #tpu.memory_space<hbm>> -> memref<1x1x640x64xf32, #tpu.memory_space<hbm>>
      %dma_wait3A_38 = tpu.memref_squeeze %dma_wait3A_37 : memref<1x1x640x64xf32, #tpu.memory_space<hbm>> -> memref<640x64xf32, #tpu.memory_space<hbm>>
      %dma_wait3A_39 = arith.constant 0 : i32
      %dma_wait3A_40 = tpu.memref_slice %arg11[%mul3A_0, %dma_wait3A_39] : memref<10240x64xf32, #tpu.memory_space<vmem_shared>> -> memref<640x64xf32, #tpu.memory_space<vmem_shared>>
      tpu.wait_dma2 semaphore(%run_scoped3A_32 : memref<!tpu.dma_semaphore, #tpu.memory_space<semaphore_mem>>) src(%dma_wait3A_40 : memref<640x64xf32, #tpu.memory_space<vmem_shared>>) dst(%dma_wait3A_38 : memref<640x64xf32, #tpu.memory_space<hbm>>)
      tpu.yield
    }) : () -> ()
    "tpu.region"() ({
      %run_scoped3A_32 = tpu.sem_alloc : memref<!tpu.dma_semaphore, #tpu.memory_space<semaphore_mem>>
      %dma_start3A = arith.constant 0 : i32
      %dma_start3A_33 = tpu.memref_slice %arg11[%mul3A_0, %dma_start3A] : memref<10240x64xf32, #tpu.memory_space<vmem_shared>> -> memref<640x64xf32, #tpu.memory_space<vmem_shared>>
      tpu.enqueue_dma source(%arg5 : memref<640x64xf32, #tpu.memory_space<hbm>>) target(%dma_start3A_33 : memref<640x64xf32, #tpu.memory_space<vmem_shared>>) target_semaphore(%run_scoped3A_32 : memref<!tpu.dma_semaphore, #tpu.memory_space<semaphore_mem>>)
      %dma_wait3A = arith.constant 0 : i32
      %dma_wait3A_34 = tpu.memref_slice %arg11[%mul3A_0, %dma_wait3A] : memref<10240x64xf32, #tpu.memory_space<vmem_shared>> -> memref<640x64xf32, #tpu.memory_space<vmem_shared>>
      tpu.wait_dma2 semaphore(%run_scoped3A_32 : memref<!tpu.dma_semaphore, #tpu.memory_space<semaphore_mem>>) src(%arg5 : memref<640x64xf32, #tpu.memory_space<hbm>>) dst(%dma_wait3A_34 : memref<640x64xf32, #tpu.memory_space<vmem_shared>>)
      tpu.yield
    }) : () -> ()
    %barrier3A_19 = arith.constant 0 : index
    tpu.barrier barrier_id(%barrier3A_19)
    %eq3A_20 = arith.constant 0 : i32
    %eq3A_21 = arith.cmpi eq, %arg0, %eq3A_20 : i32
    %convert_element_type3A_22 = arith.extui %eq3A_21 : i1 to i32
    %cond3A_23 = arith.constant 0 : i32
    %cond3A_24 = arith.cmpi ne, %convert_element_type3A_22, %cond3A_23 : i32
    scf.if %cond3A_24 {
      %dma_start3A = arith.constant 0 : i32
      %dma_start3A_32 = arith.constant 0 : i32
      %dma_start3A_33 = tpu.memref_slice %arg7[%dma_start3A, %dma_start3A_32] : memref<108x128xi32, #tpu.memory_space<vmem>> -> memref<1x128xi32, #tpu.memory_space<vmem>>
      %dma_start3A_34 = tpu.memref_squeeze %dma_start3A_33 : memref<1x128xi32, #tpu.memory_space<vmem>> -> memref<128xi32, #tpu.memory_space<vmem>>
      %dma_start3A_35 = arith.constant 0 : i32
      %dma_start3A_36 = arith.constant 0 : i32
      %dma_start3A_37 = tpu.memref_slice %arg3[%dma_start3A_35, %dma_start3A_36] : memref<10000x64xf32, #tpu.memory_space<hbm>> -> memref<10000x64xf32, #tpu.memory_space<hbm>>
      tpu.enqueue_indirect_dma source(%dma_start3A_37 : memref<10000x64xf32, #tpu.memory_space<hbm>>) target(%arg9 : memref<128x64xf32, #tpu.memory_space<vmem>>) offsets(%dma_start3A_34 : memref<128xi32, #tpu.memory_space<vmem>>) semaphore(%arg12 : memref<!tpu.dma_semaphore, #tpu.memory_space<semaphore_mem>>)
      %dma_start3A_38 = arith.constant 1 : i32
      %dma_start3A_39 = arith.constant 0 : i32
      %dma_start3A_40 = tpu.memref_slice %arg7[%dma_start3A_38, %dma_start3A_39] : memref<108x128xi32, #tpu.memory_space<vmem>> -> memref<1x128xi32, #tpu.memory_space<vmem>>
      %dma_start3A_41 = tpu.memref_squeeze %dma_start3A_40 : memref<1x128xi32, #tpu.memory_space<vmem>> -> memref<128xi32, #tpu.memory_space<vmem>>
      %dma_start3A_42 = arith.constant 0 : i32
      %dma_start3A_43 = arith.constant 0 : i32
      %dma_start3A_44 = tpu.memref_slice %arg3[%dma_start3A_42, %dma_start3A_43] : memref<10000x64xf32, #tpu.memory_space<hbm>> -> memref<10000x64xf32, #tpu.memory_space<hbm>>
      tpu.enqueue_indirect_dma source(%dma_start3A_44 : memref<10000x64xf32, #tpu.memory_space<hbm>>) target(%arg10 : memref<128x64xf32, #tpu.memory_space<vmem>>) offsets(%dma_start3A_41 : memref<128xi32, #tpu.memory_space<vmem>>) semaphore(%arg13 : memref<!tpu.dma_semaphore, #tpu.memory_space<semaphore_mem>>)
      %scan3A = arith.constant 0 : i32
      %scan3A_45 = arith.constant 0 : i32
      %scan3A_46 = arith.constant 53 : i32
      %scan3A_47 = arith.addi %scan3A_45, %scan3A_46 : i32
      %scan3A_48 = arith.constant 1 : i32
      %scan3A_49 = scf.for %scan3A_66 = %scan3A_45 to %scan3A_47 step %scan3A_48 iter_args(%scan3A_67 = %scan3A) -> (i32)  : i32 {
        %mul3A_68 = arith.constant 2 : i32
        %mul3A_69 = arith.muli %mul3A_68, %scan3A_66 : i32
        %dma_wait3A_70 = arith.constant 0 : i32
        %dma_wait3A_71 = tpu.memref_slice %arg7[%mul3A_69, %dma_wait3A_70] : memref<108x128xi32, #tpu.memory_space<vmem>> -> memref<1x128xi32, #tpu.memory_space<vmem>>
        %dma_wait3A_72 = tpu.memref_squeeze %dma_wait3A_71 : memref<1x128xi32, #tpu.memory_space<vmem>> -> memref<128xi32, #tpu.memory_space<vmem>>
        %dma_wait3A_73 = arith.constant 0 : i32
        %dma_wait3A_74 = arith.constant 0 : i32
        %dma_wait3A_75 = tpu.memref_slice %arg3[%dma_wait3A_73, %dma_wait3A_74] : memref<10000x64xf32, #tpu.memory_space<hbm>> -> memref<10000x64xf32, #tpu.memory_space<hbm>>
        tpu.wait_indirect_dma semaphore(%arg12 : memref<!tpu.dma_semaphore, #tpu.memory_space<semaphore_mem>>) src(%dma_wait3A_75 : memref<10000x64xf32, #tpu.memory_space<hbm>>) dst(%arg9 : memref<128x64xf32, #tpu.memory_space<vmem>>)
        "tpu.region"() ({
          %run_scoped3A_102 = tpu.sem_alloc : memref<!tpu.dma_semaphore, #tpu.memory_space<semaphore_mem>>
          %dma_start3A_103 = arith.constant 0 : i32
          %dma_start3A_104 = tpu.memref_slice %arg8[%mul3A_69, %dma_start3A_103] : memref<108x128xi32, #tpu.memory_space<vmem>> -> memref<1x128xi32, #tpu.memory_space<vmem>>
          %dma_start3A_105 = tpu.memref_squeeze %dma_start3A_104 : memref<1x128xi32, #tpu.memory_space<vmem>> -> memref<128xi32, #tpu.memory_space<vmem>>
          %dma_start3A_106 = arith.constant 0 : i32
          %dma_start3A_107 = arith.constant 0 : i32
          %dma_start3A_108 = tpu.memref_slice %arg11[%dma_start3A_106, %dma_start3A_107] : memref<10240x64xf32, #tpu.memory_space<vmem_shared>> -> memref<10240x64xf32, #tpu.memory_space<vmem_shared>>
          tpu.enqueue_indirect_dma source(%arg9 : memref<128x64xf32, #tpu.memory_space<vmem>>) target(%dma_start3A_108 : memref<10240x64xf32, #tpu.memory_space<vmem_shared>>) offsets(%dma_start3A_105 : memref<128xi32, #tpu.memory_space<vmem>>) semaphore(%run_scoped3A_102 : memref<!tpu.dma_semaphore, #tpu.memory_space<semaphore_mem>>) {add = true}
          %dma_wait3A_109 = arith.constant 0 : i32
          %dma_wait3A_110 = tpu.memref_slice %arg8[%mul3A_69, %dma_wait3A_109] : memref<108x128xi32, #tpu.memory_space<vmem>> -> memref<1x128xi32, #tpu.memory_space<vmem>>
          %dma_wait3A_111 = tpu.memref_squeeze %dma_wait3A_110 : memref<1x128xi32, #tpu.memory_space<vmem>> -> memref<128xi32, #tpu.memory_space<vmem>>
          %dma_wait3A_112 = arith.constant 0 : i32
          %dma_wait3A_113 = arith.constant 0 : i32
          %dma_wait3A_114 = tpu.memref_slice %arg11[%dma_wait3A_112, %dma_wait3A_113] : memref<10240x64xf32, #tpu.memory_space<vmem_shared>> -> memref<10240x64xf32, #tpu.memory_space<vmem_shared>>
          tpu.wait_indirect_dma semaphore(%run_scoped3A_102 : memref<!tpu.dma_semaphore, #tpu.memory_space<semaphore_mem>>) src(%arg9 : memref<128x64xf32, #tpu.memory_space<vmem>>) dst(%dma_wait3A_114 : memref<10240x64xf32, #tpu.memory_space<vmem_shared>>)
          tpu.yield
        }) : () -> ()
        %add3A = arith.constant 2 : i32
        %add3A_76 = arith.addi %mul3A_69, %add3A : i32
        %dma_start3A_77 = arith.constant 0 : i32
        %dma_start3A_78 = tpu.memref_slice %arg7[%add3A_76, %dma_start3A_77] : memref<108x128xi32, #tpu.memory_space<vmem>> -> memref<1x128xi32, #tpu.memory_space<vmem>>
        %dma_start3A_79 = tpu.memref_squeeze %dma_start3A_78 : memref<1x128xi32, #tpu.memory_space<vmem>> -> memref<128xi32, #tpu.memory_space<vmem>>
        %dma_start3A_80 = arith.constant 0 : i32
        %dma_start3A_81 = arith.constant 0 : i32
        %dma_start3A_82 = tpu.memref_slice %arg3[%dma_start3A_80, %dma_start3A_81] : memref<10000x64xf32, #tpu.memory_space<hbm>> -> memref<10000x64xf32, #tpu.memory_space<hbm>>
        tpu.enqueue_indirect_dma source(%dma_start3A_82 : memref<10000x64xf32, #tpu.memory_space<hbm>>) target(%arg9 : memref<128x64xf32, #tpu.memory_space<vmem>>) offsets(%dma_start3A_79 : memref<128xi32, #tpu.memory_space<vmem>>) semaphore(%arg12 : memref<!tpu.dma_semaphore, #tpu.memory_space<semaphore_mem>>)
        %add3A_83 = arith.constant 1 : i32
        %add3A_84 = arith.addi %mul3A_69, %add3A_83 : i32
        %dma_wait3A_85 = arith.constant 0 : i32
        %dma_wait3A_86 = tpu.memref_slice %arg7[%add3A_84, %dma_wait3A_85] : memref<108x128xi32, #tpu.memory_space<vmem>> -> memref<1x128xi32, #tpu.memory_space<vmem>>
        %dma_wait3A_87 = tpu.memref_squeeze %dma_wait3A_86 : memref<1x128xi32, #tpu.memory_space<vmem>> -> memref<128xi32, #tpu.memory_space<vmem>>
        %dma_wait3A_88 = arith.constant 0 : i32
        %dma_wait3A_89 = arith.constant 0 : i32
        %dma_wait3A_90 = tpu.memref_slice %arg3[%dma_wait3A_88, %dma_wait3A_89] : memref<10000x64xf32, #tpu.memory_space<hbm>> -> memref<10000x64xf32, #tpu.memory_space<hbm>>
        tpu.wait_indirect_dma semaphore(%arg13 : memref<!tpu.dma_semaphore, #tpu.memory_space<semaphore_mem>>) src(%dma_wait3A_90 : memref<10000x64xf32, #tpu.memory_space<hbm>>) dst(%arg10 : memref<128x64xf32, #tpu.memory_space<vmem>>)
        %add3A_91 = arith.constant 1 : i32
        %add3A_92 = arith.addi %mul3A_69, %add3A_91 : i32
        "tpu.region"() ({
          %run_scoped3A_102 = tpu.sem_alloc : memref<!tpu.dma_semaphore, #tpu.memory_space<semaphore_mem>>
          %dma_start3A_103 = arith.constant 0 : i32
          %dma_start3A_104 = tpu.memref_slice %arg8[%add3A_92, %dma_start3A_103] : memref<108x128xi32, #tpu.memory_space<vmem>> -> memref<1x128xi32, #tpu.memory_space<vmem>>
          %dma_start3A_105 = tpu.memref_squeeze %dma_start3A_104 : memref<1x128xi32, #tpu.memory_space<vmem>> -> memref<128xi32, #tpu.memory_space<vmem>>
          %dma_start3A_106 = arith.constant 0 : i32
          %dma_start3A_107 = arith.constant 0 : i32
          %dma_start3A_108 = tpu.memref_slice %arg11[%dma_start3A_106, %dma_start3A_107] : memref<10240x64xf32, #tpu.memory_space<vmem_shared>> -> memref<10240x64xf32, #tpu.memory_space<vmem_shared>>
          tpu.enqueue_indirect_dma source(%arg10 : memref<128x64xf32, #tpu.memory_space<vmem>>) target(%dma_start3A_108 : memref<10240x64xf32, #tpu.memory_space<vmem_shared>>) offsets(%dma_start3A_105 : memref<128xi32, #tpu.memory_space<vmem>>) semaphore(%run_scoped3A_102 : memref<!tpu.dma_semaphore, #tpu.memory_space<semaphore_mem>>) {add = true}
          %dma_wait3A_109 = arith.constant 0 : i32
          %dma_wait3A_110 = tpu.memref_slice %arg8[%add3A_92, %dma_wait3A_109] : memref<108x128xi32, #tpu.memory_space<vmem>> -> memref<1x128xi32, #tpu.memory_space<vmem>>
          %dma_wait3A_111 = tpu.memref_squeeze %dma_wait3A_110 : memref<1x128xi32, #tpu.memory_space<vmem>> -> memref<128xi32, #tpu.memory_space<vmem>>
          %dma_wait3A_112 = arith.constant 0 : i32
          %dma_wait3A_113 = arith.constant 0 : i32
          %dma_wait3A_114 = tpu.memref_slice %arg11[%dma_wait3A_112, %dma_wait3A_113] : memref<10240x64xf32, #tpu.memory_space<vmem_shared>> -> memref<10240x64xf32, #tpu.memory_space<vmem_shared>>
          tpu.wait_indirect_dma semaphore(%run_scoped3A_102 : memref<!tpu.dma_semaphore, #tpu.memory_space<semaphore_mem>>) src(%arg10 : memref<128x64xf32, #tpu.memory_space<vmem>>) dst(%dma_wait3A_114 : memref<10240x64xf32, #tpu.memory_space<vmem_shared>>)
          tpu.yield
        }) : () -> ()
        %add3A_93 = arith.constant 3 : i32
        %add3A_94 = arith.addi %mul3A_69, %add3A_93 : i32
        %dma_start3A_95 = arith.constant 0 : i32
        %dma_start3A_96 = tpu.memref_slice %arg7[%add3A_94, %dma_start3A_95] : memref<108x128xi32, #tpu.memory_space<vmem>> -> memref<1x128xi32, #tpu.memory_space<vmem>>
        %dma_start3A_97 = tpu.memref_squeeze %dma_start3A_96 : memref<1x128xi32, #tpu.memory_space<vmem>> -> memref<128xi32, #tpu.memory_space<vmem>>
        %dma_start3A_98 = arith.constant 0 : i32
        %dma_start3A_99 = arith.constant 0 : i32
        %dma_start3A_100 = tpu.memref_slice %arg3[%dma_start3A_98, %dma_start3A_99] : memref<10000x64xf32, #tpu.memory_space<hbm>> -> memref<10000x64xf32, #tpu.memory_space<hbm>>
        tpu.enqueue_indirect_dma source(%dma_start3A_100 : memref<10000x64xf32, #tpu.memory_space<hbm>>) target(%arg10 : memref<128x64xf32, #tpu.memory_space<vmem>>) offsets(%dma_start3A_97 : memref<128xi32, #tpu.memory_space<vmem>>) semaphore(%arg13 : memref<!tpu.dma_semaphore, #tpu.memory_space<semaphore_mem>>)
        %scan3A_101 = arith.constant 0 : i32
        scf.yield %scan3A_101 : i32
      }
      %scan3A_50 = arith.constant 53 : i32
      %dma_wait3A = arith.constant 106 : i32
      %dma_wait3A_51 = arith.constant 0 : i32
      %dma_wait3A_52 = tpu.memref_slice %arg7[%dma_wait3A, %dma_wait3A_51] : memref<108x128xi32, #tpu.memory_space<vmem>> -> memref<1x128xi32, #tpu.memory_space<vmem>>
      %dma_wait3A_53 = tpu.memref_squeeze %dma_wait3A_52 : memref<1x128xi32, #tpu.memory_space<vmem>> -> memref<128xi32, #tpu.memory_space<vmem>>
      %dma_wait3A_54 = arith.constant 0 : i32
      %dma_wait3A_55 = arith.constant 0 : i32
      %dma_wait3A_56 = tpu.memref_slice %arg3[%dma_wait3A_54, %dma_wait3A_55] : memref<10000x64xf32, #tpu.memory_space<hbm>> -> memref<10000x64xf32, #tpu.memory_space<hbm>>
      tpu.wait_indirect_dma semaphore(%arg12 : memref<!tpu.dma_semaphore, #tpu.memory_space<semaphore_mem>>) src(%dma_wait3A_56 : memref<10000x64xf32, #tpu.memory_space<hbm>>) dst(%arg9 : memref<128x64xf32, #tpu.memory_space<vmem>>)
      %run_scoped3A_57 = arith.constant 106 : i32
      "tpu.region"() ({
        %run_scoped3A_66 = tpu.sem_alloc : memref<!tpu.dma_semaphore, #tpu.memory_space<semaphore_mem>>
        %dma_start3A_67 = arith.constant 0 : i32
        %dma_start3A_68 = tpu.memref_slice %arg8[%run_scoped3A_57, %dma_start3A_67] : memref<108x128xi32, #tpu.memory_space<vmem>> -> memref<1x128xi32, #tpu.memory_space<vmem>>
        %dma_start3A_69 = tpu.memref_squeeze %dma_start3A_68 : memref<1x128xi32, #tpu.memory_space<vmem>> -> memref<128xi32, #tpu.memory_space<vmem>>
        %dma_start3A_70 = arith.constant 0 : i32
        %dma_start3A_71 = arith.constant 0 : i32
        %dma_start3A_72 = tpu.memref_slice %arg11[%dma_start3A_70, %dma_start3A_71] : memref<10240x64xf32, #tpu.memory_space<vmem_shared>> -> memref<10240x64xf32, #tpu.memory_space<vmem_shared>>
        tpu.enqueue_indirect_dma source(%arg9 : memref<128x64xf32, #tpu.memory_space<vmem>>) target(%dma_start3A_72 : memref<10240x64xf32, #tpu.memory_space<vmem_shared>>) offsets(%dma_start3A_69 : memref<128xi32, #tpu.memory_space<vmem>>) semaphore(%run_scoped3A_66 : memref<!tpu.dma_semaphore, #tpu.memory_space<semaphore_mem>>) {add = true}
        %dma_wait3A_73 = arith.constant 0 : i32
        %dma_wait3A_74 = tpu.memref_slice %arg8[%run_scoped3A_57, %dma_wait3A_73] : memref<108x128xi32, #tpu.memory_space<vmem>> -> memref<1x128xi32, #tpu.memory_space<vmem>>
        %dma_wait3A_75 = tpu.memref_squeeze %dma_wait3A_74 : memref<1x128xi32, #tpu.memory_space<vmem>> -> memref<128xi32, #tpu.memory_space<vmem>>
        %dma_wait3A_76 = arith.constant 0 : i32
        %dma_wait3A_77 = arith.constant 0 : i32
        %dma_wait3A_78 = tpu.memref_slice %arg11[%dma_wait3A_76, %dma_wait3A_77] : memref<10240x64xf32, #tpu.memory_space<vmem_shared>> -> memref<10240x64xf32, #tpu.memory_space<vmem_shared>>
        tpu.wait_indirect_dma semaphore(%run_scoped3A_66 : memref<!tpu.dma_semaphore, #tpu.memory_space<semaphore_mem>>) src(%arg9 : memref<128x64xf32, #tpu.memory_space<vmem>>) dst(%dma_wait3A_78 : memref<10240x64xf32, #tpu.memory_space<vmem_shared>>)
        tpu.yield
      }) : () -> ()
      %dma_wait3A_58 = arith.constant 107 : i32
      %dma_wait3A_59 = arith.constant 0 : i32
      %dma_wait3A_60 = tpu.memref_slice %arg7[%dma_wait3A_58, %dma_wait3A_59] : memref<108x128xi32, #tpu.memory_space<vmem>> -> memref<1x128xi32, #tpu.memory_space<vmem>>
      %dma_wait3A_61 = tpu.memref_squeeze %dma_wait3A_60 : memref<1x128xi32, #tpu.memory_space<vmem>> -> memref<128xi32, #tpu.memory_space<vmem>>
      %dma_wait3A_62 = arith.constant 0 : i32
      %dma_wait3A_63 = arith.constant 0 : i32
      %dma_wait3A_64 = tpu.memref_slice %arg3[%dma_wait3A_62, %dma_wait3A_63] : memref<10000x64xf32, #tpu.memory_space<hbm>> -> memref<10000x64xf32, #tpu.memory_space<hbm>>
      tpu.wait_indirect_dma semaphore(%arg13 : memref<!tpu.dma_semaphore, #tpu.memory_space<semaphore_mem>>) src(%dma_wait3A_64 : memref<10000x64xf32, #tpu.memory_space<hbm>>) dst(%arg10 : memref<128x64xf32, #tpu.memory_space<vmem>>)
      %run_scoped3A_65 = arith.constant 107 : i32
      "tpu.region"() ({
        %run_scoped3A_66 = tpu.sem_alloc : memref<!tpu.dma_semaphore, #tpu.memory_space<semaphore_mem>>
        %dma_start3A_67 = arith.constant 0 : i32
        %dma_start3A_68 = tpu.memref_slice %arg8[%run_scoped3A_65, %dma_start3A_67] : memref<108x128xi32, #tpu.memory_space<vmem>> -> memref<1x128xi32, #tpu.memory_space<vmem>>
        %dma_start3A_69 = tpu.memref_squeeze %dma_start3A_68 : memref<1x128xi32, #tpu.memory_space<vmem>> -> memref<128xi32, #tpu.memory_space<vmem>>
        %dma_start3A_70 = arith.constant 0 : i32
        %dma_start3A_71 = arith.constant 0 : i32
        %dma_start3A_72 = tpu.memref_slice %arg11[%dma_start3A_70, %dma_start3A_71] : memref<10240x64xf32, #tpu.memory_space<vmem_shared>> -> memref<10240x64xf32, #tpu.memory_space<vmem_shared>>
        tpu.enqueue_indirect_dma source(%arg10 : memref<128x64xf32, #tpu.memory_space<vmem>>) target(%dma_start3A_72 : memref<10240x64xf32, #tpu.memory_space<vmem_shared>>) offsets(%dma_start3A_69 : memref<128xi32, #tpu.memory_space<vmem>>) semaphore(%run_scoped3A_66 : memref<!tpu.dma_semaphore, #tpu.memory_space<semaphore_mem>>) {add = true}
        %dma_wait3A_73 = arith.constant 0 : i32
        %dma_wait3A_74 = tpu.memref_slice %arg8[%run_scoped3A_65, %dma_wait3A_73] : memref<108x128xi32, #tpu.memory_space<vmem>> -> memref<1x128xi32, #tpu.memory_space<vmem>>
        %dma_wait3A_75 = tpu.memref_squeeze %dma_wait3A_74 : memref<1x128xi32, #tpu.memory_space<vmem>> -> memref<128xi32, #tpu.memory_space<vmem>>
        %dma_wait3A_76 = arith.constant 0 : i32
        %dma_wait3A_77 = arith.constant 0 : i32
        %dma_wait3A_78 = tpu.memref_slice %arg11[%dma_wait3A_76, %dma_wait3A_77] : memref<10240x64xf32, #tpu.memory_space<vmem_shared>> -> memref<10240x64xf32, #tpu.memory_space<vmem_shared>>
        tpu.wait_indirect_dma semaphore(%run_scoped3A_66 : memref<!tpu.dma_semaphore, #tpu.memory_space<semaphore_mem>>) src(%arg10 : memref<128x64xf32, #tpu.memory_space<vmem>>) dst(%dma_wait3A_78 : memref<10240x64xf32, #tpu.memory_space<vmem_shared>>)
        tpu.yield
      }) : () -> ()
    } else {
    }
    %eq3A_25 = arith.constant 1 : i32
    %eq3A_26 = arith.cmpi eq, %arg0, %eq3A_25 : i32
    %convert_element_type3A_27 = arith.extui %eq3A_26 : i1 to i32
    %cond3A_28 = arith.constant 0 : i32
    %cond3A_29 = arith.cmpi ne, %convert_element_type3A_27, %cond3A_28 : i32
    scf.if %cond3A_29 {
      %dma_start3A = arith.constant 0 : i32
      %dma_start3A_32 = arith.constant 0 : i32
      %dma_start3A_33 = tpu.memref_slice %arg7[%dma_start3A, %dma_start3A_32] : memref<108x128xi32, #tpu.memory_space<vmem>> -> memref<1x128xi32, #tpu.memory_space<vmem>>
      %dma_start3A_34 = tpu.memref_squeeze %dma_start3A_33 : memref<1x128xi32, #tpu.memory_space<vmem>> -> memref<128xi32, #tpu.memory_space<vmem>>
      %dma_start3A_35 = arith.constant 0 : i32
      %dma_start3A_36 = arith.constant 0 : i32
      %dma_start3A_37 = tpu.memref_slice %arg3[%dma_start3A_35, %dma_start3A_36] : memref<10000x64xf32, #tpu.memory_space<hbm>> -> memref<10000x64xf32, #tpu.memory_space<hbm>>
      tpu.enqueue_indirect_dma source(%dma_start3A_37 : memref<10000x64xf32, #tpu.memory_space<hbm>>) target(%arg9 : memref<128x64xf32, #tpu.memory_space<vmem>>) offsets(%dma_start3A_34 : memref<128xi32, #tpu.memory_space<vmem>>) semaphore(%arg12 : memref<!tpu.dma_semaphore, #tpu.memory_space<semaphore_mem>>)
      %dma_start3A_38 = arith.constant 1 : i32
      %dma_start3A_39 = arith.constant 0 : i32
      %dma_start3A_40 = tpu.memref_slice %arg7[%dma_start3A_38, %dma_start3A_39] : memref<108x128xi32, #tpu.memory_space<vmem>> -> memref<1x128xi32, #tpu.memory_space<vmem>>
      %dma_start3A_41 = tpu.memref_squeeze %dma_start3A_40 : memref<1x128xi32, #tpu.memory_space<vmem>> -> memref<128xi32, #tpu.memory_space<vmem>>
      %dma_start3A_42 = arith.constant 0 : i32
      %dma_start3A_43 = arith.constant 0 : i32
      %dma_start3A_44 = tpu.memref_slice %arg3[%dma_start3A_42, %dma_start3A_43] : memref<10000x64xf32, #tpu.memory_space<hbm>> -> memref<10000x64xf32, #tpu.memory_space<hbm>>
      tpu.enqueue_indirect_dma source(%dma_start3A_44 : memref<10000x64xf32, #tpu.memory_space<hbm>>) target(%arg10 : memref<128x64xf32, #tpu.memory_space<vmem>>) offsets(%dma_start3A_41 : memref<128xi32, #tpu.memory_space<vmem>>) semaphore(%arg13 : memref<!tpu.dma_semaphore, #tpu.memory_space<semaphore_mem>>)
      %scan3A = arith.constant 0 : i32
      %scan3A_45 = arith.constant 0 : i32
      %scan3A_46 = arith.constant 24 : i32
      %scan3A_47 = arith.addi %scan3A_45, %scan3A_46 : i32
      %scan3A_48 = arith.constant 1 : i32
      %scan3A_49 = scf.for %scan3A_66 = %scan3A_45 to %scan3A_47 step %scan3A_48 iter_args(%scan3A_67 = %scan3A) -> (i32)  : i32 {
        %mul3A_68 = arith.constant 2 : i32
        %mul3A_69 = arith.muli %mul3A_68, %scan3A_66 : i32
        %dma_wait3A_70 = arith.constant 0 : i32
        %dma_wait3A_71 = tpu.memref_slice %arg7[%mul3A_69, %dma_wait3A_70] : memref<108x128xi32, #tpu.memory_space<vmem>> -> memref<1x128xi32, #tpu.memory_space<vmem>>
        %dma_wait3A_72 = tpu.memref_squeeze %dma_wait3A_71 : memref<1x128xi32, #tpu.memory_space<vmem>> -> memref<128xi32, #tpu.memory_space<vmem>>
        %dma_wait3A_73 = arith.constant 0 : i32
        %dma_wait3A_74 = arith.constant 0 : i32
        %dma_wait3A_75 = tpu.memref_slice %arg3[%dma_wait3A_73, %dma_wait3A_74] : memref<10000x64xf32, #tpu.memory_space<hbm>> -> memref<10000x64xf32, #tpu.memory_space<hbm>>
        tpu.wait_indirect_dma semaphore(%arg12 : memref<!tpu.dma_semaphore, #tpu.memory_space<semaphore_mem>>) src(%dma_wait3A_75 : memref<10000x64xf32, #tpu.memory_space<hbm>>) dst(%arg9 : memref<128x64xf32, #tpu.memory_space<vmem>>)
        "tpu.region"() ({
          %run_scoped3A_102 = tpu.sem_alloc : memref<!tpu.dma_semaphore, #tpu.memory_space<semaphore_mem>>
          %dma_start3A_103 = arith.constant 0 : i32
          %dma_start3A_104 = tpu.memref_slice %arg8[%mul3A_69, %dma_start3A_103] : memref<108x128xi32, #tpu.memory_space<vmem>> -> memref<1x128xi32, #tpu.memory_space<vmem>>
          %dma_start3A_105 = tpu.memref_squeeze %dma_start3A_104 : memref<1x128xi32, #tpu.memory_space<vmem>> -> memref<128xi32, #tpu.memory_space<vmem>>
          %dma_start3A_106 = arith.constant 0 : i32
          %dma_start3A_107 = arith.constant 0 : i32
          %dma_start3A_108 = tpu.memref_slice %arg11[%dma_start3A_106, %dma_start3A_107] : memref<10240x64xf32, #tpu.memory_space<vmem_shared>> -> memref<10240x64xf32, #tpu.memory_space<vmem_shared>>
          tpu.enqueue_indirect_dma source(%arg9 : memref<128x64xf32, #tpu.memory_space<vmem>>) target(%dma_start3A_108 : memref<10240x64xf32, #tpu.memory_space<vmem_shared>>) offsets(%dma_start3A_105 : memref<128xi32, #tpu.memory_space<vmem>>) semaphore(%run_scoped3A_102 : memref<!tpu.dma_semaphore, #tpu.memory_space<semaphore_mem>>) {add = true}
          %dma_wait3A_109 = arith.constant 0 : i32
          %dma_wait3A_110 = tpu.memref_slice %arg8[%mul3A_69, %dma_wait3A_109] : memref<108x128xi32, #tpu.memory_space<vmem>> -> memref<1x128xi32, #tpu.memory_space<vmem>>
          %dma_wait3A_111 = tpu.memref_squeeze %dma_wait3A_110 : memref<1x128xi32, #tpu.memory_space<vmem>> -> memref<128xi32, #tpu.memory_space<vmem>>
          %dma_wait3A_112 = arith.constant 0 : i32
          %dma_wait3A_113 = arith.constant 0 : i32
          %dma_wait3A_114 = tpu.memref_slice %arg11[%dma_wait3A_112, %dma_wait3A_113] : memref<10240x64xf32, #tpu.memory_space<vmem_shared>> -> memref<10240x64xf32, #tpu.memory_space<vmem_shared>>
          tpu.wait_indirect_dma semaphore(%run_scoped3A_102 : memref<!tpu.dma_semaphore, #tpu.memory_space<semaphore_mem>>) src(%arg9 : memref<128x64xf32, #tpu.memory_space<vmem>>) dst(%dma_wait3A_114 : memref<10240x64xf32, #tpu.memory_space<vmem_shared>>)
          tpu.yield
        }) : () -> ()
        %add3A = arith.constant 2 : i32
        %add3A_76 = arith.addi %mul3A_69, %add3A : i32
        %dma_start3A_77 = arith.constant 0 : i32
        %dma_start3A_78 = tpu.memref_slice %arg7[%add3A_76, %dma_start3A_77] : memref<108x128xi32, #tpu.memory_space<vmem>> -> memref<1x128xi32, #tpu.memory_space<vmem>>
        %dma_start3A_79 = tpu.memref_squeeze %dma_start3A_78 : memref<1x128xi32, #tpu.memory_space<vmem>> -> memref<128xi32, #tpu.memory_space<vmem>>
        %dma_start3A_80 = arith.constant 0 : i32
        %dma_start3A_81 = arith.constant 0 : i32
        %dma_start3A_82 = tpu.memref_slice %arg3[%dma_start3A_80, %dma_start3A_81] : memref<10000x64xf32, #tpu.memory_space<hbm>> -> memref<10000x64xf32, #tpu.memory_space<hbm>>
        tpu.enqueue_indirect_dma source(%dma_start3A_82 : memref<10000x64xf32, #tpu.memory_space<hbm>>) target(%arg9 : memref<128x64xf32, #tpu.memory_space<vmem>>) offsets(%dma_start3A_79 : memref<128xi32, #tpu.memory_space<vmem>>) semaphore(%arg12 : memref<!tpu.dma_semaphore, #tpu.memory_space<semaphore_mem>>)
        %add3A_83 = arith.constant 1 : i32
        %add3A_84 = arith.addi %mul3A_69, %add3A_83 : i32
        %dma_wait3A_85 = arith.constant 0 : i32
        %dma_wait3A_86 = tpu.memref_slice %arg7[%add3A_84, %dma_wait3A_85] : memref<108x128xi32, #tpu.memory_space<vmem>> -> memref<1x128xi32, #tpu.memory_space<vmem>>
        %dma_wait3A_87 = tpu.memref_squeeze %dma_wait3A_86 : memref<1x128xi32, #tpu.memory_space<vmem>> -> memref<128xi32, #tpu.memory_space<vmem>>
        %dma_wait3A_88 = arith.constant 0 : i32
        %dma_wait3A_89 = arith.constant 0 : i32
        %dma_wait3A_90 = tpu.memref_slice %arg3[%dma_wait3A_88, %dma_wait3A_89] : memref<10000x64xf32, #tpu.memory_space<hbm>> -> memref<10000x64xf32, #tpu.memory_space<hbm>>
        tpu.wait_indirect_dma semaphore(%arg13 : memref<!tpu.dma_semaphore, #tpu.memory_space<semaphore_mem>>) src(%dma_wait3A_90 : memref<10000x64xf32, #tpu.memory_space<hbm>>) dst(%arg10 : memref<128x64xf32, #tpu.memory_space<vmem>>)
        %add3A_91 = arith.constant 1 : i32
        %add3A_92 = arith.addi %mul3A_69, %add3A_91 : i32
        "tpu.region"() ({
          %run_scoped3A_102 = tpu.sem_alloc : memref<!tpu.dma_semaphore, #tpu.memory_space<semaphore_mem>>
          %dma_start3A_103 = arith.constant 0 : i32
          %dma_start3A_104 = tpu.memref_slice %arg8[%add3A_92, %dma_start3A_103] : memref<108x128xi32, #tpu.memory_space<vmem>> -> memref<1x128xi32, #tpu.memory_space<vmem>>
          %dma_start3A_105 = tpu.memref_squeeze %dma_start3A_104 : memref<1x128xi32, #tpu.memory_space<vmem>> -> memref<128xi32, #tpu.memory_space<vmem>>
          %dma_start3A_106 = arith.constant 0 : i32
          %dma_start3A_107 = arith.constant 0 : i32
          %dma_start3A_108 = tpu.memref_slice %arg11[%dma_start3A_106, %dma_start3A_107] : memref<10240x64xf32, #tpu.memory_space<vmem_shared>> -> memref<10240x64xf32, #tpu.memory_space<vmem_shared>>
          tpu.enqueue_indirect_dma source(%arg10 : memref<128x64xf32, #tpu.memory_space<vmem>>) target(%dma_start3A_108 : memref<10240x64xf32, #tpu.memory_space<vmem_shared>>) offsets(%dma_start3A_105 : memref<128xi32, #tpu.memory_space<vmem>>) semaphore(%run_scoped3A_102 : memref<!tpu.dma_semaphore, #tpu.memory_space<semaphore_mem>>) {add = true}
          %dma_wait3A_109 = arith.constant 0 : i32
          %dma_wait3A_110 = tpu.memref_slice %arg8[%add3A_92, %dma_wait3A_109] : memref<108x128xi32, #tpu.memory_space<vmem>> -> memref<1x128xi32, #tpu.memory_space<vmem>>
          %dma_wait3A_111 = tpu.memref_squeeze %dma_wait3A_110 : memref<1x128xi32, #tpu.memory_space<vmem>> -> memref<128xi32, #tpu.memory_space<vmem>>
          %dma_wait3A_112 = arith.constant 0 : i32
          %dma_wait3A_113 = arith.constant 0 : i32
          %dma_wait3A_114 = tpu.memref_slice %arg11[%dma_wait3A_112, %dma_wait3A_113] : memref<10240x64xf32, #tpu.memory_space<vmem_shared>> -> memref<10240x64xf32, #tpu.memory_space<vmem_shared>>
          tpu.wait_indirect_dma semaphore(%run_scoped3A_102 : memref<!tpu.dma_semaphore, #tpu.memory_space<semaphore_mem>>) src(%arg10 : memref<128x64xf32, #tpu.memory_space<vmem>>) dst(%dma_wait3A_114 : memref<10240x64xf32, #tpu.memory_space<vmem_shared>>)
          tpu.yield
        }) : () -> ()
        %add3A_93 = arith.constant 3 : i32
        %add3A_94 = arith.addi %mul3A_69, %add3A_93 : i32
        %dma_start3A_95 = arith.constant 0 : i32
        %dma_start3A_96 = tpu.memref_slice %arg7[%add3A_94, %dma_start3A_95] : memref<108x128xi32, #tpu.memory_space<vmem>> -> memref<1x128xi32, #tpu.memory_space<vmem>>
        %dma_start3A_97 = tpu.memref_squeeze %dma_start3A_96 : memref<1x128xi32, #tpu.memory_space<vmem>> -> memref<128xi32, #tpu.memory_space<vmem>>
        %dma_start3A_98 = arith.constant 0 : i32
        %dma_start3A_99 = arith.constant 0 : i32
        %dma_start3A_100 = tpu.memref_slice %arg3[%dma_start3A_98, %dma_start3A_99] : memref<10000x64xf32, #tpu.memory_space<hbm>> -> memref<10000x64xf32, #tpu.memory_space<hbm>>
        tpu.enqueue_indirect_dma source(%dma_start3A_100 : memref<10000x64xf32, #tpu.memory_space<hbm>>) target(%arg10 : memref<128x64xf32, #tpu.memory_space<vmem>>) offsets(%dma_start3A_97 : memref<128xi32, #tpu.memory_space<vmem>>) semaphore(%arg13 : memref<!tpu.dma_semaphore, #tpu.memory_space<semaphore_mem>>)
        %scan3A_101 = arith.constant 0 : i32
        scf.yield %scan3A_101 : i32
      }
      %scan3A_50 = arith.constant 24 : i32
      %dma_wait3A = arith.constant 48 : i32
      %dma_wait3A_51 = arith.constant 0 : i32
      %dma_wait3A_52 = tpu.memref_slice %arg7[%dma_wait3A, %dma_wait3A_51] : memref<108x128xi32, #tpu.memory_space<vmem>> -> memref<1x128xi32, #tpu.memory_space<vmem>>
      %dma_wait3A_53 = tpu.memref_squeeze %dma_wait3A_52 : memref<1x128xi32, #tpu.memory_space<vmem>> -> memref<128xi32, #tpu.memory_space<vmem>>
      %dma_wait3A_54 = arith.constant 0 : i32
      %dma_wait3A_55 = arith.constant 0 : i32
      %dma_wait3A_56 = tpu.memref_slice %arg3[%dma_wait3A_54, %dma_wait3A_55] : memref<10000x64xf32, #tpu.memory_space<hbm>> -> memref<10000x64xf32, #tpu.memory_space<hbm>>
      tpu.wait_indirect_dma semaphore(%arg12 : memref<!tpu.dma_semaphore, #tpu.memory_space<semaphore_mem>>) src(%dma_wait3A_56 : memref<10000x64xf32, #tpu.memory_space<hbm>>) dst(%arg9 : memref<128x64xf32, #tpu.memory_space<vmem>>)
      %run_scoped3A_57 = arith.constant 48 : i32
      "tpu.region"() ({
        %run_scoped3A_66 = tpu.sem_alloc : memref<!tpu.dma_semaphore, #tpu.memory_space<semaphore_mem>>
        %dma_start3A_67 = arith.constant 0 : i32
        %dma_start3A_68 = tpu.memref_slice %arg8[%run_scoped3A_57, %dma_start3A_67] : memref<108x128xi32, #tpu.memory_space<vmem>> -> memref<1x128xi32, #tpu.memory_space<vmem>>
        %dma_start3A_69 = tpu.memref_squeeze %dma_start3A_68 : memref<1x128xi32, #tpu.memory_space<vmem>> -> memref<128xi32, #tpu.memory_space<vmem>>
        %dma_start3A_70 = arith.constant 0 : i32
        %dma_start3A_71 = arith.constant 0 : i32
        %dma_start3A_72 = tpu.memref_slice %arg11[%dma_start3A_70, %dma_start3A_71] : memref<10240x64xf32, #tpu.memory_space<vmem_shared>> -> memref<10240x64xf32, #tpu.memory_space<vmem_shared>>
        tpu.enqueue_indirect_dma source(%arg9 : memref<128x64xf32, #tpu.memory_space<vmem>>) target(%dma_start3A_72 : memref<10240x64xf32, #tpu.memory_space<vmem_shared>>) offsets(%dma_start3A_69 : memref<128xi32, #tpu.memory_space<vmem>>) semaphore(%run_scoped3A_66 : memref<!tpu.dma_semaphore, #tpu.memory_space<semaphore_mem>>) {add = true}
        %dma_wait3A_73 = arith.constant 0 : i32
        %dma_wait3A_74 = tpu.memref_slice %arg8[%run_scoped3A_57, %dma_wait3A_73] : memref<108x128xi32, #tpu.memory_space<vmem>> -> memref<1x128xi32, #tpu.memory_space<vmem>>
        %dma_wait3A_75 = tpu.memref_squeeze %dma_wait3A_74 : memref<1x128xi32, #tpu.memory_space<vmem>> -> memref<128xi32, #tpu.memory_space<vmem>>
        %dma_wait3A_76 = arith.constant 0 : i32
        %dma_wait3A_77 = arith.constant 0 : i32
        %dma_wait3A_78 = tpu.memref_slice %arg11[%dma_wait3A_76, %dma_wait3A_77] : memref<10240x64xf32, #tpu.memory_space<vmem_shared>> -> memref<10240x64xf32, #tpu.memory_space<vmem_shared>>
        tpu.wait_indirect_dma semaphore(%run_scoped3A_66 : memref<!tpu.dma_semaphore, #tpu.memory_space<semaphore_mem>>) src(%arg9 : memref<128x64xf32, #tpu.memory_space<vmem>>) dst(%dma_wait3A_78 : memref<10240x64xf32, #tpu.memory_space<vmem_shared>>)
        tpu.yield
      }) : () -> ()
      %dma_wait3A_58 = arith.constant 49 : i32
      %dma_wait3A_59 = arith.constant 0 : i32
      %dma_wait3A_60 = tpu.memref_slice %arg7[%dma_wait3A_58, %dma_wait3A_59] : memref<108x128xi32, #tpu.memory_space<vmem>> -> memref<1x128xi32, #tpu.memory_space<vmem>>
      %dma_wait3A_61 = tpu.memref_squeeze %dma_wait3A_60 : memref<1x128xi32, #tpu.memory_space<vmem>> -> memref<128xi32, #tpu.memory_space<vmem>>
      %dma_wait3A_62 = arith.constant 0 : i32
      %dma_wait3A_63 = arith.constant 0 : i32
      %dma_wait3A_64 = tpu.memref_slice %arg3[%dma_wait3A_62, %dma_wait3A_63] : memref<10000x64xf32, #tpu.memory_space<hbm>> -> memref<10000x64xf32, #tpu.memory_space<hbm>>
      tpu.wait_indirect_dma semaphore(%arg13 : memref<!tpu.dma_semaphore, #tpu.memory_space<semaphore_mem>>) src(%dma_wait3A_64 : memref<10000x64xf32, #tpu.memory_space<hbm>>) dst(%arg10 : memref<128x64xf32, #tpu.memory_space<vmem>>)
      %run_scoped3A_65 = arith.constant 49 : i32
      "tpu.region"() ({
        %run_scoped3A_66 = tpu.sem_alloc : memref<!tpu.dma_semaphore, #tpu.memory_space<semaphore_mem>>
        %dma_start3A_67 = arith.constant 0 : i32
        %dma_start3A_68 = tpu.memref_slice %arg8[%run_scoped3A_65, %dma_start3A_67] : memref<108x128xi32, #tpu.memory_space<vmem>> -> memref<1x128xi32, #tpu.memory_space<vmem>>
        %dma_start3A_69 = tpu.memref_squeeze %dma_start3A_68 : memref<1x128xi32, #tpu.memory_space<vmem>> -> memref<128xi32, #tpu.memory_space<vmem>>
        %dma_start3A_70 = arith.constant 0 : i32
        %dma_start3A_71 = arith.constant 0 : i32
        %dma_start3A_72 = tpu.memref_slice %arg11[%dma_start3A_70, %dma_start3A_71] : memref<10240x64xf32, #tpu.memory_space<vmem_shared>> -> memref<10240x64xf32, #tpu.memory_space<vmem_shared>>
        tpu.enqueue_indirect_dma source(%arg10 : memref<128x64xf32, #tpu.memory_space<vmem>>) target(%dma_start3A_72 : memref<10240x64xf32, #tpu.memory_space<vmem_shared>>) offsets(%dma_start3A_69 : memref<128xi32, #tpu.memory_space<vmem>>) semaphore(%run_scoped3A_66 : memref<!tpu.dma_semaphore, #tpu.memory_space<semaphore_mem>>) {add = true}
        %dma_wait3A_73 = arith.constant 0 : i32
        %dma_wait3A_74 = tpu.memref_slice %arg8[%run_scoped3A_65, %dma_wait3A_73] : memref<108x128xi32, #tpu.memory_space<vmem>> -> memref<1x128xi32, #tpu.memory_space<vmem>>
        %dma_wait3A_75 = tpu.memref_squeeze %dma_wait3A_74 : memref<1x128xi32, #tpu.memory_space<vmem>> -> memref<128xi32, #tpu.memory_space<vmem>>
        %dma_wait3A_76 = arith.constant 0 : i32
        %dma_wait3A_77 = arith.constant 0 : i32
        %dma_wait3A_78 = tpu.memref_slice %arg11[%dma_wait3A_76, %dma_wait3A_77] : memref<10240x64xf32, #tpu.memory_space<vmem_shared>> -> memref<10240x64xf32, #tpu.memory_space<vmem_shared>>
        tpu.wait_indirect_dma semaphore(%run_scoped3A_66 : memref<!tpu.dma_semaphore, #tpu.memory_space<semaphore_mem>>) src(%arg10 : memref<128x64xf32, #tpu.memory_space<vmem>>) dst(%dma_wait3A_78 : memref<10240x64xf32, #tpu.memory_space<vmem_shared>>)
        tpu.yield
      }) : () -> ()
    } else {
    }
    %barrier3A_30 = arith.constant 0 : index
    tpu.barrier barrier_id(%barrier3A_30)
    %run_scoped3A_31 = arith.constant 1 : i32
    "tpu.region"() ({
      %run_scoped3A_32 = tpu.sem_alloc : memref<!tpu.dma_semaphore, #tpu.memory_space<semaphore_mem>>
      %dma_start3A = arith.constant 0 : i32
      %dma_start3A_33 = tpu.memref_slice %arg6[%arg0, %run_scoped3A_31, %mul3A_0, %dma_start3A] : memref<2x2x10240x64xf32, #tpu.memory_space<hbm>> -> memref<1x1x640x64xf32, #tpu.memory_space<hbm>>
      %dma_start3A_34 = tpu.memref_squeeze %dma_start3A_33 : memref<1x1x640x64xf32, #tpu.memory_space<hbm>> -> memref<640x64xf32, #tpu.memory_space<hbm>>
      %dma_start3A_35 = arith.constant 0 : i32
      %dma_start3A_36 = tpu.memref_slice %arg11[%mul3A_0, %dma_start3A_35] : memref<10240x64xf32, #tpu.memory_space<vmem_shared>> -> memref<640x64xf32, #tpu.memory_space<vmem_shared>>
      tpu.enqueue_dma source(%dma_start3A_36 : memref<640x64xf32, #tpu.memory_space<vmem_shared>>) target(%dma_start3A_34 : memref<640x64xf32, #tpu.memory_space<hbm>>) target_semaphore(%run_scoped3A_32 : memref<!tpu.dma_semaphore, #tpu.memory_space<semaphore_mem>>)
      %dma_wait3A = arith.constant 0 : i32
      %dma_wait3A_37 = tpu.memref_slice %arg6[%arg0, %run_scoped3A_31, %mul3A_0, %dma_wait3A] : memref<2x2x10240x64xf32, #tpu.memory_space<hbm>> -> memref<1x1x640x64xf32, #tpu.memory_space<hbm>>
      %dma_wait3A_38 = tpu.memref_squeeze %dma_wait3A_37 : memref<1x1x640x64xf32, #tpu.memory_space<hbm>> -> memref<640x64xf32, #tpu.memory_space<hbm>>
      %dma_wait3A_39 = arith.constant 0 : i32
      %dma_wait3A_40 = tpu.memref_slice %arg11[%mul3A_0, %dma_wait3A_39] : memref<10240x64xf32, #tpu.memory_space<vmem_shared>> -> memref<640x64xf32, #tpu.memory_space<vmem_shared>>
      tpu.wait_dma2 semaphore(%run_scoped3A_32 : memref<!tpu.dma_semaphore, #tpu.memory_space<semaphore_mem>>) src(%dma_wait3A_40 : memref<640x64xf32, #tpu.memory_space<vmem_shared>>) dst(%dma_wait3A_38 : memref<640x64xf32, #tpu.memory_space<hbm>>)
      tpu.yield
    }) : () -> ()
    return
  }
}

module attributes {stable_mosaic.version = 14 : i64} {
  func.func @_layer1_body(%arg0: memref<10000x128xf32, #tpu.memory_space<vmem>>, %arg1: memref<2x2x10240x64xf32, #tpu.memory_space<vmem>>, %arg2: memref<128x64xf32, #tpu.memory_space<vmem>>, %arg3: memref<1x64xf32, #tpu.memory_space<vmem>>, %arg4: memref<10000x64xf32, #tpu.memory_space<vmem>>) attributes {dimension_semantics = [], scalar_prefetch = 0 : i64, scratch_operands = 0 : i64, tpu.core_type = #tpu.core_type<tc>} {
    %get3A = arith.constant 0 : index
    %get3A_0 = arith.constant 0 : index
    %get3A_1 = arith.constant 0 : index
    %get3A_2 = arith.constant 0 : index
    %get3A_3 = vector.load %arg1[%get3A, %get3A_0, %get3A_1, %get3A_2] : memref<2x2x10240x64xf32, #tpu.memory_space<vmem>>, vector<1x1x10000x64xf32>
    %get3A_4 = vector.shape_cast %get3A_3 : vector<1x1x10000x64xf32> to vector<10000x64xf32>
    %get3A_5 = arith.constant 1 : index
    %get3A_6 = arith.constant 0 : index
    %get3A_7 = arith.constant 0 : index
    %get3A_8 = arith.constant 0 : index
    %get3A_9 = vector.load %arg1[%get3A_5, %get3A_6, %get3A_7, %get3A_8] : memref<2x2x10240x64xf32, #tpu.memory_space<vmem>>, vector<1x1x10000x64xf32>
    %get3A_10 = vector.shape_cast %get3A_9 : vector<1x1x10000x64xf32> to vector<10000x64xf32>
    %add3A = arith.addf %get3A_4, %get3A_10 : vector<10000x64xf32>
    %get3A_11 = arith.constant 0 : index
    %get3A_12 = arith.constant 1 : index
    %get3A_13 = arith.constant 0 : index
    %get3A_14 = arith.constant 0 : index
    %get3A_15 = vector.load %arg1[%get3A_11, %get3A_12, %get3A_13, %get3A_14] : memref<2x2x10240x64xf32, #tpu.memory_space<vmem>>, vector<1x1x10000x64xf32>
    %get3A_16 = vector.shape_cast %get3A_15 : vector<1x1x10000x64xf32> to vector<10000x64xf32>
    %get3A_17 = arith.constant 1 : index
    %get3A_18 = arith.constant 1 : index
    %get3A_19 = arith.constant 0 : index
    %get3A_20 = arith.constant 0 : index
    %get3A_21 = vector.load %arg1[%get3A_17, %get3A_18, %get3A_19, %get3A_20] : memref<2x2x10240x64xf32, #tpu.memory_space<vmem>>, vector<1x1x10000x64xf32>
    %get3A_22 = vector.shape_cast %get3A_21 : vector<1x1x10000x64xf32> to vector<10000x64xf32>
    %add3A_23 = arith.addf %get3A_16, %get3A_22 : vector<10000x64xf32>
    %get3A_24 = arith.constant 0 : index
    %get3A_25 = arith.constant 0 : index
    %get3A_26 = vector.load %arg0[%get3A_24, %get3A_25] : memref<10000x128xf32, #tpu.memory_space<vmem>>, vector<10000x128xf32>
    %concatenate3A = tpu.concatenate %add3A, %add3A_23 in 1 : vector<10000x64xf32>, vector<10000x64xf32> -> vector<10000x128xf32>
    %add3A_27 = arith.addf %get3A_26, %concatenate3A : vector<10000x128xf32>
    %get3A_28 = arith.constant 0 : index
    %get3A_29 = arith.constant 0 : index
    %get3A_30 = vector.load %arg2[%get3A_28, %get3A_29] : memref<128x64xf32, #tpu.memory_space<vmem>>, vector<128x64xf32>
    %dot_general3A = arith.constant dense<0.000000e+00> : vector<10000x64xf32>
    %dot_general3A_31 = tpu.matmul %add3A_27, %get3A_30, %dot_general3A {dimension_numbers = #tpu.dot_dimension_numbers<[1], [0], [0], [1], [0, 0, 1, 1], [], []>, transpose_lhs_hint = false} : vector<10000x128xf32>, vector<128x64xf32>, vector<10000x64xf32> -> vector<10000x64xf32>
    %get3A_32 = arith.constant 0 : index
    %get3A_33 = arith.constant 0 : index
    %get3A_34 = vector.load %arg3[%get3A_32, %get3A_33] : memref<1x64xf32, #tpu.memory_space<vmem>>, vector<1x64xf32>
    %add3A_35 = vector.broadcast %get3A_34 : vector<1x64xf32> to vector<10000x64xf32>
    %add3A_36 = arith.addf %dot_general3A_31, %add3A_35 : vector<10000x64xf32>
    %max3A = arith.constant 0.000000e+00 : f32
    %max3A_37 = vector.broadcast %max3A : f32 to vector<10000x64xf32>
    %max3A_38 = arith.maximumf %add3A_36, %max3A_37 : vector<10000x64xf32>
    %swap3A = arith.constant 0 : index
    %swap3A_39 = arith.constant 0 : index
    %swap3A_40 = vector.load %arg4[%swap3A, %swap3A_39] : memref<10000x64xf32, #tpu.memory_space<vmem>>, vector<10000x64xf32>
    tpu.vector_store %arg4[%swap3A, %swap3A_39], %max3A_38 {strides = array<i32>} : memref<10000x64xf32, #tpu.memory_space<vmem>>, vector<10000x64xf32>,
    return
  }
}

module attributes {stable_mosaic.version = 14 : i64} {
  func.func @_head_body(%arg0: memref<10000x64xf32, #tpu.memory_space<vmem>>, %arg1: memref<2x10240x64xf32, #tpu.memory_space<vmem>>, %arg2: memref<64x64xf32, #tpu.memory_space<vmem>>, %arg3: memref<1x64xf32, #tpu.memory_space<vmem>>, %arg4: memref<64x16xf32, #tpu.memory_space<vmem>>, %arg5: memref<1x16xf32, #tpu.memory_space<vmem>>, %arg6: memref<16x1xf32, #tpu.memory_space<vmem>>, %arg7: memref<1x1xf32, #tpu.memory_space<vmem>>, %arg8: memref<10000x1xf32, #tpu.memory_space<vmem>>) attributes {dimension_semantics = [], scalar_prefetch = 0 : i64, scratch_operands = 0 : i64, tpu.core_type = #tpu.core_type<tc>} {
    %get3A = arith.constant 0 : index
    %get3A_0 = arith.constant 0 : index
    %get3A_1 = vector.load %arg0[%get3A, %get3A_0] : memref<10000x64xf32, #tpu.memory_space<vmem>>, vector<10000x64xf32>
    %get3A_2 = arith.constant 0 : index
    %get3A_3 = arith.constant 0 : index
    %get3A_4 = arith.constant 0 : index
    %get3A_5 = vector.load %arg1[%get3A_2, %get3A_3, %get3A_4] : memref<2x10240x64xf32, #tpu.memory_space<vmem>>, vector<1x10000x64xf32>
    %get3A_6 = vector.shape_cast %get3A_5 : vector<1x10000x64xf32> to vector<10000x64xf32>
    %get3A_7 = arith.constant 1 : index
    %get3A_8 = arith.constant 0 : index
    %get3A_9 = arith.constant 0 : index
    %get3A_10 = vector.load %arg1[%get3A_7, %get3A_8, %get3A_9] : memref<2x10240x64xf32, #tpu.memory_space<vmem>>, vector<1x10000x64xf32>
    %get3A_11 = vector.shape_cast %get3A_10 : vector<1x10000x64xf32> to vector<10000x64xf32>
    %add3A = arith.addf %get3A_6, %get3A_11 : vector<10000x64xf32>
    %add3A_12 = arith.addf %get3A_1, %add3A : vector<10000x64xf32>
    %get3A_13 = arith.constant 0 : index
    %get3A_14 = arith.constant 0 : index
    %get3A_15 = vector.load %arg2[%get3A_13, %get3A_14] : memref<64x64xf32, #tpu.memory_space<vmem>>, vector<64x64xf32>
    %dot_general3A = arith.constant dense<0.000000e+00> : vector<10000x64xf32>
    %dot_general3A_16 = tpu.matmul %add3A_12, %get3A_15, %dot_general3A {dimension_numbers = #tpu.dot_dimension_numbers<[1], [0], [0], [1], [0, 0, 1, 1], [], []>, transpose_lhs_hint = false} : vector<10000x64xf32>, vector<64x64xf32>, vector<10000x64xf32> -> vector<10000x64xf32>
    %get3A_17 = arith.constant 0 : index
    %get3A_18 = arith.constant 0 : index
    %get3A_19 = vector.load %arg3[%get3A_17, %get3A_18] : memref<1x64xf32, #tpu.memory_space<vmem>>, vector<1x64xf32>
    %add3A_20 = vector.broadcast %get3A_19 : vector<1x64xf32> to vector<10000x64xf32>
    %add3A_21 = arith.addf %dot_general3A_16, %add3A_20 : vector<10000x64xf32>
    %max3A = arith.constant 0.000000e+00 : f32
    %max3A_22 = vector.broadcast %max3A : f32 to vector<10000x64xf32>
    %max3A_23 = arith.maximumf %add3A_21, %max3A_22 : vector<10000x64xf32>
    %get3A_24 = arith.constant 0 : index
    %get3A_25 = arith.constant 0 : index
    %get3A_26 = vector.load %arg4[%get3A_24, %get3A_25] : memref<64x16xf32, #tpu.memory_space<vmem>>, vector<64x16xf32>
    %dot_general3A_27 = arith.constant dense<0.000000e+00> : vector<10000x16xf32>
    %dot_general3A_28 = tpu.matmul %max3A_23, %get3A_26, %dot_general3A_27 {dimension_numbers = #tpu.dot_dimension_numbers<[1], [0], [0], [1], [0, 0, 1, 1], [], []>, transpose_lhs_hint = false} : vector<10000x64xf32>, vector<64x16xf32>, vector<10000x16xf32> -> vector<10000x16xf32>
    %get3A_29 = arith.constant 0 : index
    %get3A_30 = arith.constant 0 : index
    %get3A_31 = vector.load %arg5[%get3A_29, %get3A_30] : memref<1x16xf32, #tpu.memory_space<vmem>>, vector<1x16xf32>
    %add3A_32 = vector.broadcast %get3A_31 : vector<1x16xf32> to vector<10000x16xf32>
    %add3A_33 = arith.addf %dot_general3A_28, %add3A_32 : vector<10000x16xf32>
    %max3A_34 = arith.constant 0.000000e+00 : f32
    %max3A_35 = vector.broadcast %max3A_34 : f32 to vector<10000x16xf32>
    %max3A_36 = arith.maximumf %add3A_33, %max3A_35 : vector<10000x16xf32>
    %get3A_37 = arith.constant 0 : index
    %get3A_38 = arith.constant 0 : index
    %get3A_39 = vector.load %arg6[%get3A_37, %get3A_38] : memref<16x1xf32, #tpu.memory_space<vmem>>, vector<16x1xf32>
    %dot_general3A_40 = arith.constant dense<0.000000e+00> : vector<10000x1xf32>
    %dot_general3A_41 = tpu.matmul %max3A_36, %get3A_39, %dot_general3A_40 {dimension_numbers = #tpu.dot_dimension_numbers<[1], [0], [0], [1], [0, 0, 1, 1], [], []>, transpose_lhs_hint = false} : vector<10000x16xf32>, vector<16x1xf32>, vector<10000x1xf32> -> vector<10000x1xf32>
    %get3A_42 = arith.constant 0 : index
    %get3A_43 = arith.constant 0 : index
    %get3A_44 = vector.load %arg7[%get3A_42, %get3A_43] : memref<1x1xf32, #tpu.memory_space<vmem>>, vector<1x1xf32>
    %add3A_45 = vector.broadcast %get3A_44 : vector<1x1xf32> to vector<10000x1xf32>
    %add3A_46 = arith.addf %dot_general3A_41, %add3A_45 : vector<10000x1xf32>
    %swap3A = arith.constant 0 : index
    %swap3A_47 = arith.constant 0 : index
    %swap3A_48 = vector.load %arg8[%swap3A, %swap3A_47] : memref<10000x1xf32, #tpu.memory_space<vmem>>, vector<10000x1xf32>
    tpu.vector_store %arg8[%swap3A, %swap3A_47], %add3A_46 {strides = array<i32>} : memref<10000x1xf32, #tpu.memory_space<vmem>>, vector<10000x1xf32>,
    return
  }
}

</mosaic_0001>

<sc_bundles>
// kernel: kernel.6.cloned.1.call-start
scs
__scs_entry_jumppad:
0x0: {  	(pc) =	sbr.rel $0x88, $3  }
0x1: {  	(tag) =	ssettag $0x0;
	lr =	simm.s32 $0x1  }
0x2: {  	[smem:$0x3F97] =	sst lr;
	_ =	strace $0xD0000000  }
0x3: {  	_ = 	snop  }
0x4: {  	_ = 	snop  }
0x5: {  	_ = 	snop  }
0x6: {  	_ = 	snop  }
0x7: {  	_ = 	snop  }
__scs_overlays_trampoline_lowered:
0x8: {  	[smem:$0x3FA6] =	sst s0  }
0x9: {  	[smem:$0x3FA7] =	sst s1  }
0xa: {  	[smem:$0x3FA8] =	sst s2  }
0xb: {  	[smem:$0x3FA9] =	sst s3  }
0xc: {  	[smem:$0x3FAA] =	sst s4  }
0xd: {  	[smem:$0x3FAB] =	sst s5  }
0xe: {  	[smem:$0x3FAC] =	sst s6  }
0xf: {  	[smem:$0x3FAD] =	sst s7  }
0x10: {  	[smem:$0x3FAE] =	sst s8  }
0x11: {  	[smem:$0x3FAF] =	sst s9;
	s0 =	simm.s32 @!p0 $0x0  }
0x12: {  	s1 =	sld [smem:$0x3F95];
	s0 =	simm.s32 @p0 $0x1  }
0x13: {  	[smem:$0x3FB0] =	sst s0;
	s0 =	simm.s32 @!p1 $0x0  }
0x14: {  	s2 =	sld [smem:$0x3F94];
	s0 =	simm.s32 @p1 $0x1  }
0x15: {  	[smem:$0x3FB1] =	sst s0;
	s0 =	simm.s32 @!p2 $0x0  }
0x16: {  	s3 =	sld [smem:$0x3FDB];
	s0 =	simm.s32 @p2 $0x1  }
0x17: {  	s4 =	simm.s32 $0x1BF5;
	[smem:$0x3FB3] =	sst s0  }
0x18: {  	s0 =	sld [smem:$0x3F96];
	_ =	swait.ge [sflag:s4], $0x0  }
0x19: {  	s7 =	sld [smem:$0x3F97]  }
0x1a: {  	s8 =	sadd.s32 $0xFFFFE003, lr  }
0x1b: {  	s9 =	sadd.s32 $0xFFFFFEF7, lr;
	s5 =	simm.s32 $0xFFFFFFFF;
	p2 =	slt.u32 s8, $0xFFFFF086  }
0x1c: {  	p1 =	slt.u32 s9, $0xF7A;
	s5 =	simm.s32 @!p2 $0x0  }
0x1d: {  	s5 =	simm.s32 @p1 $0x1;
	p0 =	seq.s32 s7, s2  }
0x1e: {  	s7 =	smul.u32 @!p0 $0xF7A, s2;
	p2 =	seq.s32 @!p0 s5, $0x0  }
0x1f: {  	s9 =	smul.u32 $0xF7A, s1;
	s8 =	simm.s32 @!p0 $0x1BF5;
	p2 =	por !p2, p0  }
0x20: {  	[sflag:s8] =	ssyncset.s32 @!p0 $0xFFFFF086;
	s6 =	sadd.s32 @!p0 s3, s7;
	s7 =	simm.s32 @!p0 $0x108  }
0x21: {  	s3 =	sadd.s32 s3, s9;
	s6 =	sadd.s32 @!p0 $0x88, s6;
	s7 =	simm.s32 @p2 $0x1082  }
0x22: {  	[simem:s7], [sflag:s8] =	dma.local @!p0 [hbm:s6], $0xF7A  }
0x23: {  	s9 =	sor.u32 $0xD0000000, s2;
	s6 =	simm.s32 $0x108;
	_ =	swait.ge @!p0 [sflag:s8], $0x0  }
0x24: {  	s3 =	sadd.s32 $0x88, s3;
	s6 =	simm.s32 @!p1 $0x1082;
	[sflag:s4] =	ssyncset.s32 $0xFFFFF086  }
0x25: {  	[simem:s6], [sflag:s4] =	dma.local [hbm:s3], $0xF7A  }
0x26: {  	[smem:$0x3F97] =	sst s1;
	(tag) =	ssettag s2;
	_ =	strace s9  }
0x27: {  	s1 =	sld [smem:$0x3FA7]  }
0x28: {  	s2 =	sld [smem:$0x3FA8]  }
0x29: {  	s4 =	sld [smem:$0x3FAA]  }
0x2a: {  	p0 =	seq.s32 s5, $0x0;
	s5 =	sld [smem:$0x3FAB]  }
0x2b: {  	s6 =	sld [smem:$0x3FAC]  }
0x2c: {  	s7 =	sld [smem:$0x3FAD]  }
0x2d: {  	s3 =	simm.s32 $0x108;
	s8 =	sld [smem:$0x3FAE]  }
0x2e: {  	s3 =	simm.s32 @!p0 $0x1082;
	s9 =	sld [smem:$0x3FAF]  }
0x2f: {  	lr =	sadd.s32 s0, s3;
	s0 =	sld [smem:$0x3FA6]  }
0x30: {  	s3 =	sld [smem:$0x3FA9]  }
0x31: {  	[smem:$0x3FB2] =	sst s10  }
0x32: {  	s10 =	sld [smem:$0x3FB0];
	_ =	sdelay $0x3  }
0x33: {  	p0 =	seq.s32 s10, $0x1;
	s10 =	sld [smem:$0x3FB2];
	_ =	sdelay $0x3  }
0x34: {  	[smem:$0x3FB2] =	sst s10  }
0x35: {  	s10 =	sld [smem:$0x3FB1];
	_ =	sdelay $0x3  }
0x36: {  	p1 =	seq.s32 s10, $0x1;
	s10 =	sld [smem:$0x3FB2];
	_ =	sdelay $0x3  }
0x37: {  	[smem:$0x3FB2] =	sst s10  }
0x38: {  	s10 =	sld [smem:$0x3FB3]  }
0x39: {  	_ = 	snop;
	(pc) =	sbr.ind lr, $3  }
0x3a: {  	_ = 	snop  }
0x3b: {  	_ = 	snop  }
0x3c: {  	p2 =	seq.s32 s10, $0x1;
	s10 =	sld [smem:$0x3FB2]  }
0x3d: {  	_ =	shalt  }
0x3e: {  	_ =	shalt  }
0x3f: {  	_ =	shalt  }
0x40: {  	_ =	shalt  }
0x41: {  	_ =	shalt  }
0x42: {  	_ =	shalt  }
0x43: {  	_ =	shalt  }
0x44: {  	_ =	shalt  }
0x45: {  	_ =	shalt  }
0x46: {  	_ =	shalt  }
0x47: {  	_ =	shalt  }
0x48: {  	_ =	shalt  }
0x49: {  	_ =	shalt  }
0x4a: {  	_ =	shalt  }
0x4b: {  	_ =	shalt  }
0x4c: {  	_ =	shalt  }
0x4d: {  	_ =	shalt  }
0x4e: {  	_ =	shalt  }
0x4f: {  	_ =	shalt  }
0x50: {  	_ =	shalt  }
0x51: {  	_ =	shalt  }
0x52: {  	_ =	shalt  }
0x53: {  	_ =	shalt  }
0x54: {  	_ =	shalt  }
0x55: {  	_ =	shalt  }
0x56: {  	_ =	shalt  }
0x57: {  	_ =	shalt  }
0x58: {  	_ =	shalt  }
0x59: {  	_ =	shalt  }
0x5a: {  	_ =	shalt  }
0x5b: {  	_ =	shalt  }
0x5c: {  	_ =	shalt  }
0x5d: {  	_ =	shalt  }
0x5e: {  	_ =	shalt  }
0x5f: {  	_ =	shalt  }
0x60: {  	_ =	shalt  }
0x61: {  	_ =	shalt  }
0x62: {  	_ =	shalt  }
0x63: {  	_ =	shalt  }
0x64: {  	_ =	shalt  }
0x65: {  	_ =	shalt  }
0x66: {  	_ =	shalt  }
0x67: {  	_ =	shalt  }
0x68: {  	_ =	shalt  }
0x69: {  	_ =	shalt  }
0x6a: {  	_ =	shalt  }
0x6b: {  	_ =	shalt  }
0x6c: {  	_ =	shalt  }
0x6d: {  	_ =	shalt  }
0x6e: {  	_ =	shalt  }
0x6f: {  	_ =	shalt  }
0x70: {  	_ =	shalt  }
0x71: {  	_ =	shalt  }
0x72: {  	_ =	shalt  }
0x73: {  	_ =	shalt  }
0x74: {  	_ =	shalt  }
0x75: {  	_ =	shalt  }
0x76: {  	_ =	shalt  }
0x77: {  	_ =	shalt  }
0x78: {  	_ =	shalt  }
0x79: {  	_ =	shalt  }
0x7a: {  	_ =	shalt  }
0x7b: {  	_ =	shalt  }
0x7c: {  	_ =	shalt  }
0x7d: {  	_ =	shalt  }
0x7e: {  	_ =	shalt  }
0x7f: {  	_ =	shalt  }
0x80: {  	_ =	shalt  }
0x81: {  	_ =	shalt  }
0x82: {  	_ =	shalt  }
0x83: {  	_ =	shalt  }
0x84: {  	_ =	shalt  }
0x85: {  	_ =	shalt  }
0x86: {  	_ =	shalt  }
0x87: {  	_ =	shalt  }
.Lfunc_end0:
.L_simem_size_0:
called_computation_lowered:
.L_overlay_start_0:
0x88: {  	s2 =	sld [smem:$0x3FD9]  }
0x89: {  	s3 =	sld [smem:$0x3FFE];
	_ =	sdelay $0x1  }
0x8a: {  	s1 =	srdreg.scid  }
0x8b: {  	s0 =	sand.u32 $0x1, s1  }
0x8c: {  	s16 =	sshll.u32 s0, $0xA;
	s2 =	sadd.s32 s3, s2  }
0x8d: {  	s2 =	sadd.s32 s2, s16  }
0x8e: {  	[smem:$0x3FBE] =	sst s2  }
0x8f: {  	_ = 	snop  }
0x90: {  	(tm) =	ssettm $0x1  }
0x91: {  	s17 =	sld [smem:$0x3FFB];
	_ =	sdelay $0x3  }
0x92: {  	_ =	strace s17  }
0x93: {  	s2 =	sld [smem:$0x3FFC];
	_ =	sdelay $0x3  }
0x94: {  	_ =	strace s2  }
0x95: {  	s2 =	sld [smem:$0x3FFD];
	_ =	sdelay $0x3  }
0x96: {  	_ =	strace s2  }
0x97: {  	_ =	strace $0x8FFFFFFF  }
0x98: {  	s18 =	sld [smem:$0x3FDB];
	_ =	sdelay $0x1  }
0x99: {  	s19 =	simm.s32 $_scs_section_size  }
0x9a: {  	s4 =	simm.s32 $_size__tile_overlayer_lowered;
	s5 =	simm.s32 $_tile_overlayer_lowered  }
0x9b: {  	s22 =	simm.s32 $0x1BFF;
	s21 =	sshll.u32 s5, $0x1;
	s2 =	sadd.s32 s19, s18  }
0x9c: {  	s6 =	simm.s32 $0x0;
	s20 =	sshll.u32 s4, $0x1;
	s4 =	sadd.s32 s21, s2  }
0x9d: {  	[timem:s6], [sflag:s22] =	dma.local [hbm:s4], s20  }
0x9e: {  	_ =	swait.ge [sflag:s22], s20  }
0x9f: {  	s3 =	ssub.s32 $0x0, s20;
	[sflag:s22] =	ssyncset.done $0x0  }
0xa0: {  	[sflag:s22] =	ssyncadd.s32 s3;
	_ =	sdelay $0x1  }
0xa1: {  	s23 =	simm.s32 $0x1B8B  }
0xa2: {  	_ =	swait.ge [sflag:s23], $0x1  }
0xa3: {  	[sflag:s23] =	ssyncset.done $0x0  }
0xa4: {  	s25 =	simm.s32 $0x1B8E;
	s24 =	sld [smem:$0x3FFE];
	[sflag:s23] =	ssyncadd.s32 $0xFFFFFFFF  }
0xa5: {  	s26 =	simm.s32 $execute0_lowered;
	[smem:$0x3FD2] =	sst s25  }
0xa6: {  	s4 =	sshll.u32 s26, $0x1;
	_ =	strace $0x80000046;
	[dreg:$0x1] =	wrdreg $0xFFFFFFFF  }
0xa7: {  	s28 =	simm.s32 $_size_execute0_lowered;
	s2 =	sadd.s32 s2, s4;
	[dreg:$0x0] =	wrdreg $0x0  }
0xa8: {  	s4 =	sshll.u32 s28, $0x1;
	[dreg:$0x2] =	wrdreg s2  }
0xa9: {  	[dreg:$0x3] =	wrdreg s4  }
0xaa: {  	[dreg:$0x4] =	wrdreg $0xC0  }
0xab: {  	_ =	task [dreg:s6], $0x5FFFF  }
0xac: {  	[dreg:$0x1] =	wrdreg $0xFFFFFFFF  }
0xad: {  	[dreg:$0x0] =	wrdreg $0x60  }
0xae: {  	[dreg:$0x2] =	wrdreg s24  }
0xaf: {  	[dreg:$0x3] =	wrdreg $0xAC000  }
0xb0: {  	[dreg:$0x4] =	wrdreg $0x9  }
0xb1: {  	_ =	task.clear_ibuf [dreg:s6], $0x5FFFF;
	_ =	strace $0x90000046  }
0xb2: {  	s29 =	simm.s32 $0x9;
	_ =	strace $0x80000048  }
0xb3: {  	_ =	swait.ge [sflag:s29], $0x1  }
0xb4: {  	[sflag:s29] =	ssyncadd.s32 $0xFFFFFFFF  }
0xb5: {  	_ =	strace $0x90000048  }
0xb6: {  	_ =	sfence  }
0xb7: {  	s30 =	sld [smem:$0x0];
	_ =	sdelay $0x2  }
0xb8: {  	s31 =	sshll.u32 s1, $0xD;
	s1 =	sshrl.u32 s1, $0x2  }
0xb9: {  	s3 =	sand.u32 $0x4000, s31;
	s1 =	sadd.s32 s1, s30  }
0xba: {  	s0 =	sor.u32 s3, s0;
	s1 =	sshll.u32 s1, $0x11  }
0xbb: {  	s0 =	sor.u32 s1, s0  }
0xbc: {  	s0 =	sadd.s32 $0x8F2B, s0  }
0xbd: {  	[sflag:s0] =	ssyncadd.remote.s32 $0x1  }
0xbe: {  	_ =	sfence.sel $0xFFFF  }
0xbf: {  	[dreg:$0x0] =	wrdreg $0xFFFFFFFF;
	(pc) =	sbr.abs _section_cstart, $3  }
0xc0: {  	[dreg:$0x1] =	wrdreg $0xFFFFFFFF  }
0xc1: {  	_ =	task.clear_ibuf [dreg:s6], $0x2FFFF;
	_ =	strace $0x9FFFFFFF  }
0xc2: {  	(tm) =	ssettm $0x7FFFFFFF  }
0xc3: {  	_ =	shalt  }
tec
execute0_lowered:
.L_overlay_start_1:
0x0: {  	(tag) =	ssettag $0x1  }
0x1: {  	s7 =	rddreg [dreg:$0x0]  }
0x2: {  	s2 =	rddreg [dreg:$0x1]  }
0x3: {  	s0 =	rddreg [dreg:$0x2]  }
0x4: {  	s4 =	srdreg.scid;
	s1 =	stileid.u32  }
0x5: {  	s3 =	simm.s32 $0x0;
	s16 =	simm.s32 $0x3;
	s17 =	simm.s32 $0x3600  }
0x6: {  	s18 =	simm.s32 $0x80;
	s19 =	simm.s32 $0x6C00;
	s20 =	simm.s32 $0x8C00  }
0x7: {  	s21 =	simm.s32 $0x1;
	s22 =	simm.s32 $0x2;
	s23 =	sand.u32 $0x1, s4  }
0x8: {  	s8 =	smul.u32 $0xA000, s1;
	[smem:$0x7FF] =	sst s3;
	s4 =	sadd.s32 $0x15E00, s7  }
0x9: {  	s5 =	sadd.s32 $0x2400, s7;
	s10 =	sadd.s32 $0x29800, s7;
	s12 =	smul.u32 $0x1900, s1  }
0xa: {  	s6 =	sadd.s32 $0x3D400, s7;
	s28 =	smul.u32 $0x3600, s1;
	s30 =	sshll.u32 s1, $0x6  }
0xb: {  	s9 =	smul.u32 $0x140000, s23;
	_ =	strace $0x80000047;
	s11 =	ssub.s32 $0x2, s23  }
0xc: {  	p0 =	seq.s32 s23, $0x0;
	p1 =	sne.s32 s23, $0x0;
	s26 =	sshrl.u32 s11, $0x1  }
0xd: {  	s15 =	sadd.s32 s8, s2;
	s29 =	sshrl.u32 s12, $0x3;
	s9 =	sadd.s32 s8, s9  }
.Ltmp0:
0xe: {  	s14 =	ssub.s32 s11, s26;
	s31 =	sadd.s32 s10, s29;
	(pc) =	sbr.rel .LBB2_1-.Ltmp0, $4  }
0xf: {  	s15 =	sshrl.u32 s15, $0x3;
	s9 =	sshrl.u32 s9, $0x3;
	s8 =	sadd.s32 $0x6C00, s31  }
0x10: {  	s14 =	smax.u32 s14, $0x1;
	s13 =	sadd.s32 s9, s7;
	s9 =	sshrl.u32 s28, $0x3  }
0x11: {  	s7 =	sor.u32 $0x1C03, s30;
	s9 =	sadd.s32 s10, s9;
	s10 =	sadd.s32 $0x10A00, s31  }
0x12: {  	s12 =	sadd.s32 $0x3E800, s13;
	s13 =	sadd.s32 $0x52800, s13;
	s11 =	sadd.s32 $0x9E00, s9  }
.LBB2_11:
0x13: {  	[tilespmem:s20], [sflag:$0x2] =	stream.indirect.gather [hbm4b:s5+s18], $0x40, s24, s18, $0xb8;
	[tilespmem:$0x14C00] =	vst v63  }
0x14: {  	s23 =	simm.s32 $0x6B80;
	s24 =	simm.s32 $0x6B00  }
.LBB2_15:
0x15: {  	_ =	swait.ge [sflag:s21], $0x2000  }
0x16: {  	[sflag:s21] =	ssyncset.done $0x0  }
0x17: {  	[sflag:s21] =	ssyncadd.s32 $0xFFFFE000  }
0x18: {  	[spmem:s2] =	stream.indirect.scatter.add.f32 [tilespmem:s19], [sflag:$0x3], $0x40, s24, s18, $0xb8;
	[tilespmem:$0x14C00] =	vst v63  }
0x19: {  	_ =	swait.ge [sflag:s16], $0x2000  }
0x1a: {  	[sflag:s16] =	ssyncset.done $0x0  }
0x1b: {  	[sflag:s16] =	ssyncadd.s32 $0xFFFFE000  }
0x1c: {  	_ =	swait.ge [sflag:s22], $0x2000  }
0x1d: {  	[sflag:s22] =	ssyncset.done $0x0  }
0x1e: {  	[sflag:s22] =	ssyncadd.s32 $0xFFFFE000  }
0x1f: {  	[spmem:s2] =	stream.indirect.scatter.add.f32 [tilespmem:s20], [sflag:$0x3], $0x40, s23, s18, $0xb8;
	[tilespmem:$0x14C00] =	vst v63  }
0x20: {  	_ =	swait.ge [sflag:s16], $0x2000  }
0x21: {  	s3 =	sadd.s32 $0x1, s3;
	[sflag:s16] =	ssyncset.done $0x0  }
0x22: {  	p2 =	sne.s32 s3, s14;
	[sflag:s16] =	ssyncadd.s32 $0xFFFFE000  }
.Ltmp1:
0x23: {  	[bflag:$0x0] =	sbarrier.arrive $0xFFFF;
	(pc) =	sbr.rel @!p2 .LBB2_16-.Ltmp1, $4  }
0x24: {  	[hbm:s13], [sflag:s7] =	dma.local [spmem:s15], $0x1400  }
0x25: {  	_ =	swait.ge [sflag:s16], $0x1400  }
0x26: {  	[sflag:s16] =	ssyncset.done $0x0  }
0x27: {  	[sflag:s16] =	ssyncadd.s32 $0xFFFFEC00  }
.LBB2_1:
.Ltmp2:
0x28: {  	(pc) =	sbr.rel @!p0 .LBB2_2-.Ltmp2, $4  }
0x29: {  	[spmem:s15], [sflag:s7] =	dma.local [hbm:s6], $0x1400  }
0x2a: {  	_ =	swait.ge [sflag:s16], $0x1400  }
0x2b: {  	[sflag:s16] =	ssyncset.done $0x0  }
0x2c: {  	s23 =	simm.s32 $0x0;
	[sflag:s16] =	ssyncadd.s32 $0xFFFFEC00  }
0x2d: {  	[tilespmem:s23], [sflag:$0x3] =	stream.linear.gather [hbm4b:s9+s23], $0x3600, $0x38;
	[tilespmem:$0x14C00] =	vst v63  }
0x2e: {  	_ =	swait.ge [sflag:s16], $0x3600  }
0x2f: {  	[sflag:s16] =	ssyncset.done $0x0  }
0x30: {  	[sflag:s16] =	ssyncadd.s32 $0xFFFFCA00  }
0x31: {  	[tilespmem:s17], [sflag:$0x3] =	stream.linear.gather [hbm4b:s11+s23], $0x3600, $0x38;
	[tilespmem:$0x14C00] =	vst v63  }
0x32: {  	_ =	swait.ge [sflag:s16], $0x3600  }
0x33: {  	[sflag:s16] =	ssyncset.done $0x0  }
0x34: {  	[sflag:s16] =	ssyncadd.s32 $0xFFFFCA00  }
0x35: {  	[bflag:$0x0] =	sbarrier.arrive $0xFFFF  }
0x36: {  	[tilespmem:s19], [sflag:$0x1] =	stream.indirect.gather [hbm4b:s4+s18], $0x40, s23, s18, $0xb8;
	[tilespmem:$0x14C00] =	vst v63  }
0x37: {  	_ = 	snop  }
0x38: {  	[tilespmem:s20], [sflag:$0x2] =	stream.indirect.gather [hbm4b:s4+s18], $0x40, s18, s18, $0xb8;
	[tilespmem:$0x14C00] =	vst v63  }
0x39: {  	_ =	swait.ge [sflag:s21], $0x2000  }
0x3a: {  	[sflag:s21] =	ssyncset.done $0x0  }
0x3b: {  	s29 =	simm.s32 $0x3600;
	[sflag:s21] =	ssyncadd.s32 $0xFFFFE000  }
0x3c: {  	[spmem:s2] =	stream.indirect.scatter.add.f32 [tilespmem:s19], [sflag:$0x3], $0x40, s29, s18, $0xb8;
	[tilespmem:$0x14C00] =	vst v63  }
0x3d: {  	_ =	swait.ge [sflag:s16], $0x2000  }
0x3e: {  	[sflag:s16] =	ssyncset.done $0x0  }
0x3f: {  	s30 =	simm.s32 $0x100;
	[sflag:s16] =	ssyncadd.s32 $0xFFFFE000  }
0x40: {  	[tilespmem:s19], [sflag:$0x1] =	stream.indirect.gather [hbm4b:s4+s18], $0x40, s30, s18, $0xb8;
	[tilespmem:$0x14C00] =	vst v63  }
0x41: {  	_ =	swait.ge [sflag:s22], $0x2000  }
0x42: {  	p2 =	por $0x0, $0x0;
	[sflag:s22] =	ssyncset.done $0x0  }
.Ltmp3:
0x43: {  	s31 =	simm.s32 $0x3680;
	[sflag:s22] =	ssyncadd.s32 $0xFFFFE000;
	(pc) =	sbr.rel @p2 .LBB2_7-.Ltmp3, $4  }
0x44: {  	[spmem:s2] =	stream.indirect.scatter.add.f32 [tilespmem:s20], [sflag:$0x3], $0x40, s31, s18, $0xb8;
	[tilespmem:$0x14C00] =	vst v63  }
0x45: {  	_ =	swait.ge [sflag:s16], $0x2000  }
0x46: {  	[sflag:s16] =	ssyncset.done $0x0  }
0x47: {  	s24 =	simm.s32 $0x180;
	s23 =	simm.s32 $0x400;
	[sflag:s16] =	ssyncadd.s32 $0xFFFFE000  }
.LBB2_6:
0x48: {  	[tilespmem:s20], [sflag:$0x2] =	stream.indirect.gather [hbm4b:s4+s18], $0x40, s24, s18, $0xb8;
	[tilespmem:$0x14C00] =	vst v63  }
0x49: {  	s24 =	smov.u32 s23  }
0x4a: {  	p2 =	seq.s32 s23, $0xD000;
	s23 =	sadd.s32 $0x400, s23;
	_ =	swait.ge [sflag:s21], $0x2000  }
0x4b: {  	s24 =	sshra.s32 s24, $0x2;
	[sflag:s21] =	ssyncset.done $0x0  }
0x4c: {  	s25 =	sadd.s32 $0x3600, s24;
	[sflag:s21] =	ssyncadd.s32 $0xFFFFE000  }
0x4d: {  	[spmem:s2] =	stream.indirect.scatter.add.f32 [tilespmem:s19], [sflag:$0x3], $0x40, s25, s18, $0xb8;
	[tilespmem:$0x14C00] =	vst v63  }
0x4e: {  	_ =	swait.ge [sflag:s16], $0x2000  }
0x4f: {  	[sflag:s16] =	ssyncset.done $0x0  }
0x50: {  	s25 =	sadd.s32 $0x100, s24;
	[sflag:s16] =	ssyncadd.s32 $0xFFFFE000  }
0x51: {  	[tilespmem:s19], [sflag:$0x1] =	stream.indirect.gather [hbm4b:s4+s18], $0x40, s25, s18, $0xb8;
	[tilespmem:$0x14C00] =	vst v63  }
0x52: {  	_ =	swait.ge [sflag:s22], $0x2000  }
0x53: {  	[sflag:s22] =	ssyncset.done $0x0  }
.Ltmp4:
0x54: {  	s25 =	sadd.s32 $0x3680, s24;
	[sflag:s22] =	ssyncadd.s32 $0xFFFFE000;
	(pc) =	sbr.rel @!p2 .LBB2_6-.Ltmp4, $4  }
0x55: {  	[spmem:s2] =	stream.indirect.scatter.add.f32 [tilespmem:s20], [sflag:$0x3], $0x40, s25, s18, $0xb8;
	[tilespmem:$0x14C00] =	vst v63  }
0x56: {  	_ =	swait.ge [sflag:s16], $0x2000  }
0x57: {  	[sflag:s16] =	ssyncset.done $0x0  }
0x58: {  	s24 =	sadd.s32 $0x180, s24;
	[sflag:s16] =	ssyncadd.s32 $0xFFFFE000  }
.LBB2_7:
.Ltmp5:
0x59: {  	(pc) =	sbr.rel .LBB2_8-.Ltmp5, $3  }
0x5a: {  	_ =	sdelay $0x1  }
0x5b: {  	[tilespmem:s20], [sflag:$0x2] =	stream.indirect.gather [hbm4b:s4+s18], $0x40, s24, s18, $0xb8;
	[tilespmem:$0x14C00] =	vst v63  }
0x5c: {  	s23 =	simm.s32 $0x6B80;
	s24 =	simm.s32 $0x6B00  }
.LBB2_2:
0x5d: {  	[tilespmem:s23], [sflag:$0x3] =	stream.linear.gather [hbm4b:s8+s23], $0x1900, $0x38;
	[tilespmem:$0x14C00] =	vst v63  }
0x5e: {  	_ =	swait.ge [sflag:s16], $0x1900  }
0x5f: {  	[sflag:s16] =	ssyncset.done $0x0  }
0x60: {  	[sflag:s16] =	ssyncadd.s32 $0xFFFFE700  }
0x61: {  	[tilespmem:s17], [sflag:$0x3] =	stream.linear.gather [hbm4b:s10+s23], $0x1900, $0x38;
	[tilespmem:$0x14C00] =	vst v63  }
0x62: {  	_ =	swait.ge [sflag:s16], $0x1900  }
0x63: {  	[sflag:s16] =	ssyncset.done $0x0  }
0x64: {  	[sflag:s16] =	ssyncadd.s32 $0xFFFFE700  }
0x65: {  	[bflag:$0x0] =	sbarrier.arrive $0xFFFF  }
0x66: {  	[tilespmem:s19], [sflag:$0x1] =	stream.indirect.gather [hbm4b:s4+s18], $0x40, s23, s18, $0xb8;
	[tilespmem:$0x14C00] =	vst v63  }
0x67: {  	_ = 	snop  }
0x68: {  	[tilespmem:s20], [sflag:$0x2] =	stream.indirect.gather [hbm4b:s4+s18], $0x40, s18, s18, $0xb8;
	[tilespmem:$0x14C00] =	vst v63  }
0x69: {  	_ =	swait.ge [sflag:s21], $0x2000  }
0x6a: {  	[sflag:s21] =	ssyncset.done $0x0  }
0x6b: {  	s29 =	simm.s32 $0x3600;
	[sflag:s21] =	ssyncadd.s32 $0xFFFFE000  }
0x6c: {  	[spmem:s2] =	stream.indirect.scatter.add.f32 [tilespmem:s19], [sflag:$0x3], $0x40, s29, s18, $0xb8;
	[tilespmem:$0x14C00] =	vst v63  }
0x6d: {  	_ =	swait.ge [sflag:s16], $0x2000  }
0x6e: {  	[sflag:s16] =	ssyncset.done $0x0  }
0x6f: {  	s30 =	simm.s32 $0x100;
	[sflag:s16] =	ssyncadd.s32 $0xFFFFE000  }
0x70: {  	[tilespmem:s19], [sflag:$0x1] =	stream.indirect.gather [hbm4b:s4+s18], $0x40, s30, s18, $0xb8;
	[tilespmem:$0x14C00] =	vst v63  }
0x71: {  	_ =	swait.ge [sflag:s22], $0x2000  }
0x72: {  	[sflag:s22] =	ssyncset.done $0x0  }
0x73: {  	s31 =	simm.s32 $0x3680;
	[sflag:s22] =	ssyncadd.s32 $0xFFFFE000  }
0x74: {  	[spmem:s2] =	stream.indirect.scatter.add.f32 [tilespmem:s20], [sflag:$0x3], $0x40, s31, s18, $0xb8;
	[tilespmem:$0x14C00] =	vst v63  }
0x75: {  	_ =	swait.ge [sflag:s16], $0x2000  }
0x76: {  	[sflag:s16] =	ssyncset.done $0x0  }
0x77: {  	s24 =	simm.s32 $0x180;
	s23 =	simm.s32 $0x400;
	[sflag:s16] =	ssyncadd.s32 $0xFFFFE000  }
.LBB2_3:
0x78: {  	[tilespmem:s20], [sflag:$0x2] =	stream.indirect.gather [hbm4b:s4+s18], $0x40, s24, s18, $0xb8;
	[tilespmem:$0x14C00] =	vst v63  }
0x79: {  	s24 =	smov.u32 s23  }
0x7a: {  	p2 =	sne.s32 s23, $0x5C00;
	s23 =	sadd.s32 $0x400, s23;
	_ =	swait.ge [sflag:s21], $0x2000  }
0x7b: {  	s24 =	sshra.s32 s24, $0x2;
	[sflag:s21] =	ssyncset.done $0x0  }
0x7c: {  	s25 =	sadd.s32 $0x3600, s24;
	[sflag:s21] =	ssyncadd.s32 $0xFFFFE000  }
0x7d: {  	[spmem:s2] =	stream.indirect.scatter.add.f32 [tilespmem:s19], [sflag:$0x3], $0x40, s25, s18, $0xb8;
	[tilespmem:$0x14C00] =	vst v63  }
0x7e: {  	_ =	swait.ge [sflag:s16], $0x2000  }
0x7f: {  	[sflag:s16] =	ssyncset.done $0x0  }
0x80: {  	s25 =	sadd.s32 $0x100, s24;
	[sflag:s16] =	ssyncadd.s32 $0xFFFFE000  }
0x81: {  	[tilespmem:s19], [sflag:$0x1] =	stream.indirect.gather [hbm4b:s4+s18], $0x40, s25, s18, $0xb8;
	[tilespmem:$0x14C00] =	vst v63  }
0x82: {  	_ =	swait.ge [sflag:s22], $0x2000  }
0x83: {  	[sflag:s22] =	ssyncset.done $0x0  }
.Ltmp6:
0x84: {  	s25 =	sadd.s32 $0x3680, s24;
	[sflag:s22] =	ssyncadd.s32 $0xFFFFE000;
	(pc) =	sbr.rel @p2 .LBB2_3-.Ltmp6, $4  }
0x85: {  	[spmem:s2] =	stream.indirect.scatter.add.f32 [tilespmem:s20], [sflag:$0x3], $0x40, s25, s18, $0xb8;
	[tilespmem:$0x14C00] =	vst v63  }
0x86: {  	_ =	swait.ge [sflag:s16], $0x2000  }
0x87: {  	[sflag:s16] =	ssyncset.done $0x0  }
0x88: {  	s24 =	sadd.s32 $0x180, s24;
	[sflag:s16] =	ssyncadd.s32 $0xFFFFE000  }
0x89: {  	[tilespmem:s20], [sflag:$0x2] =	stream.indirect.gather [hbm4b:s4+s18], $0x40, s24, s18, $0xb8;
	[tilespmem:$0x14C00] =	vst v63  }
0x8a: {  	s23 =	simm.s32 $0x4E80;
	s24 =	simm.s32 $0x4E00  }
.LBB2_8:
0x8b: {  	_ =	swait.ge [sflag:s21], $0x2000  }
0x8c: {  	[sflag:s21] =	ssyncset.done $0x0  }
0x8d: {  	[sflag:s21] =	ssyncadd.s32 $0xFFFFE000  }
0x8e: {  	[spmem:s2] =	stream.indirect.scatter.add.f32 [tilespmem:s19], [sflag:$0x3], $0x40, s24, s18, $0xb8;
	[tilespmem:$0x14C00] =	vst v63  }
0x8f: {  	_ =	swait.ge [sflag:s16], $0x2000  }
0x90: {  	[sflag:s16] =	ssyncset.done $0x0  }
0x91: {  	[sflag:s16] =	ssyncadd.s32 $0xFFFFE000  }
0x92: {  	_ =	swait.ge [sflag:s22], $0x2000  }
0x93: {  	[sflag:s22] =	ssyncset.done $0x0  }
0x94: {  	[sflag:s22] =	ssyncadd.s32 $0xFFFFE000  }
0x95: {  	[spmem:s2] =	stream.indirect.scatter.add.f32 [tilespmem:s20], [sflag:$0x3], $0x40, s23, s18, $0xb8;
	[tilespmem:$0x14C00] =	vst v63  }
0x96: {  	_ =	swait.ge [sflag:s16], $0x2000  }
0x97: {  	[sflag:s16] =	ssyncset.done $0x0  }
0x98: {  	[sflag:s16] =	ssyncadd.s32 $0xFFFFE000  }
0x99: {  	[bflag:$0x0] =	sbarrier.arrive $0xFFFF  }
0x9a: {  	[hbm:s12], [sflag:s7] =	dma.local [spmem:s15], $0x1400  }
0x9b: {  	_ =	swait.ge [sflag:s16], $0x1400  }
0x9c: {  	[sflag:s16] =	ssyncset.done $0x0  }
0x9d: {  	[sflag:s16] =	ssyncadd.s32 $0xFFFFEC00  }
0x9e: {  	[spmem:s15], [sflag:s7] =	dma.local [hbm:s6], $0x1400  }
0x9f: {  	_ =	swait.ge [sflag:s16], $0x1400  }
0xa0: {  	[sflag:s16] =	ssyncset.done $0x0  }
.Ltmp7:
0xa1: {  	[sflag:s16] =	ssyncadd.s32 $0xFFFFEC00;
	(pc) =	sbr.rel @p1 .LBB2_12-.Ltmp7, $4  }
0xa2: {  	s31 =	simm.s32 $0x0;
	[bflag:$0x0] =	sbarrier.arrive $0xFFFF  }
0xa3: {  	[tilespmem:s19], [sflag:$0x1] =	stream.indirect.gather [hbm4b:s5+s18], $0x40, s31, s18, $0xb8;
	[tilespmem:$0x14C00] =	vst v63  }
0xa4: {  	_ = 	snop  }
0xa5: {  	[tilespmem:s20], [sflag:$0x2] =	stream.indirect.gather [hbm4b:s5+s18], $0x40, s18, s18, $0xb8;
	[tilespmem:$0x14C00] =	vst v63  }
0xa6: {  	_ =	swait.ge [sflag:s21], $0x2000  }
0xa7: {  	[sflag:s21] =	ssyncset.done $0x0  }
0xa8: {  	s23 =	simm.s32 $0x3600;
	[sflag:s21] =	ssyncadd.s32 $0xFFFFE000  }
0xa9: {  	[spmem:s2] =	stream.indirect.scatter.add.f32 [tilespmem:s19], [sflag:$0x3], $0x40, s23, s18, $0xb8;
	[tilespmem:$0x14C00] =	vst v63  }
0xaa: {  	_ =	swait.ge [sflag:s16], $0x2000  }
0xab: {  	[sflag:s16] =	ssyncset.done $0x0  }
0xac: {  	s30 =	simm.s32 $0x100;
	[sflag:s16] =	ssyncadd.s32 $0xFFFFE000  }
0xad: {  	[tilespmem:s19], [sflag:$0x1] =	stream.indirect.gather [hbm4b:s5+s18], $0x40, s30, s18, $0xb8;
	[tilespmem:$0x14C00] =	vst v63  }
0xae: {  	_ =	swait.ge [sflag:s22], $0x2000  }
0xaf: {  	p2 =	por $0x0, $0x0;
	[sflag:s22] =	ssyncset.done $0x0  }
.Ltmp8:
0xb0: {  	s31 =	simm.s32 $0x3680;
	[sflag:s22] =	ssyncadd.s32 $0xFFFFE000;
	(pc) =	sbr.rel @p2 .LBB2_11-.Ltmp8, $4  }
0xb1: {  	[spmem:s2] =	stream.indirect.scatter.add.f32 [tilespmem:s20], [sflag:$0x3], $0x40, s31, s18, $0xb8;
	[tilespmem:$0x14C00] =	vst v63  }
0xb2: {  	_ =	swait.ge [sflag:s16], $0x2000  }
0xb3: {  	[sflag:s16] =	ssyncset.done $0x0  }
0xb4: {  	s24 =	simm.s32 $0x180;
	s23 =	simm.s32 $0x400;
	[sflag:s16] =	ssyncadd.s32 $0xFFFFE000  }
.LBB2_10:
0xb5: {  	[tilespmem:s20], [sflag:$0x2] =	stream.indirect.gather [hbm4b:s5+s18], $0x40, s24, s18, $0xb8;
	[tilespmem:$0x14C00] =	vst v63  }
0xb6: {  	s24 =	smov.u32 s23  }
0xb7: {  	p2 =	seq.s32 s23, $0xD000;
	s23 =	sadd.s32 $0x400, s23;
	_ =	swait.ge [sflag:s21], $0x2000  }
0xb8: {  	s24 =	sshra.s32 s24, $0x2;
	[sflag:s21] =	ssyncset.done $0x0  }
0xb9: {  	s25 =	sadd.s32 $0x3600, s24;
	[sflag:s21] =	ssyncadd.s32 $0xFFFFE000  }
0xba: {  	[spmem:s2] =	stream.indirect.scatter.add.f32 [tilespmem:s19], [sflag:$0x3], $0x40, s25, s18, $0xb8;
	[tilespmem:$0x14C00] =	vst v63  }
0xbb: {  	_ =	swait.ge [sflag:s16], $0x2000  }
0xbc: {  	[sflag:s16] =	ssyncset.done $0x0  }
0xbd: {  	s25 =	sadd.s32 $0x100, s24;
	[sflag:s16] =	ssyncadd.s32 $0xFFFFE000  }
0xbe: {  	[tilespmem:s19], [sflag:$0x1] =	stream.indirect.gather [hbm4b:s5+s18], $0x40, s25, s18, $0xb8;
	[tilespmem:$0x14C00] =	vst v63  }
0xbf: {  	_ =	swait.ge [sflag:s22], $0x2000  }
0xc0: {  	[sflag:s22] =	ssyncset.done $0x0  }
.Ltmp9:
0xc1: {  	s25 =	sadd.s32 $0x3680, s24;
	[sflag:s22] =	ssyncadd.s32 $0xFFFFE000;
	(pc) =	sbr.rel @!p2 .LBB2_10-.Ltmp9, $4  }
0xc2: {  	[spmem:s2] =	stream.indirect.scatter.add.f32 [tilespmem:s20], [sflag:$0x3], $0x40, s25, s18, $0xb8;
	[tilespmem:$0x14C00] =	vst v63  }
0xc3: {  	_ =	swait.ge [sflag:s16], $0x2000  }
0xc4: {  	[sflag:s16] =	ssyncset.done $0x0  }
0xc5: {  	s24 =	sadd.s32 $0x180, s24;
	[sflag:s16] =	ssyncadd.s32 $0xFFFFE000  }
.Ltmp10:
0xc6: {  	_ = 	snop;
	(pc) =	sbr.rel .LBB2_11-.Ltmp10, $1  }
0xc7: {  	_ =	sdelay $0x3  }
.LBB2_12:
0xc8: {  	_ =	swait.ge [sflag:s21], $0x2000  }
0xc9: {  	[sflag:s21] =	ssyncset.done $0x0  }
0xca: {  	s23 =	simm.s32 $0x3600;
	[sflag:s21] =	ssyncadd.s32 $0xFFFFE000  }
0xcb: {  	[spmem:s2] =	stream.indirect.scatter.add.f32 [tilespmem:s19], [sflag:$0x3], $0x40, s23, s18, $0xb8;
	[tilespmem:$0x14C00] =	vst v63  }
0xcc: {  	_ =	swait.ge [sflag:s16], $0x2000  }
0xcd: {  	[sflag:s16] =	ssyncset.done $0x0  }
0xce: {  	s30 =	simm.s32 $0x100;
	[sflag:s16] =	ssyncadd.s32 $0xFFFFE000  }
0xcf: {  	[tilespmem:s19], [sflag:$0x1] =	stream.indirect.gather [hbm4b:s5+s18], $0x40, s30, s18, $0xb8;
	[tilespmem:$0x14C00] =	vst v63  }
0xd0: {  	_ =	swait.ge [sflag:s22], $0x2000  }
0xd1: {  	[sflag:s22] =	ssyncset.done $0x0  }
0xd2: {  	s31 =	simm.s32 $0x3680;
	[sflag:s22] =	ssyncadd.s32 $0xFFFFE000  }
0xd3: {  	[spmem:s2] =	stream.indirect.scatter.add.f32 [tilespmem:s20], [sflag:$0x3], $0x40, s31, s18, $0xb8;
	[tilespmem:$0x14C00] =	vst v63  }
0xd4: {  	_ =	swait.ge [sflag:s16], $0x2000  }
0xd5: {  	[sflag:s16] =	ssyncset.done $0x0  }
0xd6: {  	s24 =	simm.s32 $0x180;
	s23 =	simm.s32 $0x400;
	[sflag:s16] =	ssyncadd.s32 $0xFFFFE000  }
.LBB2_13:
0xd7: {  	[tilespmem:s20], [sflag:$0x2] =	stream.indirect.gather [hbm4b:s5+s18], $0x40, s24, s18, $0xb8;
	[tilespmem:$0x14C00] =	vst v63  }
0xd8: {  	s24 =	smov.u32 s23  }
0xd9: {  	p2 =	sne.s32 s23, $0x5C00;
	s23 =	sadd.s32 $0x400, s23;
	_ =	swait.ge [sflag:s21], $0x2000  }
0xda: {  	s24 =	sshra.s32 s24, $0x2;
	[sflag:s21] =	ssyncset.done $0x0  }
0xdb: {  	s25 =	sadd.s32 $0x3600, s24;
	[sflag:s21] =	ssyncadd.s32 $0xFFFFE000  }
0xdc: {  	[spmem:s2] =	stream.indirect.scatter.add.f32 [tilespmem:s19], [sflag:$0x3], $0x40, s25, s18, $0xb8;
	[tilespmem:$0x14C00] =	vst v63  }
0xdd: {  	_ =	swait.ge [sflag:s16], $0x2000  }
0xde: {  	[sflag:s16] =	ssyncset.done $0x0  }
0xdf: {  	s25 =	sadd.s32 $0x100, s24;
	[sflag:s16] =	ssyncadd.s32 $0xFFFFE000  }
0xe0: {  	[tilespmem:s19], [sflag:$0x1] =	stream.indirect.gather [hbm4b:s5+s18], $0x40, s25, s18, $0xb8;
	[tilespmem:$0x14C00] =	vst v63  }
0xe1: {  	_ =	swait.ge [sflag:s22], $0x2000  }
0xe2: {  	[sflag:s22] =	ssyncset.done $0x0  }
.Ltmp11:
0xe3: {  	s25 =	sadd.s32 $0x3680, s24;
	[sflag:s22] =	ssyncadd.s32 $0xFFFFE000;
	(pc) =	sbr.rel @p2 .LBB2_13-.Ltmp11, $4  }
0xe4: {  	[spmem:s2] =	stream.indirect.scatter.add.f32 [tilespmem:s20], [sflag:$0x3], $0x40, s25, s18, $0xb8;
	[tilespmem:$0x14C00] =	vst v63  }
0xe5: {  	_ =	swait.ge [sflag:s16], $0x2000  }
0xe6: {  	[sflag:s16] =	ssyncset.done $0x0  }
0xe7: {  	s24 =	sadd.s32 $0x180, s24;
	[sflag:s16] =	ssyncadd.s32 $0xFFFFE000  }
.Ltmp12:
0xe8: {  	(pc) =	sbr.rel .LBB2_15-.Ltmp12, $3  }
0xe9: {  	_ =	sdelay $0x1  }
0xea: {  	[tilespmem:s20], [sflag:$0x2] =	stream.indirect.gather [hbm4b:s5+s18], $0x40, s24, s18, $0xb8;
	[tilespmem:$0x14C00] =	vst v63  }
0xeb: {  	s23 =	simm.s32 $0x4E80;
	s24 =	simm.s32 $0x4E00  }
.LBB2_16:
0xec: {  	_ =	sfence.sel $0x180000  }
0xed: {  	[bflag:$0x0] =	sbarrier.arrive $0xFFFF  }
0xee: {  	p0 =	sne.s32 s1, $0x0;
	_ =	strace $0x90000047  }
0xef: {  	s0 =	sadd.s32 @!p0 $0x100000, s0;
	[bflag:$0x2] =	sbarrier.arrive $0xFFFF  }
0xf0: {  	[sflag:s0] =	ssyncadd.tile.s32 @!p0 $0x1;
	_ =	shalt  }
.Lfunc_end2:
_tile_overlayer_lowered:
.L_overlay_start_2:
0xf1: {  	(tag) =	ssettag $0x2  }
0xf2: {  	s0 =	rddreg [dreg:$0x0];
	s2 =	stileid.u32  }
0xf3: {  	s1 =	rddreg [dreg:$0x1];
	p0 =	sne.s32 s2, $0x0  }
0xf4: {  	s3 =	rddreg [dreg:$0x2];
	[bflag:$0x3] =	sbarrier.arrive $0xFFFF;
	s2 =	simm.s32 @!p0 $0x1C03  }
0xf5: {  	[timem:s3], [sflag:s2] =	dma.local @!p0 [hbm:s0], s1  }
0xf6: {  	s0 =	simm.s32 @!p0 $0x3  }
0xf7: {  	_ =	swait.ge @!p0 [sflag:s0], s1  }
0xf8: {  	s1 =	ssub.s32 @!p0 $0x0, s1;
	[sflag:s0] =	ssyncset.done @!p0 $0x0  }
0xf9: {  	[sflag:s0] =	ssyncadd.s32 @!p0 s1  }
0xfa: {  	[bflag:$0x3] =	sbarrier.arrive $0xFFFF  }
0xfb: {  	_ =	shalt  }

// kernel: kernel.9.cloned.1.call-start
scs
__scs_entry_jumppad:
0x0: {  	(pc) =	sbr.rel $0x88, $3  }
0x1: {  	(tag) =	ssettag $0x0;
	lr =	simm.s32 $0x1  }
0x2: {  	[smem:$0x3F97] =	sst lr;
	_ =	strace $0xD0000000  }
0x3: {  	_ = 	snop  }
0x4: {  	_ = 	snop  }
0x5: {  	_ = 	snop  }
0x6: {  	_ = 	snop  }
0x7: {  	_ = 	snop  }
__scs_overlays_trampoline_lowered:
0x8: {  	[smem:$0x3FA6] =	sst s0  }
0x9: {  	[smem:$0x3FA7] =	sst s1  }
0xa: {  	[smem:$0x3FA8] =	sst s2  }
0xb: {  	[smem:$0x3FA9] =	sst s3  }
0xc: {  	[smem:$0x3FAA] =	sst s4  }
0xd: {  	[smem:$0x3FAB] =	sst s5  }
0xe: {  	[smem:$0x3FAC] =	sst s6  }
0xf: {  	[smem:$0x3FAD] =	sst s7  }
0x10: {  	[smem:$0x3FAE] =	sst s8  }
0x11: {  	[smem:$0x3FAF] =	sst s9;
	s0 =	simm.s32 @!p0 $0x0  }
0x12: {  	s1 =	sld [smem:$0x3F95];
	s0 =	simm.s32 @p0 $0x1  }
0x13: {  	[smem:$0x3FB0] =	sst s0;
	s0 =	simm.s32 @!p1 $0x0  }
0x14: {  	s2 =	sld [smem:$0x3F94];
	s0 =	simm.s32 @p1 $0x1  }
0x15: {  	[smem:$0x3FB1] =	sst s0;
	s0 =	simm.s32 @!p2 $0x0  }
0x16: {  	s3 =	sld [smem:$0x3FDB];
	s0 =	simm.s32 @p2 $0x1  }
0x17: {  	s4 =	simm.s32 $0x1BF5;
	[smem:$0x3FB3] =	sst s0  }
0x18: {  	s0 =	sld [smem:$0x3F96];
	_ =	swait.ge [sflag:s4], $0x0  }
0x19: {  	s7 =	sld [smem:$0x3F97]  }
0x1a: {  	s8 =	sadd.s32 $0xFFFFE003, lr  }
0x1b: {  	s9 =	sadd.s32 $0xFFFFFEF7, lr;
	s5 =	simm.s32 $0xFFFFFFFF;
	p2 =	slt.u32 s8, $0xFFFFF086  }
0x1c: {  	p1 =	slt.u32 s9, $0xF7A;
	s5 =	simm.s32 @!p2 $0x0  }
0x1d: {  	s5 =	simm.s32 @p1 $0x1;
	p0 =	seq.s32 s7, s2  }
0x1e: {  	s7 =	smul.u32 @!p0 $0xF7A, s2;
	p2 =	seq.s32 @!p0 s5, $0x0  }
0x1f: {  	s9 =	smul.u32 $0xF7A, s1;
	s8 =	simm.s32 @!p0 $0x1BF5;
	p2 =	por !p2, p0  }
0x20: {  	[sflag:s8] =	ssyncset.s32 @!p0 $0xFFFFF086;
	s6 =	sadd.s32 @!p0 s3, s7;
	s7 =	simm.s32 @!p0 $0x108  }
0x21: {  	s3 =	sadd.s32 s3, s9;
	s6 =	sadd.s32 @!p0 $0x88, s6;
	s7 =	simm.s32 @p2 $0x1082  }
0x22: {  	[simem:s7], [sflag:s8] =	dma.local @!p0 [hbm:s6], $0xF7A  }
0x23: {  	s9 =	sor.u32 $0xD0000000, s2;
	s6 =	simm.s32 $0x108;
	_ =	swait.ge @!p0 [sflag:s8], $0x0  }
0x24: {  	s3 =	sadd.s32 $0x88, s3;
	s6 =	simm.s32 @!p1 $0x1082;
	[sflag:s4] =	ssyncset.s32 $0xFFFFF086  }
0x25: {  	[simem:s6], [sflag:s4] =	dma.local [hbm:s3], $0xF7A  }
0x26: {  	[smem:$0x3F97] =	sst s1;
	(tag) =	ssettag s2;
	_ =	strace s9  }
0x27: {  	s1 =	sld [smem:$0x3FA7]  }
0x28: {  	s2 =	sld [smem:$0x3FA8]  }
0x29: {  	s4 =	sld [smem:$0x3FAA]  }
0x2a: {  	p0 =	seq.s32 s5, $0x0;
	s5 =	sld [smem:$0x3FAB]  }
0x2b: {  	s6 =	sld [smem:$0x3FAC]  }
0x2c: {  	s7 =	sld [smem:$0x3FAD]  }
0x2d: {  	s3 =	simm.s32 $0x108;
	s8 =	sld [smem:$0x3FAE]  }
0x2e: {  	s3 =	simm.s32 @!p0 $0x1082;
	s9 =	sld [smem:$0x3FAF]  }
0x2f: {  	lr =	sadd.s32 s0, s3;
	s0 =	sld [smem:$0x3FA6]  }
0x30: {  	s3 =	sld [smem:$0x3FA9]  }
0x31: {  	[smem:$0x3FB2] =	sst s10  }
0x32: {  	s10 =	sld [smem:$0x3FB0];
	_ =	sdelay $0x3  }
0x33: {  	p0 =	seq.s32 s10, $0x1;
	s10 =	sld [smem:$0x3FB2];
	_ =	sdelay $0x3  }
0x34: {  	[smem:$0x3FB2] =	sst s10  }
0x35: {  	s10 =	sld [smem:$0x3FB1];
	_ =	sdelay $0x3  }
0x36: {  	p1 =	seq.s32 s10, $0x1;
	s10 =	sld [smem:$0x3FB2];
	_ =	sdelay $0x3  }
0x37: {  	[smem:$0x3FB2] =	sst s10  }
0x38: {  	s10 =	sld [smem:$0x3FB3]  }
0x39: {  	_ = 	snop;
	(pc) =	sbr.ind lr, $3  }
0x3a: {  	_ = 	snop  }
0x3b: {  	_ = 	snop  }
0x3c: {  	p2 =	seq.s32 s10, $0x1;
	s10 =	sld [smem:$0x3FB2]  }
0x3d: {  	_ =	shalt  }
0x3e: {  	_ =	shalt  }
0x3f: {  	_ =	shalt  }
0x40: {  	_ =	shalt  }
0x41: {  	_ =	shalt  }
0x42: {  	_ =	shalt  }
0x43: {  	_ =	shalt  }
0x44: {  	_ =	shalt  }
0x45: {  	_ =	shalt  }
0x46: {  	_ =	shalt  }
0x47: {  	_ =	shalt  }
0x48: {  	_ =	shalt  }
0x49: {  	_ =	shalt  }
0x4a: {  	_ =	shalt  }
0x4b: {  	_ =	shalt  }
0x4c: {  	_ =	shalt  }
0x4d: {  	_ =	shalt  }
0x4e: {  	_ =	shalt  }
0x4f: {  	_ =	shalt  }
0x50: {  	_ =	shalt  }
0x51: {  	_ =	shalt  }
0x52: {  	_ =	shalt  }
0x53: {  	_ =	shalt  }
0x54: {  	_ =	shalt  }
0x55: {  	_ =	shalt  }
0x56: {  	_ =	shalt  }
0x57: {  	_ =	shalt  }
0x58: {  	_ =	shalt  }
0x59: {  	_ =	shalt  }
0x5a: {  	_ =	shalt  }
0x5b: {  	_ =	shalt  }
0x5c: {  	_ =	shalt  }
0x5d: {  	_ =	shalt  }
0x5e: {  	_ =	shalt  }
0x5f: {  	_ =	shalt  }
0x60: {  	_ =	shalt  }
0x61: {  	_ =	shalt  }
0x62: {  	_ =	shalt  }
0x63: {  	_ =	shalt  }
0x64: {  	_ =	shalt  }
0x65: {  	_ =	shalt  }
0x66: {  	_ =	shalt  }
0x67: {  	_ =	shalt  }
0x68: {  	_ =	shalt  }
0x69: {  	_ =	shalt  }
0x6a: {  	_ =	shalt  }
0x6b: {  	_ =	shalt  }
0x6c: {  	_ =	shalt  }
0x6d: {  	_ =	shalt  }
0x6e: {  	_ =	shalt  }
0x6f: {  	_ =	shalt  }
0x70: {  	_ =	shalt  }
0x71: {  	_ =	shalt  }
0x72: {  	_ =	shalt  }
0x73: {  	_ =	shalt  }
0x74: {  	_ =	shalt  }
0x75: {  	_ =	shalt  }
0x76: {  	_ =	shalt  }
0x77: {  	_ =	shalt  }
0x78: {  	_ =	shalt  }
0x79: {  	_ =	shalt  }
0x7a: {  	_ =	shalt  }
0x7b: {  	_ =	shalt  }
0x7c: {  	_ =	shalt  }
0x7d: {  	_ =	shalt  }
0x7e: {  	_ =	shalt  }
0x7f: {  	_ =	shalt  }
0x80: {  	_ =	shalt  }
0x81: {  	_ =	shalt  }
0x82: {  	_ =	shalt  }
0x83: {  	_ =	shalt  }
0x84: {  	_ =	shalt  }
0x85: {  	_ =	shalt  }
0x86: {  	_ =	shalt  }
0x87: {  	_ =	shalt  }
.Lfunc_end0:
.L_simem_size_0:
called_computation.1_lowered:
.L_overlay_start_0:
0x88: {  	s2 =	sld [smem:$0x3FD9]  }
0x89: {  	s3 =	sld [smem:$0x3FFE];
	_ =	sdelay $0x1  }
0x8a: {  	s1 =	srdreg.scid  }
0x8b: {  	s0 =	sand.u32 $0x1, s1  }
0x8c: {  	s16 =	sshll.u32 s0, $0xA;
	s2 =	sadd.s32 s3, s2  }
0x8d: {  	s2 =	sadd.s32 s2, s16  }
0x8e: {  	[smem:$0x3FBE] =	sst s2  }
0x8f: {  	_ = 	snop  }
0x90: {  	(tm) =	ssettm $0x1  }
0x91: {  	s17 =	sld [smem:$0x3FFB];
	_ =	sdelay $0x3  }
0x92: {  	_ =	strace s17  }
0x93: {  	s2 =	sld [smem:$0x3FFC];
	_ =	sdelay $0x3  }
0x94: {  	_ =	strace s2  }
0x95: {  	s2 =	sld [smem:$0x3FFD];
	_ =	sdelay $0x3  }
0x96: {  	_ =	strace s2  }
0x97: {  	_ =	strace $0x8FFFFFFF  }
0x98: {  	s18 =	sld [smem:$0x3FDB];
	_ =	sdelay $0x1  }
0x99: {  	s19 =	simm.s32 $_scs_section_size  }
0x9a: {  	s4 =	simm.s32 $_size__tile_overlayer_lowered;
	s5 =	simm.s32 $_tile_overlayer_lowered  }
0x9b: {  	s22 =	simm.s32 $0x1BFF;
	s21 =	sshll.u32 s5, $0x1;
	s2 =	sadd.s32 s19, s18  }
0x9c: {  	s6 =	simm.s32 $0x0;
	s20 =	sshll.u32 s4, $0x1;
	s4 =	sadd.s32 s21, s2  }
0x9d: {  	[timem:s6], [sflag:s22] =	dma.local [hbm:s4], s20  }
0x9e: {  	_ =	swait.ge [sflag:s22], s20  }
0x9f: {  	s3 =	ssub.s32 $0x0, s20;
	[sflag:s22] =	ssyncset.done $0x0  }
0xa0: {  	[sflag:s22] =	ssyncadd.s32 s3;
	_ =	sdelay $0x1  }
0xa1: {  	s23 =	simm.s32 $0x1B8B  }
0xa2: {  	_ =	swait.ge [sflag:s23], $0x1  }
0xa3: {  	[sflag:s23] =	ssyncset.done $0x0  }
0xa4: {  	s25 =	simm.s32 $0x1B8E;
	s24 =	sld [smem:$0x3FFE];
	[sflag:s23] =	ssyncadd.s32 $0xFFFFFFFF  }
0xa5: {  	s26 =	simm.s32 $execute0_lowered;
	[smem:$0x3FD2] =	sst s25  }
0xa6: {  	s4 =	sshll.u32 s26, $0x1;
	_ =	strace $0x80000049;
	[dreg:$0x1] =	wrdreg $0xFFFFFFFF  }
0xa7: {  	s28 =	simm.s32 $_size_execute0_lowered;
	s2 =	sadd.s32 s2, s4;
	[dreg:$0x0] =	wrdreg $0x0  }
0xa8: {  	s4 =	sshll.u32 s28, $0x1;
	[dreg:$0x2] =	wrdreg s2  }
0xa9: {  	[dreg:$0x3] =	wrdreg s4  }
0xaa: {  	[dreg:$0x4] =	wrdreg $0xC0  }
0xab: {  	_ =	task [dreg:s6], $0x5FFFF  }
0xac: {  	[dreg:$0x1] =	wrdreg $0xFFFFFFFF  }
0xad: {  	[dreg:$0x0] =	wrdreg $0x60  }
0xae: {  	[dreg:$0x2] =	wrdreg s24  }
0xaf: {  	[dreg:$0x3] =	wrdreg $0xAC000  }
0xb0: {  	[dreg:$0x4] =	wrdreg $0x9  }
0xb1: {  	_ =	task.clear_ibuf [dreg:s6], $0x5FFFF;
	_ =	strace $0x90000049  }
0xb2: {  	s29 =	simm.s32 $0x9;
	_ =	strace $0x8000004B  }
0xb3: {  	_ =	swait.ge [sflag:s29], $0x1  }
0xb4: {  	[sflag:s29] =	ssyncadd.s32 $0xFFFFFFFF  }
0xb5: {  	_ =	strace $0x9000004B  }
0xb6: {  	_ =	sfence  }
0xb7: {  	s30 =	sld [smem:$0x0];
	_ =	sdelay $0x2  }
0xb8: {  	s31 =	sshll.u32 s1, $0xD;
	s1 =	sshrl.u32 s1, $0x2  }
0xb9: {  	s3 =	sand.u32 $0x4000, s31;
	s1 =	sadd.s32 s1, s30  }
0xba: {  	s0 =	sor.u32 s3, s0;
	s1 =	sshll.u32 s1, $0x11  }
0xbb: {  	s0 =	sor.u32 s1, s0  }
0xbc: {  	s0 =	sadd.s32 $0x8F2B, s0  }
0xbd: {  	[sflag:s0] =	ssyncadd.remote.s32 $0x1  }
0xbe: {  	_ =	sfence.sel $0xFFFF  }
0xbf: {  	[dreg:$0x0] =	wrdreg $0xFFFFFFFF;
	(pc) =	sbr.abs _section_cstart, $3  }
0xc0: {  	[dreg:$0x1] =	wrdreg $0xFFFFFFFF  }
0xc1: {  	_ =	task.clear_ibuf [dreg:s6], $0x2FFFF;
	_ =	strace $0x9FFFFFFF  }
0xc2: {  	(tm) =	ssettm $0x7FFFFFFF  }
0xc3: {  	_ =	shalt  }
tec
execute0_lowered:
.L_overlay_start_1:
0x0: {  	(tag) =	ssettag $0x1  }
0x1: {  	s6 =	rddreg [dreg:$0x0]  }
0x2: {  	s2 =	rddreg [dreg:$0x1]  }
0x3: {  	s0 =	rddreg [dreg:$0x2]  }
0x4: {  	s4 =	srdreg.scid;
	s1 =	stileid.u32  }
0x5: {  	s3 =	simm.s32 $0x0;
	s17 =	simm.s32 $0x6C00;
	s18 =	simm.s32 $0x8C00  }
0x6: {  	s19 =	simm.s32 $0x1;
	s20 =	simm.s32 $0x2;
	s7 =	smul.u32 $0xA000, s1  }
0x7: {  	s13 =	sand.u32 $0x1, s4;
	[smem:$0x7FF] =	sst s3;
	s12 =	smul.u32 $0x1900, s1  }
0x8: {  	s4 =	sadd.s32 $0x2400, s6;
	s9 =	sadd.s32 $0x29800, s6;
	s26 =	smul.u32 $0x3600, s1  }
0x9: {  	s5 =	sadd.s32 $0x3D400, s6;
	s28 =	sshll.u32 s1, $0x6;
	s8 =	smul.u32 $0xA0000, s13  }
0xa: {  	_ =	strace $0x8000004A;
	s10 =	ssub.s32 $0x2, s13;
	p0 =	seq.s32 s13, $0x0  }
0xb: {  	s11 =	sshrl.u32 s10, $0x1;
	s16 =	sadd.s32 s7, s2;
	s29 =	sshrl.u32 s12, $0x3  }
0xc: {  	s31 =	sshrl.u32 s26, $0x3;
	s8 =	sadd.s32 s7, s8;
	s15 =	ssub.s32 s10, s11  }
.Ltmp0:
0xd: {  	s30 =	sadd.s32 s9, s29;
	s9 =	sadd.s32 s9, s31;
	(pc) =	sbr.rel .LBB2_1-.Ltmp0, $4  }
0xe: {  	s13 =	sshrl.u32 s16, $0x3;
	s16 =	simm.s32 $0x80;
	s8 =	sshrl.u32 s8, $0x3  }
0xf: {  	s7 =	sadd.s32 $0x6C00, s30;
	s10 =	sadd.s32 $0x9E00, s9;
	s12 =	smax.u32 s15, $0x1  }
0x10: {  	s15 =	simm.s32 $0x3600;
	s14 =	sadd.s32 s8, s6;
	s6 =	sor.u32 $0x1C03, s28  }
0x11: {  	s8 =	sadd.s32 $0x10A00, s30;
	s11 =	sadd.s32 $0x3E800, s14;
	s14 =	simm.s32 $0x3  }
.LBB2_7:
0x12: {  	[tilespmem:s18], [sflag:$0x2] =	stream.indirect.gather [hbm4b:s4+s16], $0x40, s22, s16, $0xb8;
	[tilespmem:$0x14C00] =	vst v63  }
0x13: {  	s21 =	simm.s32 $0x6B80;
	s22 =	simm.s32 $0x6B00  }
.LBB2_8:
0x14: {  	_ =	swait.ge [sflag:s19], $0x2000  }
0x15: {  	[sflag:s19] =	ssyncset.done $0x0  }
0x16: {  	[sflag:s19] =	ssyncadd.s32 $0xFFFFE000  }
0x17: {  	[spmem:s2] =	stream.indirect.scatter.add.f32 [tilespmem:s17], [sflag:$0x3], $0x40, s22, s16, $0xb8;
	[tilespmem:$0x14C00] =	vst v63  }
0x18: {  	_ =	swait.ge [sflag:s14], $0x2000  }
0x19: {  	[sflag:s14] =	ssyncset.done $0x0  }
0x1a: {  	[sflag:s14] =	ssyncadd.s32 $0xFFFFE000  }
0x1b: {  	_ =	swait.ge [sflag:s20], $0x2000  }
0x1c: {  	[sflag:s20] =	ssyncset.done $0x0  }
0x1d: {  	[sflag:s20] =	ssyncadd.s32 $0xFFFFE000  }
0x1e: {  	[spmem:s2] =	stream.indirect.scatter.add.f32 [tilespmem:s18], [sflag:$0x3], $0x40, s21, s16, $0xb8;
	[tilespmem:$0x14C00] =	vst v63  }
0x1f: {  	_ =	swait.ge [sflag:s14], $0x2000  }
0x20: {  	s3 =	sadd.s32 $0x1, s3;
	[sflag:s14] =	ssyncset.done $0x0  }
0x21: {  	p1 =	sne.s32 s3, s12;
	[sflag:s14] =	ssyncadd.s32 $0xFFFFE000  }
.Ltmp1:
0x22: {  	[bflag:$0x0] =	sbarrier.arrive $0xFFFF;
	(pc) =	sbr.rel @!p1 .LBB2_9-.Ltmp1, $4  }
0x23: {  	[hbm:s11], [sflag:s6] =	dma.local [spmem:s13], $0x1400  }
0x24: {  	_ =	swait.ge [sflag:s14], $0x1400  }
0x25: {  	[sflag:s14] =	ssyncset.done $0x0  }
0x26: {  	[sflag:s14] =	ssyncadd.s32 $0xFFFFEC00  }
.LBB2_1:
.Ltmp2:
0x27: {  	(pc) =	sbr.rel @!p0 .LBB2_2-.Ltmp2, $4  }
0x28: {  	[spmem:s13], [sflag:s6] =	dma.local [hbm:s5], $0x1400  }
0x29: {  	_ =	swait.ge [sflag:s14], $0x1400  }
0x2a: {  	[sflag:s14] =	ssyncset.done $0x0  }
0x2b: {  	s21 =	simm.s32 $0x0;
	[sflag:s14] =	ssyncadd.s32 $0xFFFFEC00  }
0x2c: {  	[tilespmem:s21], [sflag:$0x3] =	stream.linear.gather [hbm4b:s9+s21], $0x3600, $0x38;
	[tilespmem:$0x14C00] =	vst v63  }
0x2d: {  	_ =	swait.ge [sflag:s14], $0x3600  }
0x2e: {  	[sflag:s14] =	ssyncset.done $0x0  }
0x2f: {  	[sflag:s14] =	ssyncadd.s32 $0xFFFFCA00  }
0x30: {  	[tilespmem:s15], [sflag:$0x3] =	stream.linear.gather [hbm4b:s10+s21], $0x3600, $0x38;
	[tilespmem:$0x14C00] =	vst v63  }
0x31: {  	_ =	swait.ge [sflag:s14], $0x3600  }
0x32: {  	[sflag:s14] =	ssyncset.done $0x0  }
0x33: {  	[sflag:s14] =	ssyncadd.s32 $0xFFFFCA00  }
0x34: {  	[bflag:$0x0] =	sbarrier.arrive $0xFFFF  }
0x35: {  	[tilespmem:s17], [sflag:$0x1] =	stream.indirect.gather [hbm4b:s4+s16], $0x40, s21, s16, $0xb8;
	[tilespmem:$0x14C00] =	vst v63  }
0x36: {  	_ = 	snop  }
0x37: {  	[tilespmem:s18], [sflag:$0x2] =	stream.indirect.gather [hbm4b:s4+s16], $0x40, s16, s16, $0xb8;
	[tilespmem:$0x14C00] =	vst v63  }
0x38: {  	_ =	swait.ge [sflag:s19], $0x2000  }
0x39: {  	[sflag:s19] =	ssyncset.done $0x0  }
0x3a: {  	s29 =	simm.s32 $0x3600;
	[sflag:s19] =	ssyncadd.s32 $0xFFFFE000  }
0x3b: {  	[spmem:s2] =	stream.indirect.scatter.add.f32 [tilespmem:s17], [sflag:$0x3], $0x40, s29, s16, $0xb8;
	[tilespmem:$0x14C00] =	vst v63  }
0x3c: {  	_ =	swait.ge [sflag:s14], $0x2000  }
0x3d: {  	[sflag:s14] =	ssyncset.done $0x0  }
0x3e: {  	s30 =	simm.s32 $0x100;
	[sflag:s14] =	ssyncadd.s32 $0xFFFFE000  }
0x3f: {  	[tilespmem:s17], [sflag:$0x1] =	stream.indirect.gather [hbm4b:s4+s16], $0x40, s30, s16, $0xb8;
	[tilespmem:$0x14C00] =	vst v63  }
0x40: {  	_ =	swait.ge [sflag:s20], $0x2000  }
0x41: {  	p1 =	por $0x0, $0x0;
	[sflag:s20] =	ssyncset.done $0x0  }
.Ltmp3:
0x42: {  	s31 =	simm.s32 $0x3680;
	[sflag:s20] =	ssyncadd.s32 $0xFFFFE000;
	(pc) =	sbr.rel @p1 .LBB2_7-.Ltmp3, $4  }
0x43: {  	[spmem:s2] =	stream.indirect.scatter.add.f32 [tilespmem:s18], [sflag:$0x3], $0x40, s31, s16, $0xb8;
	[tilespmem:$0x14C00] =	vst v63  }
0x44: {  	_ =	swait.ge [sflag:s14], $0x2000  }
0x45: {  	[sflag:s14] =	ssyncset.done $0x0  }
0x46: {  	s22 =	simm.s32 $0x180;
	s21 =	simm.s32 $0x400;
	[sflag:s14] =	ssyncadd.s32 $0xFFFFE000  }
.LBB2_6:
0x47: {  	[tilespmem:s18], [sflag:$0x2] =	stream.indirect.gather [hbm4b:s4+s16], $0x40, s22, s16, $0xb8;
	[tilespmem:$0x14C00] =	vst v63  }
0x48: {  	s22 =	smov.u32 s21  }
0x49: {  	p1 =	seq.s32 s21, $0xD000;
	s21 =	sadd.s32 $0x400, s21;
	_ =	swait.ge [sflag:s19], $0x2000  }
0x4a: {  	s22 =	sshra.s32 s22, $0x2;
	[sflag:s19] =	ssyncset.done $0x0  }
0x4b: {  	s23 =	sadd.s32 $0x3600, s22;
	[sflag:s19] =	ssyncadd.s32 $0xFFFFE000  }
0x4c: {  	[spmem:s2] =	stream.indirect.scatter.add.f32 [tilespmem:s17], [sflag:$0x3], $0x40, s23, s16, $0xb8;
	[tilespmem:$0x14C00] =	vst v63  }
0x4d: {  	_ =	swait.ge [sflag:s14], $0x2000  }
0x4e: {  	[sflag:s14] =	ssyncset.done $0x0  }
0x4f: {  	s23 =	sadd.s32 $0x100, s22;
	[sflag:s14] =	ssyncadd.s32 $0xFFFFE000  }
0x50: {  	[tilespmem:s17], [sflag:$0x1] =	stream.indirect.gather [hbm4b:s4+s16], $0x40, s23, s16, $0xb8;
	[tilespmem:$0x14C00] =	vst v63  }
0x51: {  	_ =	swait.ge [sflag:s20], $0x2000  }
0x52: {  	[sflag:s20] =	ssyncset.done $0x0  }
.Ltmp4:
0x53: {  	s23 =	sadd.s32 $0x3680, s22;
	[sflag:s20] =	ssyncadd.s32 $0xFFFFE000;
	(pc) =	sbr.rel @!p1 .LBB2_6-.Ltmp4, $4  }
0x54: {  	[spmem:s2] =	stream.indirect.scatter.add.f32 [tilespmem:s18], [sflag:$0x3], $0x40, s23, s16, $0xb8;
	[tilespmem:$0x14C00] =	vst v63  }
0x55: {  	_ =	swait.ge [sflag:s14], $0x2000  }
0x56: {  	[sflag:s14] =	ssyncset.done $0x0  }
0x57: {  	s22 =	sadd.s32 $0x180, s22;
	[sflag:s14] =	ssyncadd.s32 $0xFFFFE000  }
.Ltmp5:
0x58: {  	_ = 	snop;
	(pc) =	sbr.rel .LBB2_7-.Ltmp5, $1  }
0x59: {  	_ =	sdelay $0x3  }
.LBB2_2:
0x5a: {  	[tilespmem:s21], [sflag:$0x3] =	stream.linear.gather [hbm4b:s7+s21], $0x1900, $0x38;
	[tilespmem:$0x14C00] =	vst v63  }
0x5b: {  	_ =	swait.ge [sflag:s14], $0x1900  }
0x5c: {  	[sflag:s14] =	ssyncset.done $0x0  }
0x5d: {  	[sflag:s14] =	ssyncadd.s32 $0xFFFFE700  }
0x5e: {  	[tilespmem:s15], [sflag:$0x3] =	stream.linear.gather [hbm4b:s8+s21], $0x1900, $0x38;
	[tilespmem:$0x14C00] =	vst v63  }
0x5f: {  	_ =	swait.ge [sflag:s14], $0x1900  }
0x60: {  	[sflag:s14] =	ssyncset.done $0x0  }
0x61: {  	[sflag:s14] =	ssyncadd.s32 $0xFFFFE700  }
0x62: {  	[bflag:$0x0] =	sbarrier.arrive $0xFFFF  }
0x63: {  	[tilespmem:s17], [sflag:$0x1] =	stream.indirect.gather [hbm4b:s4+s16], $0x40, s21, s16, $0xb8;
	[tilespmem:$0x14C00] =	vst v63  }
0x64: {  	_ = 	snop  }
0x65: {  	[tilespmem:s18], [sflag:$0x2] =	stream.indirect.gather [hbm4b:s4+s16], $0x40, s16, s16, $0xb8;
	[tilespmem:$0x14C00] =	vst v63  }
0x66: {  	_ =	swait.ge [sflag:s19], $0x2000  }
0x67: {  	[sflag:s19] =	ssyncset.done $0x0  }
0x68: {  	s29 =	simm.s32 $0x3600;
	[sflag:s19] =	ssyncadd.s32 $0xFFFFE000  }
0x69: {  	[spmem:s2] =	stream.indirect.scatter.add.f32 [tilespmem:s17], [sflag:$0x3], $0x40, s29, s16, $0xb8;
	[tilespmem:$0x14C00] =	vst v63  }
0x6a: {  	_ =	swait.ge [sflag:s14], $0x2000  }
0x6b: {  	[sflag:s14] =	ssyncset.done $0x0  }
0x6c: {  	s30 =	simm.s32 $0x100;
	[sflag:s14] =	ssyncadd.s32 $0xFFFFE000  }
0x6d: {  	[tilespmem:s17], [sflag:$0x1] =	stream.indirect.gather [hbm4b:s4+s16], $0x40, s30, s16, $0xb8;
	[tilespmem:$0x14C00] =	vst v63  }
0x6e: {  	_ =	swait.ge [sflag:s20], $0x2000  }
0x6f: {  	[sflag:s20] =	ssyncset.done $0x0  }
0x70: {  	s31 =	simm.s32 $0x3680;
	[sflag:s20] =	ssyncadd.s32 $0xFFFFE000  }
0x71: {  	[spmem:s2] =	stream.indirect.scatter.add.f32 [tilespmem:s18], [sflag:$0x3], $0x40, s31, s16, $0xb8;
	[tilespmem:$0x14C00] =	vst v63  }
0x72: {  	_ =	swait.ge [sflag:s14], $0x2000  }
0x73: {  	[sflag:s14] =	ssyncset.done $0x0  }
0x74: {  	s22 =	simm.s32 $0x180;
	s21 =	simm.s32 $0x400;
	[sflag:s14] =	ssyncadd.s32 $0xFFFFE000  }
.LBB2_3:
0x75: {  	[tilespmem:s18], [sflag:$0x2] =	stream.indirect.gather [hbm4b:s4+s16], $0x40, s22, s16, $0xb8;
	[tilespmem:$0x14C00] =	vst v63  }
0x76: {  	s22 =	smov.u32 s21  }
0x77: {  	p1 =	sne.s32 s21, $0x5C00;
	s21 =	sadd.s32 $0x400, s21;
	_ =	swait.ge [sflag:s19], $0x2000  }
0x78: {  	s22 =	sshra.s32 s22, $0x2;
	[sflag:s19] =	ssyncset.done $0x0  }
0x79: {  	s23 =	sadd.s32 $0x3600, s22;
	[sflag:s19] =	ssyncadd.s32 $0xFFFFE000  }
0x7a: {  	[spmem:s2] =	stream.indirect.scatter.add.f32 [tilespmem:s17], [sflag:$0x3], $0x40, s23, s16, $0xb8;
	[tilespmem:$0x14C00] =	vst v63  }
0x7b: {  	_ =	swait.ge [sflag:s14], $0x2000  }
0x7c: {  	[sflag:s14] =	ssyncset.done $0x0  }
0x7d: {  	s23 =	sadd.s32 $0x100, s22;
	[sflag:s14] =	ssyncadd.s32 $0xFFFFE000  }
0x7e: {  	[tilespmem:s17], [sflag:$0x1] =	stream.indirect.gather [hbm4b:s4+s16], $0x40, s23, s16, $0xb8;
	[tilespmem:$0x14C00] =	vst v63  }
0x7f: {  	_ =	swait.ge [sflag:s20], $0x2000  }
0x80: {  	[sflag:s20] =	ssyncset.done $0x0  }
.Ltmp6:
0x81: {  	s23 =	sadd.s32 $0x3680, s22;
	[sflag:s20] =	ssyncadd.s32 $0xFFFFE000;
	(pc) =	sbr.rel @p1 .LBB2_3-.Ltmp6, $4  }
0x82: {  	[spmem:s2] =	stream.indirect.scatter.add.f32 [tilespmem:s18], [sflag:$0x3], $0x40, s23, s16, $0xb8;
	[tilespmem:$0x14C00] =	vst v63  }
0x83: {  	_ =	swait.ge [sflag:s14], $0x2000  }
0x84: {  	[sflag:s14] =	ssyncset.done $0x0  }
0x85: {  	s22 =	sadd.s32 $0x180, s22;
	[sflag:s14] =	ssyncadd.s32 $0xFFFFE000  }
.Ltmp7:
0x86: {  	(pc) =	sbr.rel .LBB2_8-.Ltmp7, $3  }
0x87: {  	_ =	sdelay $0x1  }
0x88: {  	[tilespmem:s18], [sflag:$0x2] =	stream.indirect.gather [hbm4b:s4+s16], $0x40, s22, s16, $0xb8;
	[tilespmem:$0x14C00] =	vst v63  }
0x89: {  	s21 =	simm.s32 $0x4E80;
	s22 =	simm.s32 $0x4E00  }
.LBB2_9:
0x8a: {  	_ =	sfence.sel $0x180000  }
0x8b: {  	[bflag:$0x0] =	sbarrier.arrive $0xFFFF  }
0x8c: {  	p0 =	sne.s32 s1, $0x0;
	_ =	strace $0x9000004A  }
0x8d: {  	s0 =	sadd.s32 @!p0 $0x100000, s0;
	[bflag:$0x2] =	sbarrier.arrive $0xFFFF  }
0x8e: {  	[sflag:s0] =	ssyncadd.tile.s32 @!p0 $0x1;
	_ =	shalt  }
.Lfunc_end2:
_tile_overlayer_lowered:
.L_overlay_start_2:
0x8f: {  	(tag) =	ssettag $0x2  }
0x90: {  	s0 =	rddreg [dreg:$0x0];
	s2 =	stileid.u32  }
0x91: {  	s1 =	rddreg [dreg:$0x1];
	p0 =	sne.s32 s2, $0x0  }
0x92: {  	s3 =	rddreg [dreg:$0x2];
	[bflag:$0x3] =	sbarrier.arrive $0xFFFF;
	s2 =	simm.s32 @!p0 $0x1C03  }
0x93: {  	[timem:s3], [sflag:s2] =	dma.local @!p0 [hbm:s0], s1  }
0x94: {  	s0 =	simm.s32 @!p0 $0x3  }
0x95: {  	_ =	swait.ge @!p0 [sflag:s0], s1  }
0x96: {  	s1 =	ssub.s32 @!p0 $0x0, s1;
	[sflag:s0] =	ssyncset.done @!p0 $0x0  }
0x97: {  	[sflag:s0] =	ssyncadd.s32 @!p0 s1  }
0x98: {  	[bflag:$0x3] =	sbarrier.arrive $0xFFFF  }
0x99: {  	_ =	shalt  }

</sc_bundles>
